<compile_context>
chip_gen: v7x
topology: tpu7x:2x2x1
jax: 0.10.2.dev20260603
libtpu: 0.0.44.dev20260713+nightly
codegen_flags: <defaults>
</compile_context>

<pallas_src>
import functools

import jax
import jax.numpy as jnp
from jax import lax
from jax.experimental import pallas as pl
from jax.experimental.pallas import tpu as pltpu
from jax.experimental.pallas import tpu_sc as plsc


SIZE = 32
CELLS = SIZE * SIZE
BS = 1024
E = 200
F = 64
IDX_SPLIT = 2
IDX_CHUNK = E // IDX_SPLIT
ZROWS = 128
ACTIVE_W = 22
BASE_B = BS // ACTIVE_W
EXTRA = BS - BASE_B * ACTIVE_W
MAXB = BASE_B + 1


def _make_sc_call():
    mesh = plsc.VectorSubcoreMesh(core_axis_name="c", subcore_axis_name="s")
    nc = mesh.num_cores

    @functools.partial(
        pl.kernel,
        out_type=jax.ShapeDtypeStruct((BS * CELLS, F), jnp.float32),
        mesh=mesh,
        compiler_params=pltpu.CompilerParams(use_tc_tiling_on_sc=False),
        scratch_types=[
            pltpu.VMEM((4, IDX_SPLIT, IDX_CHUNK), jnp.int32),
            pltpu.VMEM((2, E, F), jnp.float32),
            pltpu.VMEM_SHARED((ACTIVE_W, CELLS, F), jnp.float32),
            pltpu.VMEM((IDX_CHUNK, F), jnp.float32),
            pltpu.SemaphoreType.DMA,
            pltpu.SemaphoreType.DMA,
            pltpu.SemaphoreType.DMA,
            pltpu.SemaphoreType.DMA,
            pltpu.SemaphoreType.DMA,
            pltpu.SemaphoreType.DMA,
        ],
    )
    def sc_scatter(
        x_hbm,
        idx_hbm,
        zeros_hbm,
        out_hbm,
        idx_v,
        x_v,
        acc_sh,
        zeros_v,
        sem_i0,
        sem_i1,
        sem_x0,
        sem_x1,
        sem_o0,
        sem_o1,
    ):
        sid = lax.axis_index("s")
        wid = sid * nc + lax.axis_index("c")
        cnt = jnp.where(
            wid < ACTIVE_W, BASE_B + jnp.where(wid < EXTRA, 1, 0), 0
        )
        start = wid * BASE_B + jnp.minimum(wid, EXTRA)
        asid = jnp.minimum(sid, ACTIVE_W // nc - 1)
        sem_i = (sem_i0, sem_i1)
        sem_x = (sem_x0, sem_x1)
        sem_o = (sem_o0, sem_o1)

        def acc(p):
            return acc_sh.at[2 * asid + p]

        @pl.when(cnt > 0)
        def _():
            pltpu.sync_copy(zeros_hbm.at[pl.ds(0, IDX_CHUNK)], zeros_v)
            for p in range(2):
                for k in range(CELLS // ZROWS):
                    pltpu.sync_copy(zeros_hbm, acc(p).at[pl.ds(k * ZROWS, ZROWS)])

        def start_load(i, p):
            @pl.when(i < cnt)
            def _():
                b = start + i
                pltpu.async_copy(idx_hbm.at[b], idx_v.at[i % 4], sem_i[p])
                pltpu.async_copy(x_hbm.at[b], x_v.at[p], sem_x[p])

        def wait_load(p):
            pltpu.make_async_copy(idx_hbm.at[0], idx_v.at[0], sem_i[p]).wait()
            pltpu.make_async_copy(x_hbm.at[0], x_v.at[0], sem_x[p]).wait()

        def start_out(i, p):
            b = start + i
            pltpu.async_copy(
                acc(p), out_hbm.at[pl.ds(b * CELLS, CELLS)], sem_o[p]
            )

        def wait_out(p):
            pltpu.make_async_copy(
                acc(p), out_hbm.at[pl.ds(0, CELLS)], sem_o[p]
            ).wait()

        def rezero(i, p):
            slot = i % 4
            for j in range(IDX_SPLIT):
                pltpu.sync_copy(zeros_v, acc(p).at[idx_v.at[slot].at[j]])

        def scatter(i, p):
            slot = i % 4
            for j in range(IDX_SPLIT):
                pltpu.sync_copy(
                    x_v.at[p].at[pl.ds(j * IDX_CHUNK, IDX_CHUNK)],
                    acc(p).at[idx_v.at[slot].at[j]],
                    add=True,
                )

        start_load(jnp.int32(0), 0)
        start_load(jnp.int32(1), 1)

        def pair_body(k, carry):
            i0 = 2 * k
            i1 = 2 * k + 1

            @pl.when(jnp.logical_and(k >= 1, i0 < cnt))
            def _():
                wait_out(0)
                rezero(i0 - 2, 0)

            @pl.when(i0 < cnt)
            def _():
                wait_load(0)
                scatter(i0, 0)
                start_out(i0, 0)

            start_load(i0 + 2, 0)

            @pl.when(jnp.logical_and(k >= 1, i1 < cnt))
            def _():
                wait_out(1)
                rezero(i1 - 2, 1)

            @pl.when(i1 < cnt)
            def _():
                wait_load(1)
                scatter(i1, 1)
                start_out(i1, 1)

            start_load(i1 + 2, 1)

            return carry

        lax.fori_loop(0, (cnt + 1) // 2, pair_body, 0)

        @pl.when(cnt >= 1)
        def _():
            wait_out(0)

        @pl.when(cnt >= 2)
        def _():
            wait_out(1)

    return sc_scatter


def kernel(x, indices):
    idx32 = indices.astype(jnp.int32).reshape(BS, IDX_SPLIT, IDX_CHUNK)
    zeros = jnp.zeros((ZROWS, F), jnp.float32)
    out = _make_sc_call()(x, idx32, zeros)
    return out.reshape(BS, SIZE, SIZE, F)

# --- scband reference (transcript-rebuilt; emitter-appended) ---
"""Pipeline reference for scband-scatter-embedding-20392504722110 (READ-ONLY COPY).

The authoritative reference and input builder live on the scoring server;
editing this copy changes nothing except your own understanding.
"""

import jax, jax.numpy as jnp
import numpy as np

SIZE = 32

def setup_inputs(seed: int = 0) -> dict:
    key = jax.random.key(seed)
    k1, k2 = jax.random.split(key)
    x = jax.random.normal(k1, (1024, 200, 64), dtype=jnp.float32)
    indices = jax.random.randint(k2, (1024, 200), 0, SIZE * SIZE, dtype=jnp.int64)
    return {"x": x, "indices": indices}

def reference(x, indices):
    BS, entities, features = x.shape
    size = SIZE
    idx = jnp.reshape(indices, (BS, entities)).astype(jnp.int32)
    # indices_name != 'global_indices': clamp out-of-range cells to a large negative
    # sentinel so they are dropped by the scatter (TF scatter_nd drops OOB indices).
    sentinel = -(size * size * BS - 1)
    idx = jnp.where(idx >= 0, idx, sentinel)
    idx = jnp.where(idx <= size * size - 1, idx, sentinel)
    xf = jnp.reshape(x, (BS * entities, features))
    a_rows = jnp.expand_dims(jnp.arange(BS, dtype=jnp.int32), 1) * (size * size)
    idx = idx + a_rows
    idx = jnp.reshape(idx, (BS * entities,))
    scattered = jnp.zeros((BS * size * size, features), dtype=x.dtype)
    scattered = scattered.at[idx].add(xf, mode="drop")
    return jnp.reshape(scattered, (BS, size, size, features))

if __name__ == "__main__":
    import jax
    _d = setup_inputs()
    print(jax.jit(kernel)(*tuple(_d.values())))

</pallas_src>

<mosaic_0001>
#map = affine_map<(d0, d1) -> (0, 0, 0)>
#map1 = affine_map<(d0, d1) -> (0, 0)>
module attributes {stable_mosaic.version = 14 : i64} {
  func.func @sc_scatter(%arg0: i32, %arg1: i32, %arg2: memref<1024x200x64xf32, #tpu.memory_space<hbm>>, %arg3: memref<1024x2x100xi32, #tpu.memory_space<hbm>>, %arg4: memref<128x64xf32, #tpu.memory_space<hbm>>, %arg5: memref<1048576x64xf32, #tpu.memory_space<hbm>>, %arg6: memref<4x2x100xi32, #tpu.memory_space<vmem>>, %arg7: memref<2x200x64xf32, #tpu.memory_space<vmem>>, %arg8: memref<22x1024x64xf32, #tpu.memory_space<vmem_shared>>, %arg9: memref<100x64xf32, #tpu.memory_space<vmem>>, %arg10: memref<!tpu.dma_semaphore, #tpu.memory_space<semaphore_mem>>, %arg11: memref<!tpu.dma_semaphore, #tpu.memory_space<semaphore_mem>>, %arg12: memref<!tpu.dma_semaphore, #tpu.memory_space<semaphore_mem>>, %arg13: memref<!tpu.dma_semaphore, #tpu.memory_space<semaphore_mem>>, %arg14: memref<!tpu.dma_semaphore, #tpu.memory_space<semaphore_mem>>, %arg15: memref<!tpu.dma_semaphore, #tpu.memory_space<semaphore_mem>>) attributes {dimension_semantics = [#tpu.dimension_semantics<core_parallel>, #tpu.dimension_semantics<subcore_parallel>], iteration_bounds = array<i64: 2, 16>, scalar_prefetch = 0 : i64, scratch_operands = 10 : i64, tpu.core_type = #tpu.core_type<sc_vector_subcore>, window_params = [{transform_indices = #map}, {transform_indices = #map}, {transform_indices = #map1}, {transform_indices = #map1}]} {
    %mul3A = arith.constant 2 : i32
    %mul3A_0 = arith.muli %arg1, %mul3A : i32
    %add3A = arith.addi %mul3A_0, %arg0 : i32
    %lt3A = arith.constant 22 : i32
    %lt3A_1 = arith.cmpi slt, %add3A, %lt3A : i32
    %lt3A_2 = arith.constant 12 : i32
    %lt3A_3 = arith.cmpi slt, %add3A, %lt3A_2 : i32
    %jit3A = arith.constant 1 : i32
    %jit3A_4 = arith.constant 0 : i32
    %select_n3A = arith.select %lt3A_3, %jit3A, %jit3A_4 : i32
    %add3A_5 = arith.constant 46 : i32
    %add3A_6 = arith.addi %add3A_5, %select_n3A : i32
    %jit3A_7 = arith.constant 0 : i32
    %select_n3A_8 = arith.select %lt3A_1, %add3A_6, %jit3A_7 : i32
    %mul3A_9 = arith.constant 46 : i32
    %mul3A_10 = arith.muli %add3A, %mul3A_9 : i32
    %min3A = arith.constant 12 : i32
    %min3A_11 = arith.minsi %add3A, %min3A : i32
    %add3A_12 = arith.addi %mul3A_10, %min3A_11 : i32
    %min3A_13 = arith.constant 10 : i32
    %min3A_14 = arith.minsi %arg1, %min3A_13 : i32
    %gt3A = arith.constant 0 : i32
    %gt3A_15 = arith.cmpi sgt, %select_n3A_8, %gt3A : i32
    %convert_element_type3A = arith.extui %gt3A_15 : i1 to i32
    %cond3A = arith.constant 0 : i32
    %cond3A_16 = arith.cmpi ne, %convert_element_type3A, %cond3A : i32
    scf.if %cond3A_16 {
      "tpu.region"() ({
        %run_scoped3A = tpu.sem_alloc : memref<!tpu.dma_semaphore, #tpu.memory_space<semaphore_mem>>
        %dma_start3A = arith.constant 0 : i32
        %dma_start3A_131 = arith.constant 0 : i32
        %dma_start3A_132 = tpu.memref_slice %arg4[%dma_start3A, %dma_start3A_131] : memref<128x64xf32, #tpu.memory_space<hbm>> -> memref<100x64xf32, #tpu.memory_space<hbm>>
        %dma_start3A_133 = arith.constant 0 : i32
        %dma_start3A_134 = arith.constant 0 : i32
        %dma_start3A_135 = tpu.memref_slice %arg4[%dma_start3A_133, %dma_start3A_134] : memref<128x64xf32, #tpu.memory_space<hbm>> -> memref<100x64xf32, #tpu.memory_space<hbm>>
        tpu.enqueue_dma source(%dma_start3A_135 : memref<100x64xf32, #tpu.memory_space<hbm>>) target(%arg9 : memref<100x64xf32, #tpu.memory_space<vmem>>) target_semaphore(%run_scoped3A : memref<!tpu.dma_semaphore, #tpu.memory_space<semaphore_mem>>)
        %dma_wait3A = arith.constant 0 : i32
        %dma_wait3A_136 = arith.constant 0 : i32
        %dma_wait3A_137 = tpu.memref_slice %arg4[%dma_wait3A, %dma_wait3A_136] : memref<128x64xf32, #tpu.memory_space<hbm>> -> memref<100x64xf32, #tpu.memory_space<hbm>>
        %dma_wait3A_138 = arith.constant 0 : i32
        %dma_wait3A_139 = arith.constant 0 : i32
        %dma_wait3A_140 = tpu.memref_slice %arg4[%dma_wait3A_138, %dma_wait3A_139] : memref<128x64xf32, #tpu.memory_space<hbm>> -> memref<100x64xf32, #tpu.memory_space<hbm>>
        tpu.wait_dma2 semaphore(%run_scoped3A : memref<!tpu.dma_semaphore, #tpu.memory_space<semaphore_mem>>) src(%dma_wait3A_140 : memref<100x64xf32, #tpu.memory_space<hbm>>) dst(%arg9 : memref<100x64xf32, #tpu.memory_space<vmem>>)
        tpu.yield
      }) : () -> ()
      %mul3A_67 = arith.constant 2 : i32
      %mul3A_68 = arith.muli %mul3A_67, %min3A_14 : i32
      %add3A_69 = arith.constant 0 : i32
      %add3A_70 = arith.addi %mul3A_68, %add3A_69 : i32
      "tpu.region"() ({
        %run_scoped3A = tpu.sem_alloc : memref<!tpu.dma_semaphore, #tpu.memory_space<semaphore_mem>>
        %dma_start3A = arith.constant 0 : i32
        %dma_start3A_131 = arith.constant 0 : i32
        %dma_start3A_132 = tpu.memref_slice %arg8[%add3A_70, %dma_start3A, %dma_start3A_131] : memref<22x1024x64xf32, #tpu.memory_space<vmem_shared>> -> memref<1x1024x64xf32, #tpu.memory_space<vmem_shared>>
        %dma_start3A_133 = tpu.memref_squeeze %dma_start3A_132 : memref<1x1024x64xf32, #tpu.memory_space<vmem_shared>> -> memref<1024x64xf32, #tpu.memory_space<vmem_shared>>
        %dma_start3A_134 = arith.constant 0 : i32
        %dma_start3A_135 = arith.constant 0 : i32
        %dma_start3A_136 = tpu.memref_slice %dma_start3A_133[%dma_start3A_134, %dma_start3A_135] : memref<1024x64xf32, #tpu.memory_space<vmem_shared>> -> memref<128x64xf32, #tpu.memory_space<vmem_shared>>
        tpu.enqueue_dma source(%arg4 : memref<128x64xf32, #tpu.memory_space<hbm>>) target(%dma_start3A_136 : memref<128x64xf32, #tpu.memory_space<vmem_shared>>) target_semaphore(%run_scoped3A : memref<!tpu.dma_semaphore, #tpu.memory_space<semaphore_mem>>)
        %dma_wait3A = arith.constant 0 : i32
        %dma_wait3A_137 = arith.constant 0 : i32
        %dma_wait3A_138 = tpu.memref_slice %arg8[%add3A_70, %dma_wait3A, %dma_wait3A_137] : memref<22x1024x64xf32, #tpu.memory_space<vmem_shared>> -> memref<1x1024x64xf32, #tpu.memory_space<vmem_shared>>
        %dma_wait3A_139 = tpu.memref_squeeze %dma_wait3A_138 : memref<1x1024x64xf32, #tpu.memory_space<vmem_shared>> -> memref<1024x64xf32, #tpu.memory_space<vmem_shared>>
        %dma_wait3A_140 = arith.constant 0 : i32
        %dma_wait3A_141 = arith.constant 0 : i32
        %dma_wait3A_142 = tpu.memref_slice %dma_wait3A_139[%dma_wait3A_140, %dma_wait3A_141] : memref<1024x64xf32, #tpu.memory_space<vmem_shared>> -> memref<128x64xf32, #tpu.memory_space<vmem_shared>>
        tpu.wait_dma2 semaphore(%run_scoped3A : memref<!tpu.dma_semaphore, #tpu.memory_space<semaphore_mem>>) src(%arg4 : memref<128x64xf32, #tpu.memory_space<hbm>>) dst(%dma_wait3A_142 : memref<128x64xf32, #tpu.memory_space<vmem_shared>>)
        tpu.yield
      }) : () -> ()
      %mul3A_71 = arith.constant 2 : i32
      %mul3A_72 = arith.muli %mul3A_71, %min3A_14 : i32
      %add3A_73 = arith.constant 0 : i32
      %add3A_74 = arith.addi %mul3A_72, %add3A_73 : i32
      "tpu.region"() ({
        %run_scoped3A = tpu.sem_alloc : memref<!tpu.dma_semaphore, #tpu.memory_space<semaphore_mem>>
        %dma_start3A = arith.constant 0 : i32
        %dma_start3A_131 = arith.constant 0 : i32
        %dma_start3A_132 = tpu.memref_slice %arg8[%add3A_74, %dma_start3A, %dma_start3A_131] : memref<22x1024x64xf32, #tpu.memory_space<vmem_shared>> -> memref<1x1024x64xf32, #tpu.memory_space<vmem_shared>>
        %dma_start3A_133 = tpu.memref_squeeze %dma_start3A_132 : memref<1x1024x64xf32, #tpu.memory_space<vmem_shared>> -> memref<1024x64xf32, #tpu.memory_space<vmem_shared>>
        %dma_start3A_134 = arith.constant 128 : i32
        %dma_start3A_135 = arith.constant 0 : i32
        %dma_start3A_136 = tpu.memref_slice %dma_start3A_133[%dma_start3A_134, %dma_start3A_135] : memref<1024x64xf32, #tpu.memory_space<vmem_shared>> -> memref<128x64xf32, #tpu.memory_space<vmem_shared>>
        tpu.enqueue_dma source(%arg4 : memref<128x64xf32, #tpu.memory_space<hbm>>) target(%dma_start3A_136 : memref<128x64xf32, #tpu.memory_space<vmem_shared>>) target_semaphore(%run_scoped3A : memref<!tpu.dma_semaphore, #tpu.memory_space<semaphore_mem>>)
        %dma_wait3A = arith.constant 0 : i32
        %dma_wait3A_137 = arith.constant 0 : i32
        %dma_wait3A_138 = tpu.memref_slice %arg8[%add3A_74, %dma_wait3A, %dma_wait3A_137] : memref<22x1024x64xf32, #tpu.memory_space<vmem_shared>> -> memref<1x1024x64xf32, #tpu.memory_space<vmem_shared>>
        %dma_wait3A_139 = tpu.memref_squeeze %dma_wait3A_138 : memref<1x1024x64xf32, #tpu.memory_space<vmem_shared>> -> memref<1024x64xf32, #tpu.memory_space<vmem_shared>>
        %dma_wait3A_140 = arith.constant 128 : i32
        %dma_wait3A_141 = arith.constant 0 : i32
        %dma_wait3A_142 = tpu.memref_slice %dma_wait3A_139[%dma_wait3A_140, %dma_wait3A_141] : memref<1024x64xf32, #tpu.memory_space<vmem_shared>> -> memref<128x64xf32, #tpu.memory_space<vmem_shared>>
        tpu.wait_dma2 semaphore(%run_scoped3A : memref<!tpu.dma_semaphore, #tpu.memory_space<semaphore_mem>>) src(%arg4 : memref<128x64xf32, #tpu.memory_space<hbm>>) dst(%dma_wait3A_142 : memref<128x64xf32, #tpu.memory_space<vmem_shared>>)
        tpu.yield
      }) : () -> ()
      %mul3A_75 = arith.constant 2 : i32
      %mul3A_76 = arith.muli %mul3A_75, %min3A_14 : i32
      %add3A_77 = arith.constant 0 : i32
      %add3A_78 = arith.addi %mul3A_76, %add3A_77 : i32
      "tpu.region"() ({
        %run_scoped3A = tpu.sem_alloc : memref<!tpu.dma_semaphore, #tpu.memory_space<semaphore_mem>>
        %dma_start3A = arith.constant 0 : i32
        %dma_start3A_131 = arith.constant 0 : i32
        %dma_start3A_132 = tpu.memref_slice %arg8[%add3A_78, %dma_start3A, %dma_start3A_131] : memref<22x1024x64xf32, #tpu.memory_space<vmem_shared>> -> memref<1x1024x64xf32, #tpu.memory_space<vmem_shared>>
        %dma_start3A_133 = tpu.memref_squeeze %dma_start3A_132 : memref<1x1024x64xf32, #tpu.memory_space<vmem_shared>> -> memref<1024x64xf32, #tpu.memory_space<vmem_shared>>
        %dma_start3A_134 = arith.constant 256 : i32
        %dma_start3A_135 = arith.constant 0 : i32
        %dma_start3A_136 = tpu.memref_slice %dma_start3A_133[%dma_start3A_134, %dma_start3A_135] : memref<1024x64xf32, #tpu.memory_space<vmem_shared>> -> memref<128x64xf32, #tpu.memory_space<vmem_shared>>
        tpu.enqueue_dma source(%arg4 : memref<128x64xf32, #tpu.memory_space<hbm>>) target(%dma_start3A_136 : memref<128x64xf32, #tpu.memory_space<vmem_shared>>) target_semaphore(%run_scoped3A : memref<!tpu.dma_semaphore, #tpu.memory_space<semaphore_mem>>)
        %dma_wait3A = arith.constant 0 : i32
        %dma_wait3A_137 = arith.constant 0 : i32
        %dma_wait3A_138 = tpu.memref_slice %arg8[%add3A_78, %dma_wait3A, %dma_wait3A_137] : memref<22x1024x64xf32, #tpu.memory_space<vmem_shared>> -> memref<1x1024x64xf32, #tpu.memory_space<vmem_shared>>
        %dma_wait3A_139 = tpu.memref_squeeze %dma_wait3A_138 : memref<1x1024x64xf32, #tpu.memory_space<vmem_shared>> -> memref<1024x64xf32, #tpu.memory_space<vmem_shared>>
        %dma_wait3A_140 = arith.constant 256 : i32
        %dma_wait3A_141 = arith.constant 0 : i32
        %dma_wait3A_142 = tpu.memref_slice %dma_wait3A_139[%dma_wait3A_140, %dma_wait3A_141] : memref<1024x64xf32, #tpu.memory_space<vmem_shared>> -> memref<128x64xf32, #tpu.memory_space<vmem_shared>>
        tpu.wait_dma2 semaphore(%run_scoped3A : memref<!tpu.dma_semaphore, #tpu.memory_space<semaphore_mem>>) src(%arg4 : memref<128x64xf32, #tpu.memory_space<hbm>>) dst(%dma_wait3A_142 : memref<128x64xf32, #tpu.memory_space<vmem_shared>>)
        tpu.yield
      }) : () -> ()
      %mul3A_79 = arith.constant 2 : i32
      %mul3A_80 = arith.muli %mul3A_79, %min3A_14 : i32
      %add3A_81 = arith.constant 0 : i32
      %add3A_82 = arith.addi %mul3A_80, %add3A_81 : i32
      "tpu.region"() ({
        %run_scoped3A = tpu.sem_alloc : memref<!tpu.dma_semaphore, #tpu.memory_space<semaphore_mem>>
        %dma_start3A = arith.constant 0 : i32
        %dma_start3A_131 = arith.constant 0 : i32
        %dma_start3A_132 = tpu.memref_slice %arg8[%add3A_82, %dma_start3A, %dma_start3A_131] : memref<22x1024x64xf32, #tpu.memory_space<vmem_shared>> -> memref<1x1024x64xf32, #tpu.memory_space<vmem_shared>>
        %dma_start3A_133 = tpu.memref_squeeze %dma_start3A_132 : memref<1x1024x64xf32, #tpu.memory_space<vmem_shared>> -> memref<1024x64xf32, #tpu.memory_space<vmem_shared>>
        %dma_start3A_134 = arith.constant 384 : i32
        %dma_start3A_135 = arith.constant 0 : i32
        %dma_start3A_136 = tpu.memref_slice %dma_start3A_133[%dma_start3A_134, %dma_start3A_135] : memref<1024x64xf32, #tpu.memory_space<vmem_shared>> -> memref<128x64xf32, #tpu.memory_space<vmem_shared>>
        tpu.enqueue_dma source(%arg4 : memref<128x64xf32, #tpu.memory_space<hbm>>) target(%dma_start3A_136 : memref<128x64xf32, #tpu.memory_space<vmem_shared>>) target_semaphore(%run_scoped3A : memref<!tpu.dma_semaphore, #tpu.memory_space<semaphore_mem>>)
        %dma_wait3A = arith.constant 0 : i32
        %dma_wait3A_137 = arith.constant 0 : i32
        %dma_wait3A_138 = tpu.memref_slice %arg8[%add3A_82, %dma_wait3A, %dma_wait3A_137] : memref<22x1024x64xf32, #tpu.memory_space<vmem_shared>> -> memref<1x1024x64xf32, #tpu.memory_space<vmem_shared>>
        %dma_wait3A_139 = tpu.memref_squeeze %dma_wait3A_138 : memref<1x1024x64xf32, #tpu.memory_space<vmem_shared>> -> memref<1024x64xf32, #tpu.memory_space<vmem_shared>>
        %dma_wait3A_140 = arith.constant 384 : i32
        %dma_wait3A_141 = arith.constant 0 : i32
        %dma_wait3A_142 = tpu.memref_slice %dma_wait3A_139[%dma_wait3A_140, %dma_wait3A_141] : memref<1024x64xf32, #tpu.memory_space<vmem_shared>> -> memref<128x64xf32, #tpu.memory_space<vmem_shared>>
        tpu.wait_dma2 semaphore(%run_scoped3A : memref<!tpu.dma_semaphore, #tpu.memory_space<semaphore_mem>>) src(%arg4 : memref<128x64xf32, #tpu.memory_space<hbm>>) dst(%dma_wait3A_142 : memref<128x64xf32, #tpu.memory_space<vmem_shared>>)
        tpu.yield
      }) : () -> ()
      %mul3A_83 = arith.constant 2 : i32
      %mul3A_84 = arith.muli %mul3A_83, %min3A_14 : i32
      %add3A_85 = arith.constant 0 : i32
      %add3A_86 = arith.addi %mul3A_84, %add3A_85 : i32
      "tpu.region"() ({
        %run_scoped3A = tpu.sem_alloc : memref<!tpu.dma_semaphore, #tpu.memory_space<semaphore_mem>>
        %dma_start3A = arith.constant 0 : i32
        %dma_start3A_131 = arith.constant 0 : i32
        %dma_start3A_132 = tpu.memref_slice %arg8[%add3A_86, %dma_start3A, %dma_start3A_131] : memref<22x1024x64xf32, #tpu.memory_space<vmem_shared>> -> memref<1x1024x64xf32, #tpu.memory_space<vmem_shared>>
        %dma_start3A_133 = tpu.memref_squeeze %dma_start3A_132 : memref<1x1024x64xf32, #tpu.memory_space<vmem_shared>> -> memref<1024x64xf32, #tpu.memory_space<vmem_shared>>
        %dma_start3A_134 = arith.constant 512 : i32
        %dma_start3A_135 = arith.constant 0 : i32
        %dma_start3A_136 = tpu.memref_slice %dma_start3A_133[%dma_start3A_134, %dma_start3A_135] : memref<1024x64xf32, #tpu.memory_space<vmem_shared>> -> memref<128x64xf32, #tpu.memory_space<vmem_shared>>
        tpu.enqueue_dma source(%arg4 : memref<128x64xf32, #tpu.memory_space<hbm>>) target(%dma_start3A_136 : memref<128x64xf32, #tpu.memory_space<vmem_shared>>) target_semaphore(%run_scoped3A : memref<!tpu.dma_semaphore, #tpu.memory_space<semaphore_mem>>)
        %dma_wait3A = arith.constant 0 : i32
        %dma_wait3A_137 = arith.constant 0 : i32
        %dma_wait3A_138 = tpu.memref_slice %arg8[%add3A_86, %dma_wait3A, %dma_wait3A_137] : memref<22x1024x64xf32, #tpu.memory_space<vmem_shared>> -> memref<1x1024x64xf32, #tpu.memory_space<vmem_shared>>
        %dma_wait3A_139 = tpu.memref_squeeze %dma_wait3A_138 : memref<1x1024x64xf32, #tpu.memory_space<vmem_shared>> -> memref<1024x64xf32, #tpu.memory_space<vmem_shared>>
        %dma_wait3A_140 = arith.constant 512 : i32
        %dma_wait3A_141 = arith.constant 0 : i32
        %dma_wait3A_142 = tpu.memref_slice %dma_wait3A_139[%dma_wait3A_140, %dma_wait3A_141] : memref<1024x64xf32, #tpu.memory_space<vmem_shared>> -> memref<128x64xf32, #tpu.memory_space<vmem_shared>>
        tpu.wait_dma2 semaphore(%run_scoped3A : memref<!tpu.dma_semaphore, #tpu.memory_space<semaphore_mem>>) src(%arg4 : memref<128x64xf32, #tpu.memory_space<hbm>>) dst(%dma_wait3A_142 : memref<128x64xf32, #tpu.memory_space<vmem_shared>>)
        tpu.yield
      }) : () -> ()
      %mul3A_87 = arith.constant 2 : i32
      %mul3A_88 = arith.muli %mul3A_87, %min3A_14 : i32
      %add3A_89 = arith.constant 0 : i32
      %add3A_90 = arith.addi %mul3A_88, %add3A_89 : i32
      "tpu.region"() ({
        %run_scoped3A = tpu.sem_alloc : memref<!tpu.dma_semaphore, #tpu.memory_space<semaphore_mem>>
        %dma_start3A = arith.constant 0 : i32
        %dma_start3A_131 = arith.constant 0 : i32
        %dma_start3A_132 = tpu.memref_slice %arg8[%add3A_90, %dma_start3A, %dma_start3A_131] : memref<22x1024x64xf32, #tpu.memory_space<vmem_shared>> -> memref<1x1024x64xf32, #tpu.memory_space<vmem_shared>>
        %dma_start3A_133 = tpu.memref_squeeze %dma_start3A_132 : memref<1x1024x64xf32, #tpu.memory_space<vmem_shared>> -> memref<1024x64xf32, #tpu.memory_space<vmem_shared>>
        %dma_start3A_134 = arith.constant 640 : i32
        %dma_start3A_135 = arith.constant 0 : i32
        %dma_start3A_136 = tpu.memref_slice %dma_start3A_133[%dma_start3A_134, %dma_start3A_135] : memref<1024x64xf32, #tpu.memory_space<vmem_shared>> -> memref<128x64xf32, #tpu.memory_space<vmem_shared>>
        tpu.enqueue_dma source(%arg4 : memref<128x64xf32, #tpu.memory_space<hbm>>) target(%dma_start3A_136 : memref<128x64xf32, #tpu.memory_space<vmem_shared>>) target_semaphore(%run_scoped3A : memref<!tpu.dma_semaphore, #tpu.memory_space<semaphore_mem>>)
        %dma_wait3A = arith.constant 0 : i32
        %dma_wait3A_137 = arith.constant 0 : i32
        %dma_wait3A_138 = tpu.memref_slice %arg8[%add3A_90, %dma_wait3A, %dma_wait3A_137] : memref<22x1024x64xf32, #tpu.memory_space<vmem_shared>> -> memref<1x1024x64xf32, #tpu.memory_space<vmem_shared>>
        %dma_wait3A_139 = tpu.memref_squeeze %dma_wait3A_138 : memref<1x1024x64xf32, #tpu.memory_space<vmem_shared>> -> memref<1024x64xf32, #tpu.memory_space<vmem_shared>>
        %dma_wait3A_140 = arith.constant 640 : i32
        %dma_wait3A_141 = arith.constant 0 : i32
        %dma_wait3A_142 = tpu.memref_slice %dma_wait3A_139[%dma_wait3A_140, %dma_wait3A_141] : memref<1024x64xf32, #tpu.memory_space<vmem_shared>> -> memref<128x64xf32, #tpu.memory_space<vmem_shared>>
        tpu.wait_dma2 semaphore(%run_scoped3A : memref<!tpu.dma_semaphore, #tpu.memory_space<semaphore_mem>>) src(%arg4 : memref<128x64xf32, #tpu.memory_space<hbm>>) dst(%dma_wait3A_142 : memref<128x64xf32, #tpu.memory_space<vmem_shared>>)
        tpu.yield
      }) : () -> ()
      %mul3A_91 = arith.constant 2 : i32
      %mul3A_92 = arith.muli %mul3A_91, %min3A_14 : i32
      %add3A_93 = arith.constant 0 : i32
      %add3A_94 = arith.addi %mul3A_92, %add3A_93 : i32
      "tpu.region"() ({
        %run_scoped3A = tpu.sem_alloc : memref<!tpu.dma_semaphore, #tpu.memory_space<semaphore_mem>>
        %dma_start3A = arith.constant 0 : i32
        %dma_start3A_131 = arith.constant 0 : i32
        %dma_start3A_132 = tpu.memref_slice %arg8[%add3A_94, %dma_start3A, %dma_start3A_131] : memref<22x1024x64xf32, #tpu.memory_space<vmem_shared>> -> memref<1x1024x64xf32, #tpu.memory_space<vmem_shared>>
        %dma_start3A_133 = tpu.memref_squeeze %dma_start3A_132 : memref<1x1024x64xf32, #tpu.memory_space<vmem_shared>> -> memref<1024x64xf32, #tpu.memory_space<vmem_shared>>
        %dma_start3A_134 = arith.constant 768 : i32
        %dma_start3A_135 = arith.constant 0 : i32
        %dma_start3A_136 = tpu.memref_slice %dma_start3A_133[%dma_start3A_134, %dma_start3A_135] : memref<1024x64xf32, #tpu.memory_space<vmem_shared>> -> memref<128x64xf32, #tpu.memory_space<vmem_shared>>
        tpu.enqueue_dma source(%arg4 : memref<128x64xf32, #tpu.memory_space<hbm>>) target(%dma_start3A_136 : memref<128x64xf32, #tpu.memory_space<vmem_shared>>) target_semaphore(%run_scoped3A : memref<!tpu.dma_semaphore, #tpu.memory_space<semaphore_mem>>)
        %dma_wait3A = arith.constant 0 : i32
        %dma_wait3A_137 = arith.constant 0 : i32
        %dma_wait3A_138 = tpu.memref_slice %arg8[%add3A_94, %dma_wait3A, %dma_wait3A_137] : memref<22x1024x64xf32, #tpu.memory_space<vmem_shared>> -> memref<1x1024x64xf32, #tpu.memory_space<vmem_shared>>
        %dma_wait3A_139 = tpu.memref_squeeze %dma_wait3A_138 : memref<1x1024x64xf32, #tpu.memory_space<vmem_shared>> -> memref<1024x64xf32, #tpu.memory_space<vmem_shared>>
        %dma_wait3A_140 = arith.constant 768 : i32
        %dma_wait3A_141 = arith.constant 0 : i32
        %dma_wait3A_142 = tpu.memref_slice %dma_wait3A_139[%dma_wait3A_140, %dma_wait3A_141] : memref<1024x64xf32, #tpu.memory_space<vmem_shared>> -> memref<128x64xf32, #tpu.memory_space<vmem_shared>>
        tpu.wait_dma2 semaphore(%run_scoped3A : memref<!tpu.dma_semaphore, #tpu.memory_space<semaphore_mem>>) src(%arg4 : memref<128x64xf32, #tpu.memory_space<hbm>>) dst(%dma_wait3A_142 : memref<128x64xf32, #tpu.memory_space<vmem_shared>>)
        tpu.yield
      }) : () -> ()
      %mul3A_95 = arith.constant 2 : i32
      %mul3A_96 = arith.muli %mul3A_95, %min3A_14 : i32
      %add3A_97 = arith.constant 0 : i32
      %add3A_98 = arith.addi %mul3A_96, %add3A_97 : i32
      "tpu.region"() ({
        %run_scoped3A = tpu.sem_alloc : memref<!tpu.dma_semaphore, #tpu.memory_space<semaphore_mem>>
        %dma_start3A = arith.constant 0 : i32
        %dma_start3A_131 = arith.constant 0 : i32
        %dma_start3A_132 = tpu.memref_slice %arg8[%add3A_98, %dma_start3A, %dma_start3A_131] : memref<22x1024x64xf32, #tpu.memory_space<vmem_shared>> -> memref<1x1024x64xf32, #tpu.memory_space<vmem_shared>>
        %dma_start3A_133 = tpu.memref_squeeze %dma_start3A_132 : memref<1x1024x64xf32, #tpu.memory_space<vmem_shared>> -> memref<1024x64xf32, #tpu.memory_space<vmem_shared>>
        %dma_start3A_134 = arith.constant 896 : i32
        %dma_start3A_135 = arith.constant 0 : i32
        %dma_start3A_136 = tpu.memref_slice %dma_start3A_133[%dma_start3A_134, %dma_start3A_135] : memref<1024x64xf32, #tpu.memory_space<vmem_shared>> -> memref<128x64xf32, #tpu.memory_space<vmem_shared>>
        tpu.enqueue_dma source(%arg4 : memref<128x64xf32, #tpu.memory_space<hbm>>) target(%dma_start3A_136 : memref<128x64xf32, #tpu.memory_space<vmem_shared>>) target_semaphore(%run_scoped3A : memref<!tpu.dma_semaphore, #tpu.memory_space<semaphore_mem>>)
        %dma_wait3A = arith.constant 0 : i32
        %dma_wait3A_137 = arith.constant 0 : i32
        %dma_wait3A_138 = tpu.memref_slice %arg8[%add3A_98, %dma_wait3A, %dma_wait3A_137] : memref<22x1024x64xf32, #tpu.memory_space<vmem_shared>> -> memref<1x1024x64xf32, #tpu.memory_space<vmem_shared>>
        %dma_wait3A_139 = tpu.memref_squeeze %dma_wait3A_138 : memref<1x1024x64xf32, #tpu.memory_space<vmem_shared>> -> memref<1024x64xf32, #tpu.memory_space<vmem_shared>>
        %dma_wait3A_140 = arith.constant 896 : i32
        %dma_wait3A_141 = arith.constant 0 : i32
        %dma_wait3A_142 = tpu.memref_slice %dma_wait3A_139[%dma_wait3A_140, %dma_wait3A_141] : memref<1024x64xf32, #tpu.memory_space<vmem_shared>> -> memref<128x64xf32, #tpu.memory_space<vmem_shared>>
        tpu.wait_dma2 semaphore(%run_scoped3A : memref<!tpu.dma_semaphore, #tpu.memory_space<semaphore_mem>>) src(%arg4 : memref<128x64xf32, #tpu.memory_space<hbm>>) dst(%dma_wait3A_142 : memref<128x64xf32, #tpu.memory_space<vmem_shared>>)
        tpu.yield
      }) : () -> ()
      %mul3A_99 = arith.constant 2 : i32
      %mul3A_100 = arith.muli %mul3A_99, %min3A_14 : i32
      %add3A_101 = arith.constant 1 : i32
      %add3A_102 = arith.addi %mul3A_100, %add3A_101 : i32
      "tpu.region"() ({
        %run_scoped3A = tpu.sem_alloc : memref<!tpu.dma_semaphore, #tpu.memory_space<semaphore_mem>>
        %dma_start3A = arith.constant 0 : i32
        %dma_start3A_131 = arith.constant 0 : i32
        %dma_start3A_132 = tpu.memref_slice %arg8[%add3A_102, %dma_start3A, %dma_start3A_131] : memref<22x1024x64xf32, #tpu.memory_space<vmem_shared>> -> memref<1x1024x64xf32, #tpu.memory_space<vmem_shared>>
        %dma_start3A_133 = tpu.memref_squeeze %dma_start3A_132 : memref<1x1024x64xf32, #tpu.memory_space<vmem_shared>> -> memref<1024x64xf32, #tpu.memory_space<vmem_shared>>
        %dma_start3A_134 = arith.constant 0 : i32
        %dma_start3A_135 = arith.constant 0 : i32
        %dma_start3A_136 = tpu.memref_slice %dma_start3A_133[%dma_start3A_134, %dma_start3A_135] : memref<1024x64xf32, #tpu.memory_space<vmem_shared>> -> memref<128x64xf32, #tpu.memory_space<vmem_shared>>
        tpu.enqueue_dma source(%arg4 : memref<128x64xf32, #tpu.memory_space<hbm>>) target(%dma_start3A_136 : memref<128x64xf32, #tpu.memory_space<vmem_shared>>) target_semaphore(%run_scoped3A : memref<!tpu.dma_semaphore, #tpu.memory_space<semaphore_mem>>)
        %dma_wait3A = arith.constant 0 : i32
        %dma_wait3A_137 = arith.constant 0 : i32
        %dma_wait3A_138 = tpu.memref_slice %arg8[%add3A_102, %dma_wait3A, %dma_wait3A_137] : memref<22x1024x64xf32, #tpu.memory_space<vmem_shared>> -> memref<1x1024x64xf32, #tpu.memory_space<vmem_shared>>
        %dma_wait3A_139 = tpu.memref_squeeze %dma_wait3A_138 : memref<1x1024x64xf32, #tpu.memory_space<vmem_shared>> -> memref<1024x64xf32, #tpu.memory_space<vmem_shared>>
        %dma_wait3A_140 = arith.constant 0 : i32
        %dma_wait3A_141 = arith.constant 0 : i32
        %dma_wait3A_142 = tpu.memref_slice %dma_wait3A_139[%dma_wait3A_140, %dma_wait3A_141] : memref<1024x64xf32, #tpu.memory_space<vmem_shared>> -> memref<128x64xf32, #tpu.memory_space<vmem_shared>>
        tpu.wait_dma2 semaphore(%run_scoped3A : memref<!tpu.dma_semaphore, #tpu.memory_space<semaphore_mem>>) src(%arg4 : memref<128x64xf32, #tpu.memory_space<hbm>>) dst(%dma_wait3A_142 : memref<128x64xf32, #tpu.memory_space<vmem_shared>>)
        tpu.yield
      }) : () -> ()
      %mul3A_103 = arith.constant 2 : i32
      %mul3A_104 = arith.muli %mul3A_103, %min3A_14 : i32
      %add3A_105 = arith.constant 1 : i32
      %add3A_106 = arith.addi %mul3A_104, %add3A_105 : i32
      "tpu.region"() ({
        %run_scoped3A = tpu.sem_alloc : memref<!tpu.dma_semaphore, #tpu.memory_space<semaphore_mem>>
        %dma_start3A = arith.constant 0 : i32
        %dma_start3A_131 = arith.constant 0 : i32
        %dma_start3A_132 = tpu.memref_slice %arg8[%add3A_106, %dma_start3A, %dma_start3A_131] : memref<22x1024x64xf32, #tpu.memory_space<vmem_shared>> -> memref<1x1024x64xf32, #tpu.memory_space<vmem_shared>>
        %dma_start3A_133 = tpu.memref_squeeze %dma_start3A_132 : memref<1x1024x64xf32, #tpu.memory_space<vmem_shared>> -> memref<1024x64xf32, #tpu.memory_space<vmem_shared>>
        %dma_start3A_134 = arith.constant 128 : i32
        %dma_start3A_135 = arith.constant 0 : i32
        %dma_start3A_136 = tpu.memref_slice %dma_start3A_133[%dma_start3A_134, %dma_start3A_135] : memref<1024x64xf32, #tpu.memory_space<vmem_shared>> -> memref<128x64xf32, #tpu.memory_space<vmem_shared>>
        tpu.enqueue_dma source(%arg4 : memref<128x64xf32, #tpu.memory_space<hbm>>) target(%dma_start3A_136 : memref<128x64xf32, #tpu.memory_space<vmem_shared>>) target_semaphore(%run_scoped3A : memref<!tpu.dma_semaphore, #tpu.memory_space<semaphore_mem>>)
        %dma_wait3A = arith.constant 0 : i32
        %dma_wait3A_137 = arith.constant 0 : i32
        %dma_wait3A_138 = tpu.memref_slice %arg8[%add3A_106, %dma_wait3A, %dma_wait3A_137] : memref<22x1024x64xf32, #tpu.memory_space<vmem_shared>> -> memref<1x1024x64xf32, #tpu.memory_space<vmem_shared>>
        %dma_wait3A_139 = tpu.memref_squeeze %dma_wait3A_138 : memref<1x1024x64xf32, #tpu.memory_space<vmem_shared>> -> memref<1024x64xf32, #tpu.memory_space<vmem_shared>>
        %dma_wait3A_140 = arith.constant 128 : i32
        %dma_wait3A_141 = arith.constant 0 : i32
        %dma_wait3A_142 = tpu.memref_slice %dma_wait3A_139[%dma_wait3A_140, %dma_wait3A_141] : memref<1024x64xf32, #tpu.memory_space<vmem_shared>> -> memref<128x64xf32, #tpu.memory_space<vmem_shared>>
        tpu.wait_dma2 semaphore(%run_scoped3A : memref<!tpu.dma_semaphore, #tpu.memory_space<semaphore_mem>>) src(%arg4 : memref<128x64xf32, #tpu.memory_space<hbm>>) dst(%dma_wait3A_142 : memref<128x64xf32, #tpu.memory_space<vmem_shared>>)
        tpu.yield
      }) : () -> ()
      %mul3A_107 = arith.constant 2 : i32
      %mul3A_108 = arith.muli %mul3A_107, %min3A_14 : i32
      %add3A_109 = arith.constant 1 : i32
      %add3A_110 = arith.addi %mul3A_108, %add3A_109 : i32
      "tpu.region"() ({
        %run_scoped3A = tpu.sem_alloc : memref<!tpu.dma_semaphore, #tpu.memory_space<semaphore_mem>>
        %dma_start3A = arith.constant 0 : i32
        %dma_start3A_131 = arith.constant 0 : i32
        %dma_start3A_132 = tpu.memref_slice %arg8[%add3A_110, %dma_start3A, %dma_start3A_131] : memref<22x1024x64xf32, #tpu.memory_space<vmem_shared>> -> memref<1x1024x64xf32, #tpu.memory_space<vmem_shared>>
        %dma_start3A_133 = tpu.memref_squeeze %dma_start3A_132 : memref<1x1024x64xf32, #tpu.memory_space<vmem_shared>> -> memref<1024x64xf32, #tpu.memory_space<vmem_shared>>
        %dma_start3A_134 = arith.constant 256 : i32
        %dma_start3A_135 = arith.constant 0 : i32
        %dma_start3A_136 = tpu.memref_slice %dma_start3A_133[%dma_start3A_134, %dma_start3A_135] : memref<1024x64xf32, #tpu.memory_space<vmem_shared>> -> memref<128x64xf32, #tpu.memory_space<vmem_shared>>
        tpu.enqueue_dma source(%arg4 : memref<128x64xf32, #tpu.memory_space<hbm>>) target(%dma_start3A_136 : memref<128x64xf32, #tpu.memory_space<vmem_shared>>) target_semaphore(%run_scoped3A : memref<!tpu.dma_semaphore, #tpu.memory_space<semaphore_mem>>)
        %dma_wait3A = arith.constant 0 : i32
        %dma_wait3A_137 = arith.constant 0 : i32
        %dma_wait3A_138 = tpu.memref_slice %arg8[%add3A_110, %dma_wait3A, %dma_wait3A_137] : memref<22x1024x64xf32, #tpu.memory_space<vmem_shared>> -> memref<1x1024x64xf32, #tpu.memory_space<vmem_shared>>
        %dma_wait3A_139 = tpu.memref_squeeze %dma_wait3A_138 : memref<1x1024x64xf32, #tpu.memory_space<vmem_shared>> -> memref<1024x64xf32, #tpu.memory_space<vmem_shared>>
        %dma_wait3A_140 = arith.constant 256 : i32
        %dma_wait3A_141 = arith.constant 0 : i32
        %dma_wait3A_142 = tpu.memref_slice %dma_wait3A_139[%dma_wait3A_140, %dma_wait3A_141] : memref<1024x64xf32, #tpu.memory_space<vmem_shared>> -> memref<128x64xf32, #tpu.memory_space<vmem_shared>>
        tpu.wait_dma2 semaphore(%run_scoped3A : memref<!tpu.dma_semaphore, #tpu.memory_space<semaphore_mem>>) src(%arg4 : memref<128x64xf32, #tpu.memory_space<hbm>>) dst(%dma_wait3A_142 : memref<128x64xf32, #tpu.memory_space<vmem_shared>>)
        tpu.yield
      }) : () -> ()
      %mul3A_111 = arith.constant 2 : i32
      %mul3A_112 = arith.muli %mul3A_111, %min3A_14 : i32
      %add3A_113 = arith.constant 1 : i32
      %add3A_114 = arith.addi %mul3A_112, %add3A_113 : i32
      "tpu.region"() ({
        %run_scoped3A = tpu.sem_alloc : memref<!tpu.dma_semaphore, #tpu.memory_space<semaphore_mem>>
        %dma_start3A = arith.constant 0 : i32
        %dma_start3A_131 = arith.constant 0 : i32
        %dma_start3A_132 = tpu.memref_slice %arg8[%add3A_114, %dma_start3A, %dma_start3A_131] : memref<22x1024x64xf32, #tpu.memory_space<vmem_shared>> -> memref<1x1024x64xf32, #tpu.memory_space<vmem_shared>>
        %dma_start3A_133 = tpu.memref_squeeze %dma_start3A_132 : memref<1x1024x64xf32, #tpu.memory_space<vmem_shared>> -> memref<1024x64xf32, #tpu.memory_space<vmem_shared>>
        %dma_start3A_134 = arith.constant 384 : i32
        %dma_start3A_135 = arith.constant 0 : i32
        %dma_start3A_136 = tpu.memref_slice %dma_start3A_133[%dma_start3A_134, %dma_start3A_135] : memref<1024x64xf32, #tpu.memory_space<vmem_shared>> -> memref<128x64xf32, #tpu.memory_space<vmem_shared>>
        tpu.enqueue_dma source(%arg4 : memref<128x64xf32, #tpu.memory_space<hbm>>) target(%dma_start3A_136 : memref<128x64xf32, #tpu.memory_space<vmem_shared>>) target_semaphore(%run_scoped3A : memref<!tpu.dma_semaphore, #tpu.memory_space<semaphore_mem>>)
        %dma_wait3A = arith.constant 0 : i32
        %dma_wait3A_137 = arith.constant 0 : i32
        %dma_wait3A_138 = tpu.memref_slice %arg8[%add3A_114, %dma_wait3A, %dma_wait3A_137] : memref<22x1024x64xf32, #tpu.memory_space<vmem_shared>> -> memref<1x1024x64xf32, #tpu.memory_space<vmem_shared>>
        %dma_wait3A_139 = tpu.memref_squeeze %dma_wait3A_138 : memref<1x1024x64xf32, #tpu.memory_space<vmem_shared>> -> memref<1024x64xf32, #tpu.memory_space<vmem_shared>>
        %dma_wait3A_140 = arith.constant 384 : i32
        %dma_wait3A_141 = arith.constant 0 : i32
        %dma_wait3A_142 = tpu.memref_slice %dma_wait3A_139[%dma_wait3A_140, %dma_wait3A_141] : memref<1024x64xf32, #tpu.memory_space<vmem_shared>> -> memref<128x64xf32, #tpu.memory_space<vmem_shared>>
        tpu.wait_dma2 semaphore(%run_scoped3A : memref<!tpu.dma_semaphore, #tpu.memory_space<semaphore_mem>>) src(%arg4 : memref<128x64xf32, #tpu.memory_space<hbm>>) dst(%dma_wait3A_142 : memref<128x64xf32, #tpu.memory_space<vmem_shared>>)
        tpu.yield
      }) : () -> ()
      %mul3A_115 = arith.constant 2 : i32
      %mul3A_116 = arith.muli %mul3A_115, %min3A_14 : i32
      %add3A_117 = arith.constant 1 : i32
      %add3A_118 = arith.addi %mul3A_116, %add3A_117 : i32
      "tpu.region"() ({
        %run_scoped3A = tpu.sem_alloc : memref<!tpu.dma_semaphore, #tpu.memory_space<semaphore_mem>>
        %dma_start3A = arith.constant 0 : i32
        %dma_start3A_131 = arith.constant 0 : i32
        %dma_start3A_132 = tpu.memref_slice %arg8[%add3A_118, %dma_start3A, %dma_start3A_131] : memref<22x1024x64xf32, #tpu.memory_space<vmem_shared>> -> memref<1x1024x64xf32, #tpu.memory_space<vmem_shared>>
        %dma_start3A_133 = tpu.memref_squeeze %dma_start3A_132 : memref<1x1024x64xf32, #tpu.memory_space<vmem_shared>> -> memref<1024x64xf32, #tpu.memory_space<vmem_shared>>
        %dma_start3A_134 = arith.constant 512 : i32
        %dma_start3A_135 = arith.constant 0 : i32
        %dma_start3A_136 = tpu.memref_slice %dma_start3A_133[%dma_start3A_134, %dma_start3A_135] : memref<1024x64xf32, #tpu.memory_space<vmem_shared>> -> memref<128x64xf32, #tpu.memory_space<vmem_shared>>
        tpu.enqueue_dma source(%arg4 : memref<128x64xf32, #tpu.memory_space<hbm>>) target(%dma_start3A_136 : memref<128x64xf32, #tpu.memory_space<vmem_shared>>) target_semaphore(%run_scoped3A : memref<!tpu.dma_semaphore, #tpu.memory_space<semaphore_mem>>)
        %dma_wait3A = arith.constant 0 : i32
        %dma_wait3A_137 = arith.constant 0 : i32
        %dma_wait3A_138 = tpu.memref_slice %arg8[%add3A_118, %dma_wait3A, %dma_wait3A_137] : memref<22x1024x64xf32, #tpu.memory_space<vmem_shared>> -> memref<1x1024x64xf32, #tpu.memory_space<vmem_shared>>
        %dma_wait3A_139 = tpu.memref_squeeze %dma_wait3A_138 : memref<1x1024x64xf32, #tpu.memory_space<vmem_shared>> -> memref<1024x64xf32, #tpu.memory_space<vmem_shared>>
        %dma_wait3A_140 = arith.constant 512 : i32
        %dma_wait3A_141 = arith.constant 0 : i32
        %dma_wait3A_142 = tpu.memref_slice %dma_wait3A_139[%dma_wait3A_140, %dma_wait3A_141] : memref<1024x64xf32, #tpu.memory_space<vmem_shared>> -> memref<128x64xf32, #tpu.memory_space<vmem_shared>>
        tpu.wait_dma2 semaphore(%run_scoped3A : memref<!tpu.dma_semaphore, #tpu.memory_space<semaphore_mem>>) src(%arg4 : memref<128x64xf32, #tpu.memory_space<hbm>>) dst(%dma_wait3A_142 : memref<128x64xf32, #tpu.memory_space<vmem_shared>>)
        tpu.yield
      }) : () -> ()
      %mul3A_119 = arith.constant 2 : i32
      %mul3A_120 = arith.muli %mul3A_119, %min3A_14 : i32
      %add3A_121 = arith.constant 1 : i32
      %add3A_122 = arith.addi %mul3A_120, %add3A_121 : i32
      "tpu.region"() ({
        %run_scoped3A = tpu.sem_alloc : memref<!tpu.dma_semaphore, #tpu.memory_space<semaphore_mem>>
        %dma_start3A = arith.constant 0 : i32
        %dma_start3A_131 = arith.constant 0 : i32
        %dma_start3A_132 = tpu.memref_slice %arg8[%add3A_122, %dma_start3A, %dma_start3A_131] : memref<22x1024x64xf32, #tpu.memory_space<vmem_shared>> -> memref<1x1024x64xf32, #tpu.memory_space<vmem_shared>>
        %dma_start3A_133 = tpu.memref_squeeze %dma_start3A_132 : memref<1x1024x64xf32, #tpu.memory_space<vmem_shared>> -> memref<1024x64xf32, #tpu.memory_space<vmem_shared>>
        %dma_start3A_134 = arith.constant 640 : i32
        %dma_start3A_135 = arith.constant 0 : i32
        %dma_start3A_136 = tpu.memref_slice %dma_start3A_133[%dma_start3A_134, %dma_start3A_135] : memref<1024x64xf32, #tpu.memory_space<vmem_shared>> -> memref<128x64xf32, #tpu.memory_space<vmem_shared>>
        tpu.enqueue_dma source(%arg4 : memref<128x64xf32, #tpu.memory_space<hbm>>) target(%dma_start3A_136 : memref<128x64xf32, #tpu.memory_space<vmem_shared>>) target_semaphore(%run_scoped3A : memref<!tpu.dma_semaphore, #tpu.memory_space<semaphore_mem>>)
        %dma_wait3A = arith.constant 0 : i32
        %dma_wait3A_137 = arith.constant 0 : i32
        %dma_wait3A_138 = tpu.memref_slice %arg8[%add3A_122, %dma_wait3A, %dma_wait3A_137] : memref<22x1024x64xf32, #tpu.memory_space<vmem_shared>> -> memref<1x1024x64xf32, #tpu.memory_space<vmem_shared>>
        %dma_wait3A_139 = tpu.memref_squeeze %dma_wait3A_138 : memref<1x1024x64xf32, #tpu.memory_space<vmem_shared>> -> memref<1024x64xf32, #tpu.memory_space<vmem_shared>>
        %dma_wait3A_140 = arith.constant 640 : i32
        %dma_wait3A_141 = arith.constant 0 : i32
        %dma_wait3A_142 = tpu.memref_slice %dma_wait3A_139[%dma_wait3A_140, %dma_wait3A_141] : memref<1024x64xf32, #tpu.memory_space<vmem_shared>> -> memref<128x64xf32, #tpu.memory_space<vmem_shared>>
        tpu.wait_dma2 semaphore(%run_scoped3A : memref<!tpu.dma_semaphore, #tpu.memory_space<semaphore_mem>>) src(%arg4 : memref<128x64xf32, #tpu.memory_space<hbm>>) dst(%dma_wait3A_142 : memref<128x64xf32, #tpu.memory_space<vmem_shared>>)
        tpu.yield
      }) : () -> ()
      %mul3A_123 = arith.constant 2 : i32
      %mul3A_124 = arith.muli %mul3A_123, %min3A_14 : i32
      %add3A_125 = arith.constant 1 : i32
      %add3A_126 = arith.addi %mul3A_124, %add3A_125 : i32
      "tpu.region"() ({
        %run_scoped3A = tpu.sem_alloc : memref<!tpu.dma_semaphore, #tpu.memory_space<semaphore_mem>>
        %dma_start3A = arith.constant 0 : i32
        %dma_start3A_131 = arith.constant 0 : i32
        %dma_start3A_132 = tpu.memref_slice %arg8[%add3A_126, %dma_start3A, %dma_start3A_131] : memref<22x1024x64xf32, #tpu.memory_space<vmem_shared>> -> memref<1x1024x64xf32, #tpu.memory_space<vmem_shared>>
        %dma_start3A_133 = tpu.memref_squeeze %dma_start3A_132 : memref<1x1024x64xf32, #tpu.memory_space<vmem_shared>> -> memref<1024x64xf32, #tpu.memory_space<vmem_shared>>
        %dma_start3A_134 = arith.constant 768 : i32
        %dma_start3A_135 = arith.constant 0 : i32
        %dma_start3A_136 = tpu.memref_slice %dma_start3A_133[%dma_start3A_134, %dma_start3A_135] : memref<1024x64xf32, #tpu.memory_space<vmem_shared>> -> memref<128x64xf32, #tpu.memory_space<vmem_shared>>
        tpu.enqueue_dma source(%arg4 : memref<128x64xf32, #tpu.memory_space<hbm>>) target(%dma_start3A_136 : memref<128x64xf32, #tpu.memory_space<vmem_shared>>) target_semaphore(%run_scoped3A : memref<!tpu.dma_semaphore, #tpu.memory_space<semaphore_mem>>)
        %dma_wait3A = arith.constant 0 : i32
        %dma_wait3A_137 = arith.constant 0 : i32
        %dma_wait3A_138 = tpu.memref_slice %arg8[%add3A_126, %dma_wait3A, %dma_wait3A_137] : memref<22x1024x64xf32, #tpu.memory_space<vmem_shared>> -> memref<1x1024x64xf32, #tpu.memory_space<vmem_shared>>
        %dma_wait3A_139 = tpu.memref_squeeze %dma_wait3A_138 : memref<1x1024x64xf32, #tpu.memory_space<vmem_shared>> -> memref<1024x64xf32, #tpu.memory_space<vmem_shared>>
        %dma_wait3A_140 = arith.constant 768 : i32
        %dma_wait3A_141 = arith.constant 0 : i32
        %dma_wait3A_142 = tpu.memref_slice %dma_wait3A_139[%dma_wait3A_140, %dma_wait3A_141] : memref<1024x64xf32, #tpu.memory_space<vmem_shared>> -> memref<128x64xf32, #tpu.memory_space<vmem_shared>>
        tpu.wait_dma2 semaphore(%run_scoped3A : memref<!tpu.dma_semaphore, #tpu.memory_space<semaphore_mem>>) src(%arg4 : memref<128x64xf32, #tpu.memory_space<hbm>>) dst(%dma_wait3A_142 : memref<128x64xf32, #tpu.memory_space<vmem_shared>>)
        tpu.yield
      }) : () -> ()
      %mul3A_127 = arith.constant 2 : i32
      %mul3A_128 = arith.muli %mul3A_127, %min3A_14 : i32
      %add3A_129 = arith.constant 1 : i32
      %add3A_130 = arith.addi %mul3A_128, %add3A_129 : i32
      "tpu.region"() ({
        %run_scoped3A = tpu.sem_alloc : memref<!tpu.dma_semaphore, #tpu.memory_space<semaphore_mem>>
        %dma_start3A = arith.constant 0 : i32
        %dma_start3A_131 = arith.constant 0 : i32
        %dma_start3A_132 = tpu.memref_slice %arg8[%add3A_130, %dma_start3A, %dma_start3A_131] : memref<22x1024x64xf32, #tpu.memory_space<vmem_shared>> -> memref<1x1024x64xf32, #tpu.memory_space<vmem_shared>>
        %dma_start3A_133 = tpu.memref_squeeze %dma_start3A_132 : memref<1x1024x64xf32, #tpu.memory_space<vmem_shared>> -> memref<1024x64xf32, #tpu.memory_space<vmem_shared>>
        %dma_start3A_134 = arith.constant 896 : i32
        %dma_start3A_135 = arith.constant 0 : i32
        %dma_start3A_136 = tpu.memref_slice %dma_start3A_133[%dma_start3A_134, %dma_start3A_135] : memref<1024x64xf32, #tpu.memory_space<vmem_shared>> -> memref<128x64xf32, #tpu.memory_space<vmem_shared>>
        tpu.enqueue_dma source(%arg4 : memref<128x64xf32, #tpu.memory_space<hbm>>) target(%dma_start3A_136 : memref<128x64xf32, #tpu.memory_space<vmem_shared>>) target_semaphore(%run_scoped3A : memref<!tpu.dma_semaphore, #tpu.memory_space<semaphore_mem>>)
        %dma_wait3A = arith.constant 0 : i32
        %dma_wait3A_137 = arith.constant 0 : i32
        %dma_wait3A_138 = tpu.memref_slice %arg8[%add3A_130, %dma_wait3A, %dma_wait3A_137] : memref<22x1024x64xf32, #tpu.memory_space<vmem_shared>> -> memref<1x1024x64xf32, #tpu.memory_space<vmem_shared>>
        %dma_wait3A_139 = tpu.memref_squeeze %dma_wait3A_138 : memref<1x1024x64xf32, #tpu.memory_space<vmem_shared>> -> memref<1024x64xf32, #tpu.memory_space<vmem_shared>>
        %dma_wait3A_140 = arith.constant 896 : i32
        %dma_wait3A_141 = arith.constant 0 : i32
        %dma_wait3A_142 = tpu.memref_slice %dma_wait3A_139[%dma_wait3A_140, %dma_wait3A_141] : memref<1024x64xf32, #tpu.memory_space<vmem_shared>> -> memref<128x64xf32, #tpu.memory_space<vmem_shared>>
        tpu.wait_dma2 semaphore(%run_scoped3A : memref<!tpu.dma_semaphore, #tpu.memory_space<semaphore_mem>>) src(%arg4 : memref<128x64xf32, #tpu.memory_space<hbm>>) dst(%dma_wait3A_142 : memref<128x64xf32, #tpu.memory_space<vmem_shared>>)
        tpu.yield
      }) : () -> ()
    } else {
    }
    %lt3A_17 = arith.constant 0 : i32
    %lt3A_18 = arith.cmpi slt, %lt3A_17, %select_n3A_8 : i32
    %convert_element_type3A_19 = arith.extui %lt3A_18 : i1 to i32
    %cond3A_20 = arith.constant 0 : i32
    %cond3A_21 = arith.constant 0 : i32
    %cond3A_22 = arith.cmpi ne, %convert_element_type3A_19, %cond3A_21 : i32
    scf.if %cond3A_22 {
      %add3A_67 = arith.addi %add3A_12, %cond3A_20 : i32
      %jit3A_68 = arith.constant 4 : i32
      %eq3A = arith.constant 0 : i32
      %eq3A_69 = arith.cmpi eq, %jit3A_68, %eq3A : i32
      %jit3A_70 = arith.constant 1 : i32
      %select_n3A_71 = arith.select %eq3A_69, %jit3A_70, %jit3A_68 : i32
      %rem3A_72 = arith.remsi %cond3A_20, %select_n3A_71 : i32
      %ne3A_73 = arith.constant 0 : i32
      %ne3A_74 = arith.cmpi ne, %rem3A_72, %ne3A_73 : i32
      %lt3A_75 = arith.constant 0 : i32
      %lt3A_76 = arith.cmpi slt, %rem3A_72, %lt3A_75 : i32
      %lt3A_77 = arith.constant 0 : i32
      %lt3A_78 = arith.cmpi slt, %select_n3A_71, %lt3A_77 : i32
      %ne3A_79 = arith.xori %lt3A_76, %lt3A_78 : i1
      %and3A_80 = arith.andi %ne3A_79, %ne3A_74 : i1
      %add3A_81 = arith.addi %rem3A_72, %select_n3A_71 : i32
      %select_n3A_82 = arith.select %and3A_80, %add3A_81, %rem3A_72 : i32
      %dma_start3A = arith.constant 0 : i32
      %dma_start3A_83 = arith.constant 0 : i32
      %dma_start3A_84 = tpu.memref_slice %arg6[%select_n3A_82, %dma_start3A, %dma_start3A_83] : memref<4x2x100xi32, #tpu.memory_space<vmem>> -> memref<1x2x100xi32, #tpu.memory_space<vmem>>
      %dma_start3A_85 = tpu.memref_squeeze %dma_start3A_84 : memref<1x2x100xi32, #tpu.memory_space<vmem>> -> memref<2x100xi32, #tpu.memory_space<vmem>>
      %dma_start3A_86 = arith.constant 0 : i32
      %dma_start3A_87 = arith.constant 0 : i32
      %dma_start3A_88 = tpu.memref_slice %arg3[%add3A_67, %dma_start3A_86, %dma_start3A_87] : memref<1024x2x100xi32, #tpu.memory_space<hbm>> -> memref<1x2x100xi32, #tpu.memory_space<hbm>>
      %dma_start3A_89 = tpu.memref_squeeze %dma_start3A_88 : memref<1x2x100xi32, #tpu.memory_space<hbm>> -> memref<2x100xi32, #tpu.memory_space<hbm>>
      %dma_start3A_90 = arith.constant 0 : i32
      %dma_start3A_91 = arith.constant 0 : i32
      %dma_start3A_92 = tpu.memref_slice %arg6[%select_n3A_82, %dma_start3A_90, %dma_start3A_91] : memref<4x2x100xi32, #tpu.memory_space<vmem>> -> memref<1x2x100xi32, #tpu.memory_space<vmem>>
      %dma_start3A_93 = tpu.memref_squeeze %dma_start3A_92 : memref<1x2x100xi32, #tpu.memory_space<vmem>> -> memref<2x100xi32, #tpu.memory_space<vmem>>
      %dma_start3A_94 = arith.constant 0 : i32
      %dma_start3A_95 = arith.constant 0 : i32
      %dma_start3A_96 = tpu.memref_slice %arg3[%add3A_67, %dma_start3A_94, %dma_start3A_95] : memref<1024x2x100xi32, #tpu.memory_space<hbm>> -> memref<1x2x100xi32, #tpu.memory_space<hbm>>
      %dma_start3A_97 = tpu.memref_squeeze %dma_start3A_96 : memref<1x2x100xi32, #tpu.memory_space<hbm>> -> memref<2x100xi32, #tpu.memory_space<hbm>>
      tpu.enqueue_dma source(%dma_start3A_97 : memref<2x100xi32, #tpu.memory_space<hbm>>) target(%dma_start3A_93 : memref<2x100xi32, #tpu.memory_space<vmem>>) target_semaphore(%arg10 : memref<!tpu.dma_semaphore, #tpu.memory_space<semaphore_mem>>)
      %dma_start3A_98 = arith.constant 0 : i32
      %dma_start3A_99 = arith.constant 0 : i32
      %dma_start3A_100 = arith.constant 0 : i32
      %dma_start3A_101 = tpu.memref_slice %arg7[%dma_start3A_98, %dma_start3A_99, %dma_start3A_100] : memref<2x200x64xf32, #tpu.memory_space<vmem>> -> memref<1x200x64xf32, #tpu.memory_space<vmem>>
      %dma_start3A_102 = tpu.memref_squeeze %dma_start3A_101 : memref<1x200x64xf32, #tpu.memory_space<vmem>> -> memref<200x64xf32, #tpu.memory_space<vmem>>
      %dma_start3A_103 = arith.constant 0 : i32
      %dma_start3A_104 = arith.constant 0 : i32
      %dma_start3A_105 = tpu.memref_slice %arg2[%add3A_67, %dma_start3A_103, %dma_start3A_104] : memref<1024x200x64xf32, #tpu.memory_space<hbm>> -> memref<1x200x64xf32, #tpu.memory_space<hbm>>
      %dma_start3A_106 = tpu.memref_squeeze %dma_start3A_105 : memref<1x200x64xf32, #tpu.memory_space<hbm>> -> memref<200x64xf32, #tpu.memory_space<hbm>>
      %dma_start3A_107 = arith.constant 0 : i32
      %dma_start3A_108 = arith.constant 0 : i32
      %dma_start3A_109 = tpu.memref_slice %arg7[%dma_start3A_98, %dma_start3A_107, %dma_start3A_108] : memref<2x200x64xf32, #tpu.memory_space<vmem>> -> memref<1x200x64xf32, #tpu.memory_space<vmem>>
      %dma_start3A_110 = tpu.memref_squeeze %dma_start3A_109 : memref<1x200x64xf32, #tpu.memory_space<vmem>> -> memref<200x64xf32, #tpu.memory_space<vmem>>
      %dma_start3A_111 = arith.constant 0 : i32
      %dma_start3A_112 = arith.constant 0 : i32
      %dma_start3A_113 = tpu.memref_slice %arg2[%add3A_67, %dma_start3A_111, %dma_start3A_112] : memref<1024x200x64xf32, #tpu.memory_space<hbm>> -> memref<1x200x64xf32, #tpu.memory_space<hbm>>
      %dma_start3A_114 = tpu.memref_squeeze %dma_start3A_113 : memref<1x200x64xf32, #tpu.memory_space<hbm>> -> memref<200x64xf32, #tpu.memory_space<hbm>>
      tpu.enqueue_dma source(%dma_start3A_114 : memref<200x64xf32, #tpu.memory_space<hbm>>) target(%dma_start3A_110 : memref<200x64xf32, #tpu.memory_space<vmem>>) target_semaphore(%arg12 : memref<!tpu.dma_semaphore, #tpu.memory_space<semaphore_mem>>)
    } else {
    }
    %lt3A_23 = arith.constant 1 : i32
    %lt3A_24 = arith.cmpi slt, %lt3A_23, %select_n3A_8 : i32
    %convert_element_type3A_25 = arith.extui %lt3A_24 : i1 to i32
    %cond3A_26 = arith.constant 1 : i32
    %cond3A_27 = arith.constant 0 : i32
    %cond3A_28 = arith.cmpi ne, %convert_element_type3A_25, %cond3A_27 : i32
    scf.if %cond3A_28 {
      %add3A_67 = arith.addi %add3A_12, %cond3A_26 : i32
      %jit3A_68 = arith.constant 4 : i32
      %eq3A = arith.constant 0 : i32
      %eq3A_69 = arith.cmpi eq, %jit3A_68, %eq3A : i32
      %jit3A_70 = arith.constant 1 : i32
      %select_n3A_71 = arith.select %eq3A_69, %jit3A_70, %jit3A_68 : i32
      %rem3A_72 = arith.remsi %cond3A_26, %select_n3A_71 : i32
      %ne3A_73 = arith.constant 0 : i32
      %ne3A_74 = arith.cmpi ne, %rem3A_72, %ne3A_73 : i32
      %lt3A_75 = arith.constant 0 : i32
      %lt3A_76 = arith.cmpi slt, %rem3A_72, %lt3A_75 : i32
      %lt3A_77 = arith.constant 0 : i32
      %lt3A_78 = arith.cmpi slt, %select_n3A_71, %lt3A_77 : i32
      %ne3A_79 = arith.xori %lt3A_76, %lt3A_78 : i1
      %and3A_80 = arith.andi %ne3A_79, %ne3A_74 : i1
      %add3A_81 = arith.addi %rem3A_72, %select_n3A_71 : i32
      %select_n3A_82 = arith.select %and3A_80, %add3A_81, %rem3A_72 : i32
      %dma_start3A = arith.constant 0 : i32
      %dma_start3A_83 = arith.constant 0 : i32
      %dma_start3A_84 = tpu.memref_slice %arg6[%select_n3A_82, %dma_start3A, %dma_start3A_83] : memref<4x2x100xi32, #tpu.memory_space<vmem>> -> memref<1x2x100xi32, #tpu.memory_space<vmem>>
      %dma_start3A_85 = tpu.memref_squeeze %dma_start3A_84 : memref<1x2x100xi32, #tpu.memory_space<vmem>> -> memref<2x100xi32, #tpu.memory_space<vmem>>
      %dma_start3A_86 = arith.constant 0 : i32
      %dma_start3A_87 = arith.constant 0 : i32
      %dma_start3A_88 = tpu.memref_slice %arg3[%add3A_67, %dma_start3A_86, %dma_start3A_87] : memref<1024x2x100xi32, #tpu.memory_space<hbm>> -> memref<1x2x100xi32, #tpu.memory_space<hbm>>
      %dma_start3A_89 = tpu.memref_squeeze %dma_start3A_88 : memref<1x2x100xi32, #tpu.memory_space<hbm>> -> memref<2x100xi32, #tpu.memory_space<hbm>>
      %dma_start3A_90 = arith.constant 0 : i32
      %dma_start3A_91 = arith.constant 0 : i32
      %dma_start3A_92 = tpu.memref_slice %arg6[%select_n3A_82, %dma_start3A_90, %dma_start3A_91] : memref<4x2x100xi32, #tpu.memory_space<vmem>> -> memref<1x2x100xi32, #tpu.memory_space<vmem>>
      %dma_start3A_93 = tpu.memref_squeeze %dma_start3A_92 : memref<1x2x100xi32, #tpu.memory_space<vmem>> -> memref<2x100xi32, #tpu.memory_space<vmem>>
      %dma_start3A_94 = arith.constant 0 : i32
      %dma_start3A_95 = arith.constant 0 : i32
      %dma_start3A_96 = tpu.memref_slice %arg3[%add3A_67, %dma_start3A_94, %dma_start3A_95] : memref<1024x2x100xi32, #tpu.memory_space<hbm>> -> memref<1x2x100xi32, #tpu.memory_space<hbm>>
      %dma_start3A_97 = tpu.memref_squeeze %dma_start3A_96 : memref<1x2x100xi32, #tpu.memory_space<hbm>> -> memref<2x100xi32, #tpu.memory_space<hbm>>
      tpu.enqueue_dma source(%dma_start3A_97 : memref<2x100xi32, #tpu.memory_space<hbm>>) target(%dma_start3A_93 : memref<2x100xi32, #tpu.memory_space<vmem>>) target_semaphore(%arg11 : memref<!tpu.dma_semaphore, #tpu.memory_space<semaphore_mem>>)
      %dma_start3A_98 = arith.constant 1 : i32
      %dma_start3A_99 = arith.constant 0 : i32
      %dma_start3A_100 = arith.constant 0 : i32
      %dma_start3A_101 = tpu.memref_slice %arg7[%dma_start3A_98, %dma_start3A_99, %dma_start3A_100] : memref<2x200x64xf32, #tpu.memory_space<vmem>> -> memref<1x200x64xf32, #tpu.memory_space<vmem>>
      %dma_start3A_102 = tpu.memref_squeeze %dma_start3A_101 : memref<1x200x64xf32, #tpu.memory_space<vmem>> -> memref<200x64xf32, #tpu.memory_space<vmem>>
      %dma_start3A_103 = arith.constant 0 : i32
      %dma_start3A_104 = arith.constant 0 : i32
      %dma_start3A_105 = tpu.memref_slice %arg2[%add3A_67, %dma_start3A_103, %dma_start3A_104] : memref<1024x200x64xf32, #tpu.memory_space<hbm>> -> memref<1x200x64xf32, #tpu.memory_space<hbm>>
      %dma_start3A_106 = tpu.memref_squeeze %dma_start3A_105 : memref<1x200x64xf32, #tpu.memory_space<hbm>> -> memref<200x64xf32, #tpu.memory_space<hbm>>
      %dma_start3A_107 = arith.constant 0 : i32
      %dma_start3A_108 = arith.constant 0 : i32
      %dma_start3A_109 = tpu.memref_slice %arg7[%dma_start3A_98, %dma_start3A_107, %dma_start3A_108] : memref<2x200x64xf32, #tpu.memory_space<vmem>> -> memref<1x200x64xf32, #tpu.memory_space<vmem>>
      %dma_start3A_110 = tpu.memref_squeeze %dma_start3A_109 : memref<1x200x64xf32, #tpu.memory_space<vmem>> -> memref<200x64xf32, #tpu.memory_space<vmem>>
      %dma_start3A_111 = arith.constant 0 : i32
      %dma_start3A_112 = arith.constant 0 : i32
      %dma_start3A_113 = tpu.memref_slice %arg2[%add3A_67, %dma_start3A_111, %dma_start3A_112] : memref<1024x200x64xf32, #tpu.memory_space<hbm>> -> memref<1x200x64xf32, #tpu.memory_space<hbm>>
      %dma_start3A_114 = tpu.memref_squeeze %dma_start3A_113 : memref<1x200x64xf32, #tpu.memory_space<hbm>> -> memref<200x64xf32, #tpu.memory_space<hbm>>
      tpu.enqueue_dma source(%dma_start3A_114 : memref<200x64xf32, #tpu.memory_space<hbm>>) target(%dma_start3A_110 : memref<200x64xf32, #tpu.memory_space<vmem>>) target_semaphore(%arg13 : memref<!tpu.dma_semaphore, #tpu.memory_space<semaphore_mem>>)
    } else {
    }
    %add3A_29 = arith.constant 1 : i32
    %add3A_30 = arith.addi %select_n3A_8, %add3A_29 : i32
    %jit3A_31 = arith.constant 2 : i32
    %div3A = arith.divsi %add3A_30, %jit3A_31 : i32
    %sign3A = arith.constant 0 : i32
    %sign3A_32 = arith.cmpi sgt, %add3A_30, %sign3A : i32
    %sign3A_33 = arith.extui %sign3A_32 : i1 to i32
    %sign3A_34 = arith.constant 0 : i32
    %sign3A_35 = arith.cmpi slt, %add3A_30, %sign3A_34 : i32
    %sign3A_36 = arith.extui %sign3A_35 : i1 to i32
    %sign3A_37 = arith.subi %sign3A_33, %sign3A_36 : i32
    %sign3A_38 = arith.constant 0 : i32
    %sign3A_39 = arith.cmpi sgt, %jit3A_31, %sign3A_38 : i32
    %sign3A_40 = arith.extui %sign3A_39 : i1 to i32
    %sign3A_41 = arith.constant 0 : i32
    %sign3A_42 = arith.cmpi slt, %jit3A_31, %sign3A_41 : i32
    %sign3A_43 = arith.extui %sign3A_42 : i1 to i32
    %sign3A_44 = arith.subi %sign3A_40, %sign3A_43 : i32
    %ne3A = arith.cmpi ne, %sign3A_37, %sign3A_44 : i32
    %rem3A = arith.remsi %add3A_30, %jit3A_31 : i32
    %ne3A_45 = arith.constant 0 : i32
    %ne3A_46 = arith.cmpi ne, %rem3A, %ne3A_45 : i32
    %and3A = arith.andi %ne3A, %ne3A_46 : i1
    %sub3A = arith.constant 1 : i32
    %sub3A_47 = arith.subi %div3A, %sub3A : i32
    %select_n3A_48 = arith.select %and3A, %sub3A_47, %div3A : i32
    %while3A = arith.constant 0 : i32
    %while3A_49 = arith.constant 0 : i32
    %while3A_50 = arith.subi %select_n3A_48, %while3A_49 : i32
    %while3A_51 = arith.addi %while3A_49, %while3A_50 : i32
    %while3A_52 = arith.constant 1 : i32
    %while3A_53 = arith.divsi %while3A_50, %while3A_52 : i32
    %while3A_54 = arith.muli %while3A_53, %while3A_52 : i32
    %while3A_55 = arith.addi %while3A_49, %while3A_54 : i32
    %while3A_56 = arith.constant 1 : i32
    scf.for %while3A_67 = %while3A_49 to %while3A_55 step %while3A_56  : i32 {
      %mul3A_68 = arith.constant 2 : i32
      %mul3A_69 = arith.muli %mul3A_68, %while3A_67 : i32
      %mul3A_70 = arith.constant 2 : i32
      %mul3A_71 = arith.muli %mul3A_70, %while3A_67 : i32
      %add3A_72 = arith.constant 1 : i32
      %add3A_73 = arith.addi %mul3A_71, %add3A_72 : i32
      %ge3A_74 = arith.constant 1 : i32
      %ge3A_75 = arith.cmpi sge, %while3A_67, %ge3A_74 : i32
      %lt3A_76 = arith.cmpi slt, %mul3A_69, %select_n3A_8 : i32
      %and3A_77 = arith.andi %ge3A_75, %lt3A_76 : i1
      %convert_element_type3A_78 = arith.extui %and3A_77 : i1 to i32
      %cond3A_79 = arith.constant 0 : i32
      %cond3A_80 = arith.cmpi ne, %convert_element_type3A_78, %cond3A_79 : i32
      scf.if %cond3A_80 {
        %mul3A_108 = arith.constant 2 : i32
        %mul3A_109 = arith.muli %mul3A_108, %min3A_14 : i32
        %add3A_110 = arith.constant 0 : i32
        %add3A_111 = arith.addi %mul3A_109, %add3A_110 : i32
        %dma_wait3A = arith.constant 0 : i32
        %dma_wait3A_112 = arith.constant 0 : i32
        %dma_wait3A_113 = tpu.memref_slice %arg5[%dma_wait3A, %dma_wait3A_112] : memref<1048576x64xf32, #tpu.memory_space<hbm>> -> memref<1024x64xf32, #tpu.memory_space<hbm>>
        %dma_wait3A_114 = arith.constant 0 : i32
        %dma_wait3A_115 = arith.constant 0 : i32
        %dma_wait3A_116 = tpu.memref_slice %arg8[%add3A_111, %dma_wait3A_114, %dma_wait3A_115] : memref<22x1024x64xf32, #tpu.memory_space<vmem_shared>> -> memref<1x1024x64xf32, #tpu.memory_space<vmem_shared>>
        %dma_wait3A_117 = tpu.memref_squeeze %dma_wait3A_116 : memref<1x1024x64xf32, #tpu.memory_space<vmem_shared>> -> memref<1024x64xf32, #tpu.memory_space<vmem_shared>>
        tpu.wait_dma2 semaphore(%arg14 : memref<!tpu.dma_semaphore, #tpu.memory_space<semaphore_mem>>) src(%dma_wait3A_117 : memref<1024x64xf32, #tpu.memory_space<vmem_shared>>) dst(%dma_wait3A_113 : memref<1024x64xf32, #tpu.memory_space<hbm>>)
        %sub3A_118 = arith.constant 2 : i32
        %sub3A_119 = arith.subi %mul3A_69, %sub3A_118 : i32
        %jit3A_120 = arith.constant 4 : i32
        %eq3A = arith.constant 0 : i32
        %eq3A_121 = arith.cmpi eq, %jit3A_120, %eq3A : i32
        %jit3A_122 = arith.constant 1 : i32
        %select_n3A_123 = arith.select %eq3A_121, %jit3A_122, %jit3A_120 : i32
        %rem3A_124 = arith.remsi %sub3A_119, %select_n3A_123 : i32
        %ne3A_125 = arith.constant 0 : i32
        %ne3A_126 = arith.cmpi ne, %rem3A_124, %ne3A_125 : i32
        %lt3A_127 = arith.constant 0 : i32
        %lt3A_128 = arith.cmpi slt, %rem3A_124, %lt3A_127 : i32
        %lt3A_129 = arith.constant 0 : i32
        %lt3A_130 = arith.cmpi slt, %select_n3A_123, %lt3A_129 : i32
        %ne3A_131 = arith.xori %lt3A_128, %lt3A_130 : i1
        %and3A_132 = arith.andi %ne3A_131, %ne3A_126 : i1
        %add3A_133 = arith.addi %rem3A_124, %select_n3A_123 : i32
        %select_n3A_134 = arith.select %and3A_132, %add3A_133, %rem3A_124 : i32
        %mul3A_135 = arith.constant 2 : i32
        %mul3A_136 = arith.muli %mul3A_135, %min3A_14 : i32
        %add3A_137 = arith.constant 0 : i32
        %add3A_138 = arith.addi %mul3A_136, %add3A_137 : i32
        %run_scoped3A = arith.constant 0 : i32
        "tpu.region"() ({
          %run_scoped3A_144 = tpu.sem_alloc : memref<!tpu.dma_semaphore, #tpu.memory_space<semaphore_mem>>
          %dma_start3A = arith.constant 0 : i32
          %dma_start3A_145 = arith.constant 0 : i32
          %dma_start3A_146 = tpu.memref_slice %arg6[%select_n3A_134, %dma_start3A, %dma_start3A_145] : memref<4x2x100xi32, #tpu.memory_space<vmem>> -> memref<1x2x100xi32, #tpu.memory_space<vmem>>
          %dma_start3A_147 = tpu.memref_squeeze %dma_start3A_146 : memref<1x2x100xi32, #tpu.memory_space<vmem>> -> memref<2x100xi32, #tpu.memory_space<vmem>>
          %dma_start3A_148 = arith.constant 0 : i32
          %dma_start3A_149 = tpu.memref_slice %dma_start3A_147[%run_scoped3A, %dma_start3A_148] : memref<2x100xi32, #tpu.memory_space<vmem>> -> memref<1x100xi32, #tpu.memory_space<vmem>>
          %dma_start3A_150 = tpu.memref_squeeze %dma_start3A_149 : memref<1x100xi32, #tpu.memory_space<vmem>> -> memref<100xi32, #tpu.memory_space<vmem>>
          %dma_start3A_151 = arith.constant 0 : i32
          %dma_start3A_152 = arith.constant 0 : i32
          %dma_start3A_153 = tpu.memref_slice %arg8[%add3A_138, %dma_start3A_151, %dma_start3A_152] : memref<22x1024x64xf32, #tpu.memory_space<vmem_shared>> -> memref<1x1024x64xf32, #tpu.memory_space<vmem_shared>>
          %dma_start3A_154 = tpu.memref_squeeze %dma_start3A_153 : memref<1x1024x64xf32, #tpu.memory_space<vmem_shared>> -> memref<1024x64xf32, #tpu.memory_space<vmem_shared>>
          %dma_start3A_155 = arith.constant 0 : i32
          %dma_start3A_156 = arith.constant 0 : i32
          %dma_start3A_157 = tpu.memref_slice %dma_start3A_154[%dma_start3A_155, %dma_start3A_156] : memref<1024x64xf32, #tpu.memory_space<vmem_shared>> -> memref<1024x64xf32, #tpu.memory_space<vmem_shared>>
          tpu.enqueue_indirect_dma source(%arg9 : memref<100x64xf32, #tpu.memory_space<vmem>>) target(%dma_start3A_157 : memref<1024x64xf32, #tpu.memory_space<vmem_shared>>) offsets(%dma_start3A_150 : memref<100xi32, #tpu.memory_space<vmem>>) semaphore(%run_scoped3A_144 : memref<!tpu.dma_semaphore, #tpu.memory_space<semaphore_mem>>)
          %dma_wait3A_158 = arith.constant 0 : i32
          %dma_wait3A_159 = arith.constant 0 : i32
          %dma_wait3A_160 = tpu.memref_slice %arg6[%select_n3A_134, %dma_wait3A_158, %dma_wait3A_159] : memref<4x2x100xi32, #tpu.memory_space<vmem>> -> memref<1x2x100xi32, #tpu.memory_space<vmem>>
          %dma_wait3A_161 = tpu.memref_squeeze %dma_wait3A_160 : memref<1x2x100xi32, #tpu.memory_space<vmem>> -> memref<2x100xi32, #tpu.memory_space<vmem>>
          %dma_wait3A_162 = arith.constant 0 : i32
          %dma_wait3A_163 = tpu.memref_slice %dma_wait3A_161[%run_scoped3A, %dma_wait3A_162] : memref<2x100xi32, #tpu.memory_space<vmem>> -> memref<1x100xi32, #tpu.memory_space<vmem>>
          %dma_wait3A_164 = tpu.memref_squeeze %dma_wait3A_163 : memref<1x100xi32, #tpu.memory_space<vmem>> -> memref<100xi32, #tpu.memory_space<vmem>>
          %dma_wait3A_165 = arith.constant 0 : i32
          %dma_wait3A_166 = arith.constant 0 : i32
          %dma_wait3A_167 = tpu.memref_slice %arg8[%add3A_138, %dma_wait3A_165, %dma_wait3A_166] : memref<22x1024x64xf32, #tpu.memory_space<vmem_shared>> -> memref<1x1024x64xf32, #tpu.memory_space<vmem_shared>>
          %dma_wait3A_168 = tpu.memref_squeeze %dma_wait3A_167 : memref<1x1024x64xf32, #tpu.memory_space<vmem_shared>> -> memref<1024x64xf32, #tpu.memory_space<vmem_shared>>
          %dma_wait3A_169 = arith.constant 0 : i32
          %dma_wait3A_170 = arith.constant 0 : i32
          %dma_wait3A_171 = tpu.memref_slice %dma_wait3A_168[%dma_wait3A_169, %dma_wait3A_170] : memref<1024x64xf32, #tpu.memory_space<vmem_shared>> -> memref<1024x64xf32, #tpu.memory_space<vmem_shared>>
          tpu.wait_indirect_dma semaphore(%run_scoped3A_144 : memref<!tpu.dma_semaphore, #tpu.memory_space<semaphore_mem>>) src(%arg9 : memref<100x64xf32, #tpu.memory_space<vmem>>) dst(%dma_wait3A_171 : memref<1024x64xf32, #tpu.memory_space<vmem_shared>>)
          tpu.yield
        }) : () -> ()
        %mul3A_139 = arith.constant 2 : i32
        %mul3A_140 = arith.muli %mul3A_139, %min3A_14 : i32
        %add3A_141 = arith.constant 0 : i32
        %add3A_142 = arith.addi %mul3A_140, %add3A_141 : i32
        %run_scoped3A_143 = arith.constant 1 : i32
        "tpu.region"() ({
          %run_scoped3A_144 = tpu.sem_alloc : memref<!tpu.dma_semaphore, #tpu.memory_space<semaphore_mem>>
          %dma_start3A = arith.constant 0 : i32
          %dma_start3A_145 = arith.constant 0 : i32
          %dma_start3A_146 = tpu.memref_slice %arg6[%select_n3A_134, %dma_start3A, %dma_start3A_145] : memref<4x2x100xi32, #tpu.memory_space<vmem>> -> memref<1x2x100xi32, #tpu.memory_space<vmem>>
          %dma_start3A_147 = tpu.memref_squeeze %dma_start3A_146 : memref<1x2x100xi32, #tpu.memory_space<vmem>> -> memref<2x100xi32, #tpu.memory_space<vmem>>
          %dma_start3A_148 = arith.constant 0 : i32
          %dma_start3A_149 = tpu.memref_slice %dma_start3A_147[%run_scoped3A_143, %dma_start3A_148] : memref<2x100xi32, #tpu.memory_space<vmem>> -> memref<1x100xi32, #tpu.memory_space<vmem>>
          %dma_start3A_150 = tpu.memref_squeeze %dma_start3A_149 : memref<1x100xi32, #tpu.memory_space<vmem>> -> memref<100xi32, #tpu.memory_space<vmem>>
          %dma_start3A_151 = arith.constant 0 : i32
          %dma_start3A_152 = arith.constant 0 : i32
          %dma_start3A_153 = tpu.memref_slice %arg8[%add3A_142, %dma_start3A_151, %dma_start3A_152] : memref<22x1024x64xf32, #tpu.memory_space<vmem_shared>> -> memref<1x1024x64xf32, #tpu.memory_space<vmem_shared>>
          %dma_start3A_154 = tpu.memref_squeeze %dma_start3A_153 : memref<1x1024x64xf32, #tpu.memory_space<vmem_shared>> -> memref<1024x64xf32, #tpu.memory_space<vmem_shared>>
          %dma_start3A_155 = arith.constant 0 : i32
          %dma_start3A_156 = arith.constant 0 : i32
          %dma_start3A_157 = tpu.memref_slice %dma_start3A_154[%dma_start3A_155, %dma_start3A_156] : memref<1024x64xf32, #tpu.memory_space<vmem_shared>> -> memref<1024x64xf32, #tpu.memory_space<vmem_shared>>
          tpu.enqueue_indirect_dma source(%arg9 : memref<100x64xf32, #tpu.memory_space<vmem>>) target(%dma_start3A_157 : memref<1024x64xf32, #tpu.memory_space<vmem_shared>>) offsets(%dma_start3A_150 : memref<100xi32, #tpu.memory_space<vmem>>) semaphore(%run_scoped3A_144 : memref<!tpu.dma_semaphore, #tpu.memory_space<semaphore_mem>>)
          %dma_wait3A_158 = arith.constant 0 : i32
          %dma_wait3A_159 = arith.constant 0 : i32
          %dma_wait3A_160 = tpu.memref_slice %arg6[%select_n3A_134, %dma_wait3A_158, %dma_wait3A_159] : memref<4x2x100xi32, #tpu.memory_space<vmem>> -> memref<1x2x100xi32, #tpu.memory_space<vmem>>
          %dma_wait3A_161 = tpu.memref_squeeze %dma_wait3A_160 : memref<1x2x100xi32, #tpu.memory_space<vmem>> -> memref<2x100xi32, #tpu.memory_space<vmem>>
          %dma_wait3A_162 = arith.constant 0 : i32
          %dma_wait3A_163 = tpu.memref_slice %dma_wait3A_161[%run_scoped3A_143, %dma_wait3A_162] : memref<2x100xi32, #tpu.memory_space<vmem>> -> memref<1x100xi32, #tpu.memory_space<vmem>>
          %dma_wait3A_164 = tpu.memref_squeeze %dma_wait3A_163 : memref<1x100xi32, #tpu.memory_space<vmem>> -> memref<100xi32, #tpu.memory_space<vmem>>
          %dma_wait3A_165 = arith.constant 0 : i32
          %dma_wait3A_166 = arith.constant 0 : i32
          %dma_wait3A_167 = tpu.memref_slice %arg8[%add3A_142, %dma_wait3A_165, %dma_wait3A_166] : memref<22x1024x64xf32, #tpu.memory_space<vmem_shared>> -> memref<1x1024x64xf32, #tpu.memory_space<vmem_shared>>
          %dma_wait3A_168 = tpu.memref_squeeze %dma_wait3A_167 : memref<1x1024x64xf32, #tpu.memory_space<vmem_shared>> -> memref<1024x64xf32, #tpu.memory_space<vmem_shared>>
          %dma_wait3A_169 = arith.constant 0 : i32
          %dma_wait3A_170 = arith.constant 0 : i32
          %dma_wait3A_171 = tpu.memref_slice %dma_wait3A_168[%dma_wait3A_169, %dma_wait3A_170] : memref<1024x64xf32, #tpu.memory_space<vmem_shared>> -> memref<1024x64xf32, #tpu.memory_space<vmem_shared>>
          tpu.wait_indirect_dma semaphore(%run_scoped3A_144 : memref<!tpu.dma_semaphore, #tpu.memory_space<semaphore_mem>>) src(%arg9 : memref<100x64xf32, #tpu.memory_space<vmem>>) dst(%dma_wait3A_171 : memref<1024x64xf32, #tpu.memory_space<vmem_shared>>)
          tpu.yield
        }) : () -> ()
      } else {
      }
      %lt3A_81 = arith.cmpi slt, %mul3A_69, %select_n3A_8 : i32
      %convert_element_type3A_82 = arith.extui %lt3A_81 : i1 to i32
      %cond3A_83 = arith.constant 0 : i32
      %cond3A_84 = arith.cmpi ne, %convert_element_type3A_82, %cond3A_83 : i32
      scf.if %cond3A_84 {
        %dma_wait3A = arith.constant 0 : i32
        %dma_wait3A_108 = arith.constant 0 : i32
        %dma_wait3A_109 = arith.constant 0 : i32
        %dma_wait3A_110 = arith.constant 0 : i32
        %dma_wait3A_111 = tpu.memref_slice %arg6[%dma_wait3A_108, %dma_wait3A_109, %dma_wait3A_110] : memref<4x2x100xi32, #tpu.memory_space<vmem>> -> memref<1x2x100xi32, #tpu.memory_space<vmem>>
        %dma_wait3A_112 = tpu.memref_squeeze %dma_wait3A_111 : memref<1x2x100xi32, #tpu.memory_space<vmem>> -> memref<2x100xi32, #tpu.memory_space<vmem>>
        %dma_wait3A_113 = arith.constant 0 : i32
        %dma_wait3A_114 = arith.constant 0 : i32
        %dma_wait3A_115 = tpu.memref_slice %arg3[%dma_wait3A, %dma_wait3A_113, %dma_wait3A_114] : memref<1024x2x100xi32, #tpu.memory_space<hbm>> -> memref<1x2x100xi32, #tpu.memory_space<hbm>>
        %dma_wait3A_116 = tpu.memref_squeeze %dma_wait3A_115 : memref<1x2x100xi32, #tpu.memory_space<hbm>> -> memref<2x100xi32, #tpu.memory_space<hbm>>
        %dma_wait3A_117 = arith.constant 0 : i32
        %dma_wait3A_118 = arith.constant 0 : i32
        %dma_wait3A_119 = tpu.memref_slice %arg6[%dma_wait3A_108, %dma_wait3A_117, %dma_wait3A_118] : memref<4x2x100xi32, #tpu.memory_space<vmem>> -> memref<1x2x100xi32, #tpu.memory_space<vmem>>
        %dma_wait3A_120 = tpu.memref_squeeze %dma_wait3A_119 : memref<1x2x100xi32, #tpu.memory_space<vmem>> -> memref<2x100xi32, #tpu.memory_space<vmem>>
        %dma_wait3A_121 = arith.constant 0 : i32
        %dma_wait3A_122 = arith.constant 0 : i32
        %dma_wait3A_123 = tpu.memref_slice %arg3[%dma_wait3A, %dma_wait3A_121, %dma_wait3A_122] : memref<1024x2x100xi32, #tpu.memory_space<hbm>> -> memref<1x2x100xi32, #tpu.memory_space<hbm>>
        %dma_wait3A_124 = tpu.memref_squeeze %dma_wait3A_123 : memref<1x2x100xi32, #tpu.memory_space<hbm>> -> memref<2x100xi32, #tpu.memory_space<hbm>>
        tpu.wait_dma2 semaphore(%arg10 : memref<!tpu.dma_semaphore, #tpu.memory_space<semaphore_mem>>) src(%dma_wait3A_124 : memref<2x100xi32, #tpu.memory_space<hbm>>) dst(%dma_wait3A_120 : memref<2x100xi32, #tpu.memory_space<vmem>>)
        %dma_wait3A_125 = arith.constant 0 : i32
        %dma_wait3A_126 = arith.constant 0 : i32
        %dma_wait3A_127 = arith.constant 0 : i32
        %dma_wait3A_128 = arith.constant 0 : i32
        %dma_wait3A_129 = tpu.memref_slice %arg7[%dma_wait3A_126, %dma_wait3A_127, %dma_wait3A_128] : memref<2x200x64xf32, #tpu.memory_space<vmem>> -> memref<1x200x64xf32, #tpu.memory_space<vmem>>
        %dma_wait3A_130 = tpu.memref_squeeze %dma_wait3A_129 : memref<1x200x64xf32, #tpu.memory_space<vmem>> -> memref<200x64xf32, #tpu.memory_space<vmem>>
        %dma_wait3A_131 = arith.constant 0 : i32
        %dma_wait3A_132 = arith.constant 0 : i32
        %dma_wait3A_133 = tpu.memref_slice %arg2[%dma_wait3A_125, %dma_wait3A_131, %dma_wait3A_132] : memref<1024x200x64xf32, #tpu.memory_space<hbm>> -> memref<1x200x64xf32, #tpu.memory_space<hbm>>
        %dma_wait3A_134 = tpu.memref_squeeze %dma_wait3A_133 : memref<1x200x64xf32, #tpu.memory_space<hbm>> -> memref<200x64xf32, #tpu.memory_space<hbm>>
        %dma_wait3A_135 = arith.constant 0 : i32
        %dma_wait3A_136 = arith.constant 0 : i32
        %dma_wait3A_137 = tpu.memref_slice %arg7[%dma_wait3A_126, %dma_wait3A_135, %dma_wait3A_136] : memref<2x200x64xf32, #tpu.memory_space<vmem>> -> memref<1x200x64xf32, #tpu.memory_space<vmem>>
        %dma_wait3A_138 = tpu.memref_squeeze %dma_wait3A_137 : memref<1x200x64xf32, #tpu.memory_space<vmem>> -> memref<200x64xf32, #tpu.memory_space<vmem>>
        %dma_wait3A_139 = arith.constant 0 : i32
        %dma_wait3A_140 = arith.constant 0 : i32
        %dma_wait3A_141 = tpu.memref_slice %arg2[%dma_wait3A_125, %dma_wait3A_139, %dma_wait3A_140] : memref<1024x200x64xf32, #tpu.memory_space<hbm>> -> memref<1x200x64xf32, #tpu.memory_space<hbm>>
        %dma_wait3A_142 = tpu.memref_squeeze %dma_wait3A_141 : memref<1x200x64xf32, #tpu.memory_space<hbm>> -> memref<200x64xf32, #tpu.memory_space<hbm>>
        tpu.wait_dma2 semaphore(%arg12 : memref<!tpu.dma_semaphore, #tpu.memory_space<semaphore_mem>>) src(%dma_wait3A_142 : memref<200x64xf32, #tpu.memory_space<hbm>>) dst(%dma_wait3A_138 : memref<200x64xf32, #tpu.memory_space<vmem>>)
        %jit3A_143 = arith.constant 4 : i32
        %eq3A = arith.constant 0 : i32
        %eq3A_144 = arith.cmpi eq, %jit3A_143, %eq3A : i32
        %jit3A_145 = arith.constant 1 : i32
        %select_n3A_146 = arith.select %eq3A_144, %jit3A_145, %jit3A_143 : i32
        %rem3A_147 = arith.remsi %mul3A_69, %select_n3A_146 : i32
        %ne3A_148 = arith.constant 0 : i32
        %ne3A_149 = arith.cmpi ne, %rem3A_147, %ne3A_148 : i32
        %lt3A_150 = arith.constant 0 : i32
        %lt3A_151 = arith.cmpi slt, %rem3A_147, %lt3A_150 : i32
        %lt3A_152 = arith.constant 0 : i32
        %lt3A_153 = arith.cmpi slt, %select_n3A_146, %lt3A_152 : i32
        %ne3A_154 = arith.xori %lt3A_151, %lt3A_153 : i1
        %and3A_155 = arith.andi %ne3A_154, %ne3A_149 : i1
        %add3A_156 = arith.addi %rem3A_147, %select_n3A_146 : i32
        %select_n3A_157 = arith.select %and3A_155, %add3A_156, %rem3A_147 : i32
        %mul3A_158 = arith.constant 2 : i32
        %mul3A_159 = arith.muli %mul3A_158, %min3A_14 : i32
        %add3A_160 = arith.constant 0 : i32
        %add3A_161 = arith.addi %mul3A_159, %add3A_160 : i32
        %run_scoped3A = arith.constant 0 : i32
        %run_scoped3A_162 = arith.constant 0 : i32
        "tpu.region"() ({
          %run_scoped3A_181 = tpu.sem_alloc : memref<!tpu.dma_semaphore, #tpu.memory_space<semaphore_mem>>
          %dma_start3A_182 = arith.constant 0 : i32
          %dma_start3A_183 = arith.constant 0 : i32
          %dma_start3A_184 = tpu.memref_slice %arg7[%run_scoped3A, %dma_start3A_182, %dma_start3A_183] : memref<2x200x64xf32, #tpu.memory_space<vmem>> -> memref<1x200x64xf32, #tpu.memory_space<vmem>>
          %dma_start3A_185 = tpu.memref_squeeze %dma_start3A_184 : memref<1x200x64xf32, #tpu.memory_space<vmem>> -> memref<200x64xf32, #tpu.memory_space<vmem>>
          %dma_start3A_186 = arith.constant 0 : i32
          %dma_start3A_187 = arith.constant 0 : i32
          %dma_start3A_188 = tpu.memref_slice %dma_start3A_185[%dma_start3A_186, %dma_start3A_187] : memref<200x64xf32, #tpu.memory_space<vmem>> -> memref<100x64xf32, #tpu.memory_space<vmem>>
          %dma_start3A_189 = arith.constant 0 : i32
          %dma_start3A_190 = arith.constant 0 : i32
          %dma_start3A_191 = tpu.memref_slice %arg6[%select_n3A_157, %dma_start3A_189, %dma_start3A_190] : memref<4x2x100xi32, #tpu.memory_space<vmem>> -> memref<1x2x100xi32, #tpu.memory_space<vmem>>
          %dma_start3A_192 = tpu.memref_squeeze %dma_start3A_191 : memref<1x2x100xi32, #tpu.memory_space<vmem>> -> memref<2x100xi32, #tpu.memory_space<vmem>>
          %dma_start3A_193 = arith.constant 0 : i32
          %dma_start3A_194 = tpu.memref_slice %dma_start3A_192[%run_scoped3A_162, %dma_start3A_193] : memref<2x100xi32, #tpu.memory_space<vmem>> -> memref<1x100xi32, #tpu.memory_space<vmem>>
          %dma_start3A_195 = tpu.memref_squeeze %dma_start3A_194 : memref<1x100xi32, #tpu.memory_space<vmem>> -> memref<100xi32, #tpu.memory_space<vmem>>
          %dma_start3A_196 = arith.constant 0 : i32
          %dma_start3A_197 = arith.constant 0 : i32
          %dma_start3A_198 = tpu.memref_slice %arg8[%add3A_161, %dma_start3A_196, %dma_start3A_197] : memref<22x1024x64xf32, #tpu.memory_space<vmem_shared>> -> memref<1x1024x64xf32, #tpu.memory_space<vmem_shared>>
          %dma_start3A_199 = tpu.memref_squeeze %dma_start3A_198 : memref<1x1024x64xf32, #tpu.memory_space<vmem_shared>> -> memref<1024x64xf32, #tpu.memory_space<vmem_shared>>
          %dma_start3A_200 = arith.constant 0 : i32
          %dma_start3A_201 = arith.constant 0 : i32
          %dma_start3A_202 = tpu.memref_slice %dma_start3A_199[%dma_start3A_200, %dma_start3A_201] : memref<1024x64xf32, #tpu.memory_space<vmem_shared>> -> memref<1024x64xf32, #tpu.memory_space<vmem_shared>>
          tpu.enqueue_indirect_dma source(%dma_start3A_188 : memref<100x64xf32, #tpu.memory_space<vmem>>) target(%dma_start3A_202 : memref<1024x64xf32, #tpu.memory_space<vmem_shared>>) offsets(%dma_start3A_195 : memref<100xi32, #tpu.memory_space<vmem>>) semaphore(%run_scoped3A_181 : memref<!tpu.dma_semaphore, #tpu.memory_space<semaphore_mem>>) {add = true}
          %dma_wait3A_203 = arith.constant 0 : i32
          %dma_wait3A_204 = arith.constant 0 : i32
          %dma_wait3A_205 = tpu.memref_slice %arg7[%run_scoped3A, %dma_wait3A_203, %dma_wait3A_204] : memref<2x200x64xf32, #tpu.memory_space<vmem>> -> memref<1x200x64xf32, #tpu.memory_space<vmem>>
          %dma_wait3A_206 = tpu.memref_squeeze %dma_wait3A_205 : memref<1x200x64xf32, #tpu.memory_space<vmem>> -> memref<200x64xf32, #tpu.memory_space<vmem>>
          %dma_wait3A_207 = arith.constant 0 : i32
          %dma_wait3A_208 = arith.constant 0 : i32
          %dma_wait3A_209 = tpu.memref_slice %dma_wait3A_206[%dma_wait3A_207, %dma_wait3A_208] : memref<200x64xf32, #tpu.memory_space<vmem>> -> memref<100x64xf32, #tpu.memory_space<vmem>>
          %dma_wait3A_210 = arith.constant 0 : i32
          %dma_wait3A_211 = arith.constant 0 : i32
          %dma_wait3A_212 = tpu.memref_slice %arg6[%select_n3A_157, %dma_wait3A_210, %dma_wait3A_211] : memref<4x2x100xi32, #tpu.memory_space<vmem>> -> memref<1x2x100xi32, #tpu.memory_space<vmem>>
          %dma_wait3A_213 = tpu.memref_squeeze %dma_wait3A_212 : memref<1x2x100xi32, #tpu.memory_space<vmem>> -> memref<2x100xi32, #tpu.memory_space<vmem>>
          %dma_wait3A_214 = arith.constant 0 : i32
          %dma_wait3A_215 = tpu.memref_slice %dma_wait3A_213[%run_scoped3A_162, %dma_wait3A_214] : memref<2x100xi32, #tpu.memory_space<vmem>> -> memref<1x100xi32, #tpu.memory_space<vmem>>
          %dma_wait3A_216 = tpu.memref_squeeze %dma_wait3A_215 : memref<1x100xi32, #tpu.memory_space<vmem>> -> memref<100xi32, #tpu.memory_space<vmem>>
          %dma_wait3A_217 = arith.constant 0 : i32
          %dma_wait3A_218 = arith.constant 0 : i32
          %dma_wait3A_219 = tpu.memref_slice %arg8[%add3A_161, %dma_wait3A_217, %dma_wait3A_218] : memref<22x1024x64xf32, #tpu.memory_space<vmem_shared>> -> memref<1x1024x64xf32, #tpu.memory_space<vmem_shared>>
          %dma_wait3A_220 = tpu.memref_squeeze %dma_wait3A_219 : memref<1x1024x64xf32, #tpu.memory_space<vmem_shared>> -> memref<1024x64xf32, #tpu.memory_space<vmem_shared>>
          %dma_wait3A_221 = arith.constant 0 : i32
          %dma_wait3A_222 = arith.constant 0 : i32
          %dma_wait3A_223 = tpu.memref_slice %dma_wait3A_220[%dma_wait3A_221, %dma_wait3A_222] : memref<1024x64xf32, #tpu.memory_space<vmem_shared>> -> memref<1024x64xf32, #tpu.memory_space<vmem_shared>>
          tpu.wait_indirect_dma semaphore(%run_scoped3A_181 : memref<!tpu.dma_semaphore, #tpu.memory_space<semaphore_mem>>) src(%dma_wait3A_209 : memref<100x64xf32, #tpu.memory_space<vmem>>) dst(%dma_wait3A_223 : memref<1024x64xf32, #tpu.memory_space<vmem_shared>>)
          tpu.yield
        }) : () -> ()
        %mul3A_163 = arith.constant 2 : i32
        %mul3A_164 = arith.muli %mul3A_163, %min3A_14 : i32
        %add3A_165 = arith.constant 0 : i32
        %add3A_166 = arith.addi %mul3A_164, %add3A_165 : i32
        %run_scoped3A_167 = arith.constant 0 : i32
        %run_scoped3A_168 = arith.constant 1 : i32
        "tpu.region"() ({
          %run_scoped3A_181 = tpu.sem_alloc : memref<!tpu.dma_semaphore, #tpu.memory_space<semaphore_mem>>
          %dma_start3A_182 = arith.constant 0 : i32
          %dma_start3A_183 = arith.constant 0 : i32
          %dma_start3A_184 = tpu.memref_slice %arg7[%run_scoped3A_167, %dma_start3A_182, %dma_start3A_183] : memref<2x200x64xf32, #tpu.memory_space<vmem>> -> memref<1x200x64xf32, #tpu.memory_space<vmem>>
          %dma_start3A_185 = tpu.memref_squeeze %dma_start3A_184 : memref<1x200x64xf32, #tpu.memory_space<vmem>> -> memref<200x64xf32, #tpu.memory_space<vmem>>
          %dma_start3A_186 = arith.constant 100 : i32
          %dma_start3A_187 = arith.constant 0 : i32
          %dma_start3A_188 = tpu.memref_slice %dma_start3A_185[%dma_start3A_186, %dma_start3A_187] : memref<200x64xf32, #tpu.memory_space<vmem>> -> memref<100x64xf32, #tpu.memory_space<vmem>>
          %dma_start3A_189 = arith.constant 0 : i32
          %dma_start3A_190 = arith.constant 0 : i32
          %dma_start3A_191 = tpu.memref_slice %arg6[%select_n3A_157, %dma_start3A_189, %dma_start3A_190] : memref<4x2x100xi32, #tpu.memory_space<vmem>> -> memref<1x2x100xi32, #tpu.memory_space<vmem>>
          %dma_start3A_192 = tpu.memref_squeeze %dma_start3A_191 : memref<1x2x100xi32, #tpu.memory_space<vmem>> -> memref<2x100xi32, #tpu.memory_space<vmem>>
          %dma_start3A_193 = arith.constant 0 : i32
          %dma_start3A_194 = tpu.memref_slice %dma_start3A_192[%run_scoped3A_168, %dma_start3A_193] : memref<2x100xi32, #tpu.memory_space<vmem>> -> memref<1x100xi32, #tpu.memory_space<vmem>>
          %dma_start3A_195 = tpu.memref_squeeze %dma_start3A_194 : memref<1x100xi32, #tpu.memory_space<vmem>> -> memref<100xi32, #tpu.memory_space<vmem>>
          %dma_start3A_196 = arith.constant 0 : i32
          %dma_start3A_197 = arith.constant 0 : i32
          %dma_start3A_198 = tpu.memref_slice %arg8[%add3A_166, %dma_start3A_196, %dma_start3A_197] : memref<22x1024x64xf32, #tpu.memory_space<vmem_shared>> -> memref<1x1024x64xf32, #tpu.memory_space<vmem_shared>>
          %dma_start3A_199 = tpu.memref_squeeze %dma_start3A_198 : memref<1x1024x64xf32, #tpu.memory_space<vmem_shared>> -> memref<1024x64xf32, #tpu.memory_space<vmem_shared>>
          %dma_start3A_200 = arith.constant 0 : i32
          %dma_start3A_201 = arith.constant 0 : i32
          %dma_start3A_202 = tpu.memref_slice %dma_start3A_199[%dma_start3A_200, %dma_start3A_201] : memref<1024x64xf32, #tpu.memory_space<vmem_shared>> -> memref<1024x64xf32, #tpu.memory_space<vmem_shared>>
          tpu.enqueue_indirect_dma source(%dma_start3A_188 : memref<100x64xf32, #tpu.memory_space<vmem>>) target(%dma_start3A_202 : memref<1024x64xf32, #tpu.memory_space<vmem_shared>>) offsets(%dma_start3A_195 : memref<100xi32, #tpu.memory_space<vmem>>) semaphore(%run_scoped3A_181 : memref<!tpu.dma_semaphore, #tpu.memory_space<semaphore_mem>>) {add = true}
          %dma_wait3A_203 = arith.constant 0 : i32
          %dma_wait3A_204 = arith.constant 0 : i32
          %dma_wait3A_205 = tpu.memref_slice %arg7[%run_scoped3A_167, %dma_wait3A_203, %dma_wait3A_204] : memref<2x200x64xf32, #tpu.memory_space<vmem>> -> memref<1x200x64xf32, #tpu.memory_space<vmem>>
          %dma_wait3A_206 = tpu.memref_squeeze %dma_wait3A_205 : memref<1x200x64xf32, #tpu.memory_space<vmem>> -> memref<200x64xf32, #tpu.memory_space<vmem>>
          %dma_wait3A_207 = arith.constant 100 : i32
          %dma_wait3A_208 = arith.constant 0 : i32
          %dma_wait3A_209 = tpu.memref_slice %dma_wait3A_206[%dma_wait3A_207, %dma_wait3A_208] : memref<200x64xf32, #tpu.memory_space<vmem>> -> memref<100x64xf32, #tpu.memory_space<vmem>>
          %dma_wait3A_210 = arith.constant 0 : i32
          %dma_wait3A_211 = arith.constant 0 : i32
          %dma_wait3A_212 = tpu.memref_slice %arg6[%select_n3A_157, %dma_wait3A_210, %dma_wait3A_211] : memref<4x2x100xi32, #tpu.memory_space<vmem>> -> memref<1x2x100xi32, #tpu.memory_space<vmem>>
          %dma_wait3A_213 = tpu.memref_squeeze %dma_wait3A_212 : memref<1x2x100xi32, #tpu.memory_space<vmem>> -> memref<2x100xi32, #tpu.memory_space<vmem>>
          %dma_wait3A_214 = arith.constant 0 : i32
          %dma_wait3A_215 = tpu.memref_slice %dma_wait3A_213[%run_scoped3A_168, %dma_wait3A_214] : memref<2x100xi32, #tpu.memory_space<vmem>> -> memref<1x100xi32, #tpu.memory_space<vmem>>
          %dma_wait3A_216 = tpu.memref_squeeze %dma_wait3A_215 : memref<1x100xi32, #tpu.memory_space<vmem>> -> memref<100xi32, #tpu.memory_space<vmem>>
          %dma_wait3A_217 = arith.constant 0 : i32
          %dma_wait3A_218 = arith.constant 0 : i32
          %dma_wait3A_219 = tpu.memref_slice %arg8[%add3A_166, %dma_wait3A_217, %dma_wait3A_218] : memref<22x1024x64xf32, #tpu.memory_space<vmem_shared>> -> memref<1x1024x64xf32, #tpu.memory_space<vmem_shared>>
          %dma_wait3A_220 = tpu.memref_squeeze %dma_wait3A_219 : memref<1x1024x64xf32, #tpu.memory_space<vmem_shared>> -> memref<1024x64xf32, #tpu.memory_space<vmem_shared>>
          %dma_wait3A_221 = arith.constant 0 : i32
          %dma_wait3A_222 = arith.constant 0 : i32
          %dma_wait3A_223 = tpu.memref_slice %dma_wait3A_220[%dma_wait3A_221, %dma_wait3A_222] : memref<1024x64xf32, #tpu.memory_space<vmem_shared>> -> memref<1024x64xf32, #tpu.memory_space<vmem_shared>>
          tpu.wait_indirect_dma semaphore(%run_scoped3A_181 : memref<!tpu.dma_semaphore, #tpu.memory_space<semaphore_mem>>) src(%dma_wait3A_209 : memref<100x64xf32, #tpu.memory_space<vmem>>) dst(%dma_wait3A_223 : memref<1024x64xf32, #tpu.memory_space<vmem_shared>>)
          tpu.yield
        }) : () -> ()
        %add3A_169 = arith.addi %add3A_12, %mul3A_69 : i32
        %mul3A_170 = arith.constant 2 : i32
        %mul3A_171 = arith.muli %mul3A_170, %min3A_14 : i32
        %add3A_172 = arith.constant 0 : i32
        %add3A_173 = arith.addi %mul3A_171, %add3A_172 : i32
        %mul3A_174 = arith.constant 1024 : i32
        %mul3A_175 = arith.muli %add3A_169, %mul3A_174 : i32
        %dma_start3A = arith.constant 0 : i32
        %dma_start3A_176 = tpu.memref_slice %arg5[%mul3A_175, %dma_start3A] : memref<1048576x64xf32, #tpu.memory_space<hbm>> -> memref<1024x64xf32, #tpu.memory_space<hbm>>
        %dma_start3A_177 = arith.constant 0 : i32
        %dma_start3A_178 = arith.constant 0 : i32
        %dma_start3A_179 = tpu.memref_slice %arg8[%add3A_173, %dma_start3A_177, %dma_start3A_178] : memref<22x1024x64xf32, #tpu.memory_space<vmem_shared>> -> memref<1x1024x64xf32, #tpu.memory_space<vmem_shared>>
        %dma_start3A_180 = tpu.memref_squeeze %dma_start3A_179 : memref<1x1024x64xf32, #tpu.memory_space<vmem_shared>> -> memref<1024x64xf32, #tpu.memory_space<vmem_shared>>
        tpu.enqueue_dma source(%dma_start3A_180 : memref<1024x64xf32, #tpu.memory_space<vmem_shared>>) target(%dma_start3A_176 : memref<1024x64xf32, #tpu.memory_space<hbm>>) target_semaphore(%arg14 : memref<!tpu.dma_semaphore, #tpu.memory_space<semaphore_mem>>)
      } else {
      }
      %add3A_85 = arith.constant 2 : i32
      %add3A_86 = arith.addi %mul3A_69, %add3A_85 : i32
      %lt3A_87 = arith.cmpi slt, %add3A_86, %select_n3A_8 : i32
      %convert_element_type3A_88 = arith.extui %lt3A_87 : i1 to i32
      %cond3A_89 = arith.constant 0 : i32
      %cond3A_90 = arith.cmpi ne, %convert_element_type3A_88, %cond3A_89 : i32
      scf.if %cond3A_90 {
        %add3A_108 = arith.addi %add3A_12, %add3A_86 : i32
        %jit3A_109 = arith.constant 4 : i32
        %eq3A = arith.constant 0 : i32
        %eq3A_110 = arith.cmpi eq, %jit3A_109, %eq3A : i32
        %jit3A_111 = arith.constant 1 : i32
        %select_n3A_112 = arith.select %eq3A_110, %jit3A_111, %jit3A_109 : i32
        %rem3A_113 = arith.remsi %add3A_86, %select_n3A_112 : i32
        %ne3A_114 = arith.constant 0 : i32
        %ne3A_115 = arith.cmpi ne, %rem3A_113, %ne3A_114 : i32
        %lt3A_116 = arith.constant 0 : i32
        %lt3A_117 = arith.cmpi slt, %rem3A_113, %lt3A_116 : i32
        %lt3A_118 = arith.constant 0 : i32
        %lt3A_119 = arith.cmpi slt, %select_n3A_112, %lt3A_118 : i32
        %ne3A_120 = arith.xori %lt3A_117, %lt3A_119 : i1
        %and3A_121 = arith.andi %ne3A_120, %ne3A_115 : i1
        %add3A_122 = arith.addi %rem3A_113, %select_n3A_112 : i32
        %select_n3A_123 = arith.select %and3A_121, %add3A_122, %rem3A_113 : i32
        %dma_start3A = arith.constant 0 : i32
        %dma_start3A_124 = arith.constant 0 : i32
        %dma_start3A_125 = tpu.memref_slice %arg6[%select_n3A_123, %dma_start3A, %dma_start3A_124] : memref<4x2x100xi32, #tpu.memory_space<vmem>> -> memref<1x2x100xi32, #tpu.memory_space<vmem>>
        %dma_start3A_126 = tpu.memref_squeeze %dma_start3A_125 : memref<1x2x100xi32, #tpu.memory_space<vmem>> -> memref<2x100xi32, #tpu.memory_space<vmem>>
        %dma_start3A_127 = arith.constant 0 : i32
        %dma_start3A_128 = arith.constant 0 : i32
        %dma_start3A_129 = tpu.memref_slice %arg3[%add3A_108, %dma_start3A_127, %dma_start3A_128] : memref<1024x2x100xi32, #tpu.memory_space<hbm>> -> memref<1x2x100xi32, #tpu.memory_space<hbm>>
        %dma_start3A_130 = tpu.memref_squeeze %dma_start3A_129 : memref<1x2x100xi32, #tpu.memory_space<hbm>> -> memref<2x100xi32, #tpu.memory_space<hbm>>
        %dma_start3A_131 = arith.constant 0 : i32
        %dma_start3A_132 = arith.constant 0 : i32
        %dma_start3A_133 = tpu.memref_slice %arg6[%select_n3A_123, %dma_start3A_131, %dma_start3A_132] : memref<4x2x100xi32, #tpu.memory_space<vmem>> -> memref<1x2x100xi32, #tpu.memory_space<vmem>>
        %dma_start3A_134 = tpu.memref_squeeze %dma_start3A_133 : memref<1x2x100xi32, #tpu.memory_space<vmem>> -> memref<2x100xi32, #tpu.memory_space<vmem>>
        %dma_start3A_135 = arith.constant 0 : i32
        %dma_start3A_136 = arith.constant 0 : i32
        %dma_start3A_137 = tpu.memref_slice %arg3[%add3A_108, %dma_start3A_135, %dma_start3A_136] : memref<1024x2x100xi32, #tpu.memory_space<hbm>> -> memref<1x2x100xi32, #tpu.memory_space<hbm>>
        %dma_start3A_138 = tpu.memref_squeeze %dma_start3A_137 : memref<1x2x100xi32, #tpu.memory_space<hbm>> -> memref<2x100xi32, #tpu.memory_space<hbm>>
        tpu.enqueue_dma source(%dma_start3A_138 : memref<2x100xi32, #tpu.memory_space<hbm>>) target(%dma_start3A_134 : memref<2x100xi32, #tpu.memory_space<vmem>>) target_semaphore(%arg10 : memref<!tpu.dma_semaphore, #tpu.memory_space<semaphore_mem>>)
        %dma_start3A_139 = arith.constant 0 : i32
        %dma_start3A_140 = arith.constant 0 : i32
        %dma_start3A_141 = arith.constant 0 : i32
        %dma_start3A_142 = tpu.memref_slice %arg7[%dma_start3A_139, %dma_start3A_140, %dma_start3A_141] : memref<2x200x64xf32, #tpu.memory_space<vmem>> -> memref<1x200x64xf32, #tpu.memory_space<vmem>>
        %dma_start3A_143 = tpu.memref_squeeze %dma_start3A_142 : memref<1x200x64xf32, #tpu.memory_space<vmem>> -> memref<200x64xf32, #tpu.memory_space<vmem>>
        %dma_start3A_144 = arith.constant 0 : i32
        %dma_start3A_145 = arith.constant 0 : i32
        %dma_start3A_146 = tpu.memref_slice %arg2[%add3A_108, %dma_start3A_144, %dma_start3A_145] : memref<1024x200x64xf32, #tpu.memory_space<hbm>> -> memref<1x200x64xf32, #tpu.memory_space<hbm>>
        %dma_start3A_147 = tpu.memref_squeeze %dma_start3A_146 : memref<1x200x64xf32, #tpu.memory_space<hbm>> -> memref<200x64xf32, #tpu.memory_space<hbm>>
        %dma_start3A_148 = arith.constant 0 : i32
        %dma_start3A_149 = arith.constant 0 : i32
        %dma_start3A_150 = tpu.memref_slice %arg7[%dma_start3A_139, %dma_start3A_148, %dma_start3A_149] : memref<2x200x64xf32, #tpu.memory_space<vmem>> -> memref<1x200x64xf32, #tpu.memory_space<vmem>>
        %dma_start3A_151 = tpu.memref_squeeze %dma_start3A_150 : memref<1x200x64xf32, #tpu.memory_space<vmem>> -> memref<200x64xf32, #tpu.memory_space<vmem>>
        %dma_start3A_152 = arith.constant 0 : i32
        %dma_start3A_153 = arith.constant 0 : i32
        %dma_start3A_154 = tpu.memref_slice %arg2[%add3A_108, %dma_start3A_152, %dma_start3A_153] : memref<1024x200x64xf32, #tpu.memory_space<hbm>> -> memref<1x200x64xf32, #tpu.memory_space<hbm>>
        %dma_start3A_155 = tpu.memref_squeeze %dma_start3A_154 : memref<1x200x64xf32, #tpu.memory_space<hbm>> -> memref<200x64xf32, #tpu.memory_space<hbm>>
        tpu.enqueue_dma source(%dma_start3A_155 : memref<200x64xf32, #tpu.memory_space<hbm>>) target(%dma_start3A_151 : memref<200x64xf32, #tpu.memory_space<vmem>>) target_semaphore(%arg12 : memref<!tpu.dma_semaphore, #tpu.memory_space<semaphore_mem>>)
      } else {
      }
      %ge3A_91 = arith.constant 1 : i32
      %ge3A_92 = arith.cmpi sge, %while3A_67, %ge3A_91 : i32
      %lt3A_93 = arith.cmpi slt, %add3A_73, %select_n3A_8 : i32
      %and3A_94 = arith.andi %ge3A_92, %lt3A_93 : i1
      %convert_element_type3A_95 = arith.extui %and3A_94 : i1 to i32
      %cond3A_96 = arith.constant 0 : i32
      %cond3A_97 = arith.cmpi ne, %convert_element_type3A_95, %cond3A_96 : i32
      scf.if %cond3A_97 {
        %mul3A_108 = arith.constant 2 : i32
        %mul3A_109 = arith.muli %mul3A_108, %min3A_14 : i32
        %add3A_110 = arith.constant 1 : i32
        %add3A_111 = arith.addi %mul3A_109, %add3A_110 : i32
        %dma_wait3A = arith.constant 0 : i32
        %dma_wait3A_112 = arith.constant 0 : i32
        %dma_wait3A_113 = tpu.memref_slice %arg5[%dma_wait3A, %dma_wait3A_112] : memref<1048576x64xf32, #tpu.memory_space<hbm>> -> memref<1024x64xf32, #tpu.memory_space<hbm>>
        %dma_wait3A_114 = arith.constant 0 : i32
        %dma_wait3A_115 = arith.constant 0 : i32
        %dma_wait3A_116 = tpu.memref_slice %arg8[%add3A_111, %dma_wait3A_114, %dma_wait3A_115] : memref<22x1024x64xf32, #tpu.memory_space<vmem_shared>> -> memref<1x1024x64xf32, #tpu.memory_space<vmem_shared>>
        %dma_wait3A_117 = tpu.memref_squeeze %dma_wait3A_116 : memref<1x1024x64xf32, #tpu.memory_space<vmem_shared>> -> memref<1024x64xf32, #tpu.memory_space<vmem_shared>>
        tpu.wait_dma2 semaphore(%arg15 : memref<!tpu.dma_semaphore, #tpu.memory_space<semaphore_mem>>) src(%dma_wait3A_117 : memref<1024x64xf32, #tpu.memory_space<vmem_shared>>) dst(%dma_wait3A_113 : memref<1024x64xf32, #tpu.memory_space<hbm>>)
        %sub3A_118 = arith.constant 2 : i32
        %sub3A_119 = arith.subi %add3A_73, %sub3A_118 : i32
        %jit3A_120 = arith.constant 4 : i32
        %eq3A = arith.constant 0 : i32
        %eq3A_121 = arith.cmpi eq, %jit3A_120, %eq3A : i32
        %jit3A_122 = arith.constant 1 : i32
        %select_n3A_123 = arith.select %eq3A_121, %jit3A_122, %jit3A_120 : i32
        %rem3A_124 = arith.remsi %sub3A_119, %select_n3A_123 : i32
        %ne3A_125 = arith.constant 0 : i32
        %ne3A_126 = arith.cmpi ne, %rem3A_124, %ne3A_125 : i32
        %lt3A_127 = arith.constant 0 : i32
        %lt3A_128 = arith.cmpi slt, %rem3A_124, %lt3A_127 : i32
        %lt3A_129 = arith.constant 0 : i32
        %lt3A_130 = arith.cmpi slt, %select_n3A_123, %lt3A_129 : i32
        %ne3A_131 = arith.xori %lt3A_128, %lt3A_130 : i1
        %and3A_132 = arith.andi %ne3A_131, %ne3A_126 : i1
        %add3A_133 = arith.addi %rem3A_124, %select_n3A_123 : i32
        %select_n3A_134 = arith.select %and3A_132, %add3A_133, %rem3A_124 : i32
        %mul3A_135 = arith.constant 2 : i32
        %mul3A_136 = arith.muli %mul3A_135, %min3A_14 : i32
        %add3A_137 = arith.constant 1 : i32
        %add3A_138 = arith.addi %mul3A_136, %add3A_137 : i32
        %run_scoped3A = arith.constant 0 : i32
        "tpu.region"() ({
          %run_scoped3A_144 = tpu.sem_alloc : memref<!tpu.dma_semaphore, #tpu.memory_space<semaphore_mem>>
          %dma_start3A = arith.constant 0 : i32
          %dma_start3A_145 = arith.constant 0 : i32
          %dma_start3A_146 = tpu.memref_slice %arg6[%select_n3A_134, %dma_start3A, %dma_start3A_145] : memref<4x2x100xi32, #tpu.memory_space<vmem>> -> memref<1x2x100xi32, #tpu.memory_space<vmem>>
          %dma_start3A_147 = tpu.memref_squeeze %dma_start3A_146 : memref<1x2x100xi32, #tpu.memory_space<vmem>> -> memref<2x100xi32, #tpu.memory_space<vmem>>
          %dma_start3A_148 = arith.constant 0 : i32
          %dma_start3A_149 = tpu.memref_slice %dma_start3A_147[%run_scoped3A, %dma_start3A_148] : memref<2x100xi32, #tpu.memory_space<vmem>> -> memref<1x100xi32, #tpu.memory_space<vmem>>
          %dma_start3A_150 = tpu.memref_squeeze %dma_start3A_149 : memref<1x100xi32, #tpu.memory_space<vmem>> -> memref<100xi32, #tpu.memory_space<vmem>>
          %dma_start3A_151 = arith.constant 0 : i32
          %dma_start3A_152 = arith.constant 0 : i32
          %dma_start3A_153 = tpu.memref_slice %arg8[%add3A_138, %dma_start3A_151, %dma_start3A_152] : memref<22x1024x64xf32, #tpu.memory_space<vmem_shared>> -> memref<1x1024x64xf32, #tpu.memory_space<vmem_shared>>
          %dma_start3A_154 = tpu.memref_squeeze %dma_start3A_153 : memref<1x1024x64xf32, #tpu.memory_space<vmem_shared>> -> memref<1024x64xf32, #tpu.memory_space<vmem_shared>>
          %dma_start3A_155 = arith.constant 0 : i32
          %dma_start3A_156 = arith.constant 0 : i32
          %dma_start3A_157 = tpu.memref_slice %dma_start3A_154[%dma_start3A_155, %dma_start3A_156] : memref<1024x64xf32, #tpu.memory_space<vmem_shared>> -> memref<1024x64xf32, #tpu.memory_space<vmem_shared>>
          tpu.enqueue_indirect_dma source(%arg9 : memref<100x64xf32, #tpu.memory_space<vmem>>) target(%dma_start3A_157 : memref<1024x64xf32, #tpu.memory_space<vmem_shared>>) offsets(%dma_start3A_150 : memref<100xi32, #tpu.memory_space<vmem>>) semaphore(%run_scoped3A_144 : memref<!tpu.dma_semaphore, #tpu.memory_space<semaphore_mem>>)
          %dma_wait3A_158 = arith.constant 0 : i32
          %dma_wait3A_159 = arith.constant 0 : i32
          %dma_wait3A_160 = tpu.memref_slice %arg6[%select_n3A_134, %dma_wait3A_158, %dma_wait3A_159] : memref<4x2x100xi32, #tpu.memory_space<vmem>> -> memref<1x2x100xi32, #tpu.memory_space<vmem>>
          %dma_wait3A_161 = tpu.memref_squeeze %dma_wait3A_160 : memref<1x2x100xi32, #tpu.memory_space<vmem>> -> memref<2x100xi32, #tpu.memory_space<vmem>>
          %dma_wait3A_162 = arith.constant 0 : i32
          %dma_wait3A_163 = tpu.memref_slice %dma_wait3A_161[%run_scoped3A, %dma_wait3A_162] : memref<2x100xi32, #tpu.memory_space<vmem>> -> memref<1x100xi32, #tpu.memory_space<vmem>>
          %dma_wait3A_164 = tpu.memref_squeeze %dma_wait3A_163 : memref<1x100xi32, #tpu.memory_space<vmem>> -> memref<100xi32, #tpu.memory_space<vmem>>
          %dma_wait3A_165 = arith.constant 0 : i32
          %dma_wait3A_166 = arith.constant 0 : i32
          %dma_wait3A_167 = tpu.memref_slice %arg8[%add3A_138, %dma_wait3A_165, %dma_wait3A_166] : memref<22x1024x64xf32, #tpu.memory_space<vmem_shared>> -> memref<1x1024x64xf32, #tpu.memory_space<vmem_shared>>
          %dma_wait3A_168 = tpu.memref_squeeze %dma_wait3A_167 : memref<1x1024x64xf32, #tpu.memory_space<vmem_shared>> -> memref<1024x64xf32, #tpu.memory_space<vmem_shared>>
          %dma_wait3A_169 = arith.constant 0 : i32
          %dma_wait3A_170 = arith.constant 0 : i32
          %dma_wait3A_171 = tpu.memref_slice %dma_wait3A_168[%dma_wait3A_169, %dma_wait3A_170] : memref<1024x64xf32, #tpu.memory_space<vmem_shared>> -> memref<1024x64xf32, #tpu.memory_space<vmem_shared>>
          tpu.wait_indirect_dma semaphore(%run_scoped3A_144 : memref<!tpu.dma_semaphore, #tpu.memory_space<semaphore_mem>>) src(%arg9 : memref<100x64xf32, #tpu.memory_space<vmem>>) dst(%dma_wait3A_171 : memref<1024x64xf32, #tpu.memory_space<vmem_shared>>)
          tpu.yield
        }) : () -> ()
        %mul3A_139 = arith.constant 2 : i32
        %mul3A_140 = arith.muli %mul3A_139, %min3A_14 : i32
        %add3A_141 = arith.constant 1 : i32
        %add3A_142 = arith.addi %mul3A_140, %add3A_141 : i32
        %run_scoped3A_143 = arith.constant 1 : i32
        "tpu.region"() ({
          %run_scoped3A_144 = tpu.sem_alloc : memref<!tpu.dma_semaphore, #tpu.memory_space<semaphore_mem>>
          %dma_start3A = arith.constant 0 : i32
          %dma_start3A_145 = arith.constant 0 : i32
          %dma_start3A_146 = tpu.memref_slice %arg6[%select_n3A_134, %dma_start3A, %dma_start3A_145] : memref<4x2x100xi32, #tpu.memory_space<vmem>> -> memref<1x2x100xi32, #tpu.memory_space<vmem>>
          %dma_start3A_147 = tpu.memref_squeeze %dma_start3A_146 : memref<1x2x100xi32, #tpu.memory_space<vmem>> -> memref<2x100xi32, #tpu.memory_space<vmem>>
          %dma_start3A_148 = arith.constant 0 : i32
          %dma_start3A_149 = tpu.memref_slice %dma_start3A_147[%run_scoped3A_143, %dma_start3A_148] : memref<2x100xi32, #tpu.memory_space<vmem>> -> memref<1x100xi32, #tpu.memory_space<vmem>>
          %dma_start3A_150 = tpu.memref_squeeze %dma_start3A_149 : memref<1x100xi32, #tpu.memory_space<vmem>> -> memref<100xi32, #tpu.memory_space<vmem>>
          %dma_start3A_151 = arith.constant 0 : i32
          %dma_start3A_152 = arith.constant 0 : i32
          %dma_start3A_153 = tpu.memref_slice %arg8[%add3A_142, %dma_start3A_151, %dma_start3A_152] : memref<22x1024x64xf32, #tpu.memory_space<vmem_shared>> -> memref<1x1024x64xf32, #tpu.memory_space<vmem_shared>>
          %dma_start3A_154 = tpu.memref_squeeze %dma_start3A_153 : memref<1x1024x64xf32, #tpu.memory_space<vmem_shared>> -> memref<1024x64xf32, #tpu.memory_space<vmem_shared>>
          %dma_start3A_155 = arith.constant 0 : i32
          %dma_start3A_156 = arith.constant 0 : i32
          %dma_start3A_157 = tpu.memref_slice %dma_start3A_154[%dma_start3A_155, %dma_start3A_156] : memref<1024x64xf32, #tpu.memory_space<vmem_shared>> -> memref<1024x64xf32, #tpu.memory_space<vmem_shared>>
          tpu.enqueue_indirect_dma source(%arg9 : memref<100x64xf32, #tpu.memory_space<vmem>>) target(%dma_start3A_157 : memref<1024x64xf32, #tpu.memory_space<vmem_shared>>) offsets(%dma_start3A_150 : memref<100xi32, #tpu.memory_space<vmem>>) semaphore(%run_scoped3A_144 : memref<!tpu.dma_semaphore, #tpu.memory_space<semaphore_mem>>)
          %dma_wait3A_158 = arith.constant 0 : i32
          %dma_wait3A_159 = arith.constant 0 : i32
          %dma_wait3A_160 = tpu.memref_slice %arg6[%select_n3A_134, %dma_wait3A_158, %dma_wait3A_159] : memref<4x2x100xi32, #tpu.memory_space<vmem>> -> memref<1x2x100xi32, #tpu.memory_space<vmem>>
          %dma_wait3A_161 = tpu.memref_squeeze %dma_wait3A_160 : memref<1x2x100xi32, #tpu.memory_space<vmem>> -> memref<2x100xi32, #tpu.memory_space<vmem>>
          %dma_wait3A_162 = arith.constant 0 : i32
          %dma_wait3A_163 = tpu.memref_slice %dma_wait3A_161[%run_scoped3A_143, %dma_wait3A_162] : memref<2x100xi32, #tpu.memory_space<vmem>> -> memref<1x100xi32, #tpu.memory_space<vmem>>
          %dma_wait3A_164 = tpu.memref_squeeze %dma_wait3A_163 : memref<1x100xi32, #tpu.memory_space<vmem>> -> memref<100xi32, #tpu.memory_space<vmem>>
          %dma_wait3A_165 = arith.constant 0 : i32
          %dma_wait3A_166 = arith.constant 0 : i32
          %dma_wait3A_167 = tpu.memref_slice %arg8[%add3A_142, %dma_wait3A_165, %dma_wait3A_166] : memref<22x1024x64xf32, #tpu.memory_space<vmem_shared>> -> memref<1x1024x64xf32, #tpu.memory_space<vmem_shared>>
          %dma_wait3A_168 = tpu.memref_squeeze %dma_wait3A_167 : memref<1x1024x64xf32, #tpu.memory_space<vmem_shared>> -> memref<1024x64xf32, #tpu.memory_space<vmem_shared>>
          %dma_wait3A_169 = arith.constant 0 : i32
          %dma_wait3A_170 = arith.constant 0 : i32
          %dma_wait3A_171 = tpu.memref_slice %dma_wait3A_168[%dma_wait3A_169, %dma_wait3A_170] : memref<1024x64xf32, #tpu.memory_space<vmem_shared>> -> memref<1024x64xf32, #tpu.memory_space<vmem_shared>>
          tpu.wait_indirect_dma semaphore(%run_scoped3A_144 : memref<!tpu.dma_semaphore, #tpu.memory_space<semaphore_mem>>) src(%arg9 : memref<100x64xf32, #tpu.memory_space<vmem>>) dst(%dma_wait3A_171 : memref<1024x64xf32, #tpu.memory_space<vmem_shared>>)
          tpu.yield
        }) : () -> ()
      } else {
      }
      %lt3A_98 = arith.cmpi slt, %add3A_73, %select_n3A_8 : i32
      %convert_element_type3A_99 = arith.extui %lt3A_98 : i1 to i32
      %cond3A_100 = arith.constant 0 : i32
      %cond3A_101 = arith.cmpi ne, %convert_element_type3A_99, %cond3A_100 : i32
      scf.if %cond3A_101 {
        %dma_wait3A = arith.constant 0 : i32
        %dma_wait3A_108 = arith.constant 0 : i32
        %dma_wait3A_109 = arith.constant 0 : i32
        %dma_wait3A_110 = arith.constant 0 : i32
        %dma_wait3A_111 = tpu.memref_slice %arg6[%dma_wait3A_108, %dma_wait3A_109, %dma_wait3A_110] : memref<4x2x100xi32, #tpu.memory_space<vmem>> -> memref<1x2x100xi32, #tpu.memory_space<vmem>>
        %dma_wait3A_112 = tpu.memref_squeeze %dma_wait3A_111 : memref<1x2x100xi32, #tpu.memory_space<vmem>> -> memref<2x100xi32, #tpu.memory_space<vmem>>
        %dma_wait3A_113 = arith.constant 0 : i32
        %dma_wait3A_114 = arith.constant 0 : i32
        %dma_wait3A_115 = tpu.memref_slice %arg3[%dma_wait3A, %dma_wait3A_113, %dma_wait3A_114] : memref<1024x2x100xi32, #tpu.memory_space<hbm>> -> memref<1x2x100xi32, #tpu.memory_space<hbm>>
        %dma_wait3A_116 = tpu.memref_squeeze %dma_wait3A_115 : memref<1x2x100xi32, #tpu.memory_space<hbm>> -> memref<2x100xi32, #tpu.memory_space<hbm>>
        %dma_wait3A_117 = arith.constant 0 : i32
        %dma_wait3A_118 = arith.constant 0 : i32
        %dma_wait3A_119 = tpu.memref_slice %arg6[%dma_wait3A_108, %dma_wait3A_117, %dma_wait3A_118] : memref<4x2x100xi32, #tpu.memory_space<vmem>> -> memref<1x2x100xi32, #tpu.memory_space<vmem>>
        %dma_wait3A_120 = tpu.memref_squeeze %dma_wait3A_119 : memref<1x2x100xi32, #tpu.memory_space<vmem>> -> memref<2x100xi32, #tpu.memory_space<vmem>>
        %dma_wait3A_121 = arith.constant 0 : i32
        %dma_wait3A_122 = arith.constant 0 : i32
        %dma_wait3A_123 = tpu.memref_slice %arg3[%dma_wait3A, %dma_wait3A_121, %dma_wait3A_122] : memref<1024x2x100xi32, #tpu.memory_space<hbm>> -> memref<1x2x100xi32, #tpu.memory_space<hbm>>
        %dma_wait3A_124 = tpu.memref_squeeze %dma_wait3A_123 : memref<1x2x100xi32, #tpu.memory_space<hbm>> -> memref<2x100xi32, #tpu.memory_space<hbm>>
        tpu.wait_dma2 semaphore(%arg11 : memref<!tpu.dma_semaphore, #tpu.memory_space<semaphore_mem>>) src(%dma_wait3A_124 : memref<2x100xi32, #tpu.memory_space<hbm>>) dst(%dma_wait3A_120 : memref<2x100xi32, #tpu.memory_space<vmem>>)
        %dma_wait3A_125 = arith.constant 0 : i32
        %dma_wait3A_126 = arith.constant 0 : i32
        %dma_wait3A_127 = arith.constant 0 : i32
        %dma_wait3A_128 = arith.constant 0 : i32
        %dma_wait3A_129 = tpu.memref_slice %arg7[%dma_wait3A_126, %dma_wait3A_127, %dma_wait3A_128] : memref<2x200x64xf32, #tpu.memory_space<vmem>> -> memref<1x200x64xf32, #tpu.memory_space<vmem>>
        %dma_wait3A_130 = tpu.memref_squeeze %dma_wait3A_129 : memref<1x200x64xf32, #tpu.memory_space<vmem>> -> memref<200x64xf32, #tpu.memory_space<vmem>>
        %dma_wait3A_131 = arith.constant 0 : i32
        %dma_wait3A_132 = arith.constant 0 : i32
        %dma_wait3A_133 = tpu.memref_slice %arg2[%dma_wait3A_125, %dma_wait3A_131, %dma_wait3A_132] : memref<1024x200x64xf32, #tpu.memory_space<hbm>> -> memref<1x200x64xf32, #tpu.memory_space<hbm>>
        %dma_wait3A_134 = tpu.memref_squeeze %dma_wait3A_133 : memref<1x200x64xf32, #tpu.memory_space<hbm>> -> memref<200x64xf32, #tpu.memory_space<hbm>>
        %dma_wait3A_135 = arith.constant 0 : i32
        %dma_wait3A_136 = arith.constant 0 : i32
        %dma_wait3A_137 = tpu.memref_slice %arg7[%dma_wait3A_126, %dma_wait3A_135, %dma_wait3A_136] : memref<2x200x64xf32, #tpu.memory_space<vmem>> -> memref<1x200x64xf32, #tpu.memory_space<vmem>>
        %dma_wait3A_138 = tpu.memref_squeeze %dma_wait3A_137 : memref<1x200x64xf32, #tpu.memory_space<vmem>> -> memref<200x64xf32, #tpu.memory_space<vmem>>
        %dma_wait3A_139 = arith.constant 0 : i32
        %dma_wait3A_140 = arith.constant 0 : i32
        %dma_wait3A_141 = tpu.memref_slice %arg2[%dma_wait3A_125, %dma_wait3A_139, %dma_wait3A_140] : memref<1024x200x64xf32, #tpu.memory_space<hbm>> -> memref<1x200x64xf32, #tpu.memory_space<hbm>>
        %dma_wait3A_142 = tpu.memref_squeeze %dma_wait3A_141 : memref<1x200x64xf32, #tpu.memory_space<hbm>> -> memref<200x64xf32, #tpu.memory_space<hbm>>
        tpu.wait_dma2 semaphore(%arg13 : memref<!tpu.dma_semaphore, #tpu.memory_space<semaphore_mem>>) src(%dma_wait3A_142 : memref<200x64xf32, #tpu.memory_space<hbm>>) dst(%dma_wait3A_138 : memref<200x64xf32, #tpu.memory_space<vmem>>)
        %jit3A_143 = arith.constant 4 : i32
        %eq3A = arith.constant 0 : i32
        %eq3A_144 = arith.cmpi eq, %jit3A_143, %eq3A : i32
        %jit3A_145 = arith.constant 1 : i32
        %select_n3A_146 = arith.select %eq3A_144, %jit3A_145, %jit3A_143 : i32
        %rem3A_147 = arith.remsi %add3A_73, %select_n3A_146 : i32
        %ne3A_148 = arith.constant 0 : i32
        %ne3A_149 = arith.cmpi ne, %rem3A_147, %ne3A_148 : i32
        %lt3A_150 = arith.constant 0 : i32
        %lt3A_151 = arith.cmpi slt, %rem3A_147, %lt3A_150 : i32
        %lt3A_152 = arith.constant 0 : i32
        %lt3A_153 = arith.cmpi slt, %select_n3A_146, %lt3A_152 : i32
        %ne3A_154 = arith.xori %lt3A_151, %lt3A_153 : i1
        %and3A_155 = arith.andi %ne3A_154, %ne3A_149 : i1
        %add3A_156 = arith.addi %rem3A_147, %select_n3A_146 : i32
        %select_n3A_157 = arith.select %and3A_155, %add3A_156, %rem3A_147 : i32
        %mul3A_158 = arith.constant 2 : i32
        %mul3A_159 = arith.muli %mul3A_158, %min3A_14 : i32
        %add3A_160 = arith.constant 1 : i32
        %add3A_161 = arith.addi %mul3A_159, %add3A_160 : i32
        %run_scoped3A = arith.constant 1 : i32
        %run_scoped3A_162 = arith.constant 0 : i32
        "tpu.region"() ({
          %run_scoped3A_181 = tpu.sem_alloc : memref<!tpu.dma_semaphore, #tpu.memory_space<semaphore_mem>>
          %dma_start3A_182 = arith.constant 0 : i32
          %dma_start3A_183 = arith.constant 0 : i32
          %dma_start3A_184 = tpu.memref_slice %arg7[%run_scoped3A, %dma_start3A_182, %dma_start3A_183] : memref<2x200x64xf32, #tpu.memory_space<vmem>> -> memref<1x200x64xf32, #tpu.memory_space<vmem>>
          %dma_start3A_185 = tpu.memref_squeeze %dma_start3A_184 : memref<1x200x64xf32, #tpu.memory_space<vmem>> -> memref<200x64xf32, #tpu.memory_space<vmem>>
          %dma_start3A_186 = arith.constant 0 : i32
          %dma_start3A_187 = arith.constant 0 : i32
          %dma_start3A_188 = tpu.memref_slice %dma_start3A_185[%dma_start3A_186, %dma_start3A_187] : memref<200x64xf32, #tpu.memory_space<vmem>> -> memref<100x64xf32, #tpu.memory_space<vmem>>
          %dma_start3A_189 = arith.constant 0 : i32
          %dma_start3A_190 = arith.constant 0 : i32
          %dma_start3A_191 = tpu.memref_slice %arg6[%select_n3A_157, %dma_start3A_189, %dma_start3A_190] : memref<4x2x100xi32, #tpu.memory_space<vmem>> -> memref<1x2x100xi32, #tpu.memory_space<vmem>>
          %dma_start3A_192 = tpu.memref_squeeze %dma_start3A_191 : memref<1x2x100xi32, #tpu.memory_space<vmem>> -> memref<2x100xi32, #tpu.memory_space<vmem>>
          %dma_start3A_193 = arith.constant 0 : i32
          %dma_start3A_194 = tpu.memref_slice %dma_start3A_192[%run_scoped3A_162, %dma_start3A_193] : memref<2x100xi32, #tpu.memory_space<vmem>> -> memref<1x100xi32, #tpu.memory_space<vmem>>
          %dma_start3A_195 = tpu.memref_squeeze %dma_start3A_194 : memref<1x100xi32, #tpu.memory_space<vmem>> -> memref<100xi32, #tpu.memory_space<vmem>>
          %dma_start3A_196 = arith.constant 0 : i32
          %dma_start3A_197 = arith.constant 0 : i32
          %dma_start3A_198 = tpu.memref_slice %arg8[%add3A_161, %dma_start3A_196, %dma_start3A_197] : memref<22x1024x64xf32, #tpu.memory_space<vmem_shared>> -> memref<1x1024x64xf32, #tpu.memory_space<vmem_shared>>
          %dma_start3A_199 = tpu.memref_squeeze %dma_start3A_198 : memref<1x1024x64xf32, #tpu.memory_space<vmem_shared>> -> memref<1024x64xf32, #tpu.memory_space<vmem_shared>>
          %dma_start3A_200 = arith.constant 0 : i32
          %dma_start3A_201 = arith.constant 0 : i32
          %dma_start3A_202 = tpu.memref_slice %dma_start3A_199[%dma_start3A_200, %dma_start3A_201] : memref<1024x64xf32, #tpu.memory_space<vmem_shared>> -> memref<1024x64xf32, #tpu.memory_space<vmem_shared>>
          tpu.enqueue_indirect_dma source(%dma_start3A_188 : memref<100x64xf32, #tpu.memory_space<vmem>>) target(%dma_start3A_202 : memref<1024x64xf32, #tpu.memory_space<vmem_shared>>) offsets(%dma_start3A_195 : memref<100xi32, #tpu.memory_space<vmem>>) semaphore(%run_scoped3A_181 : memref<!tpu.dma_semaphore, #tpu.memory_space<semaphore_mem>>) {add = true}
          %dma_wait3A_203 = arith.constant 0 : i32
          %dma_wait3A_204 = arith.constant 0 : i32
          %dma_wait3A_205 = tpu.memref_slice %arg7[%run_scoped3A, %dma_wait3A_203, %dma_wait3A_204] : memref<2x200x64xf32, #tpu.memory_space<vmem>> -> memref<1x200x64xf32, #tpu.memory_space<vmem>>
          %dma_wait3A_206 = tpu.memref_squeeze %dma_wait3A_205 : memref<1x200x64xf32, #tpu.memory_space<vmem>> -> memref<200x64xf32, #tpu.memory_space<vmem>>
          %dma_wait3A_207 = arith.constant 0 : i32
          %dma_wait3A_208 = arith.constant 0 : i32
          %dma_wait3A_209 = tpu.memref_slice %dma_wait3A_206[%dma_wait3A_207, %dma_wait3A_208] : memref<200x64xf32, #tpu.memory_space<vmem>> -> memref<100x64xf32, #tpu.memory_space<vmem>>
          %dma_wait3A_210 = arith.constant 0 : i32
          %dma_wait3A_211 = arith.constant 0 : i32
          %dma_wait3A_212 = tpu.memref_slice %arg6[%select_n3A_157, %dma_wait3A_210, %dma_wait3A_211] : memref<4x2x100xi32, #tpu.memory_space<vmem>> -> memref<1x2x100xi32, #tpu.memory_space<vmem>>
          %dma_wait3A_213 = tpu.memref_squeeze %dma_wait3A_212 : memref<1x2x100xi32, #tpu.memory_space<vmem>> -> memref<2x100xi32, #tpu.memory_space<vmem>>
          %dma_wait3A_214 = arith.constant 0 : i32
          %dma_wait3A_215 = tpu.memref_slice %dma_wait3A_213[%run_scoped3A_162, %dma_wait3A_214] : memref<2x100xi32, #tpu.memory_space<vmem>> -> memref<1x100xi32, #tpu.memory_space<vmem>>
          %dma_wait3A_216 = tpu.memref_squeeze %dma_wait3A_215 : memref<1x100xi32, #tpu.memory_space<vmem>> -> memref<100xi32, #tpu.memory_space<vmem>>
          %dma_wait3A_217 = arith.constant 0 : i32
          %dma_wait3A_218 = arith.constant 0 : i32
          %dma_wait3A_219 = tpu.memref_slice %arg8[%add3A_161, %dma_wait3A_217, %dma_wait3A_218] : memref<22x1024x64xf32, #tpu.memory_space<vmem_shared>> -> memref<1x1024x64xf32, #tpu.memory_space<vmem_shared>>
          %dma_wait3A_220 = tpu.memref_squeeze %dma_wait3A_219 : memref<1x1024x64xf32, #tpu.memory_space<vmem_shared>> -> memref<1024x64xf32, #tpu.memory_space<vmem_shared>>
          %dma_wait3A_221 = arith.constant 0 : i32
          %dma_wait3A_222 = arith.constant 0 : i32
          %dma_wait3A_223 = tpu.memref_slice %dma_wait3A_220[%dma_wait3A_221, %dma_wait3A_222] : memref<1024x64xf32, #tpu.memory_space<vmem_shared>> -> memref<1024x64xf32, #tpu.memory_space<vmem_shared>>
          tpu.wait_indirect_dma semaphore(%run_scoped3A_181 : memref<!tpu.dma_semaphore, #tpu.memory_space<semaphore_mem>>) src(%dma_wait3A_209 : memref<100x64xf32, #tpu.memory_space<vmem>>) dst(%dma_wait3A_223 : memref<1024x64xf32, #tpu.memory_space<vmem_shared>>)
          tpu.yield
        }) : () -> ()
        %mul3A_163 = arith.constant 2 : i32
        %mul3A_164 = arith.muli %mul3A_163, %min3A_14 : i32
        %add3A_165 = arith.constant 1 : i32
        %add3A_166 = arith.addi %mul3A_164, %add3A_165 : i32
        %run_scoped3A_167 = arith.constant 1 : i32
        %run_scoped3A_168 = arith.constant 1 : i32
        "tpu.region"() ({
          %run_scoped3A_181 = tpu.sem_alloc : memref<!tpu.dma_semaphore, #tpu.memory_space<semaphore_mem>>
          %dma_start3A_182 = arith.constant 0 : i32
          %dma_start3A_183 = arith.constant 0 : i32
          %dma_start3A_184 = tpu.memref_slice %arg7[%run_scoped3A_167, %dma_start3A_182, %dma_start3A_183] : memref<2x200x64xf32, #tpu.memory_space<vmem>> -> memref<1x200x64xf32, #tpu.memory_space<vmem>>
          %dma_start3A_185 = tpu.memref_squeeze %dma_start3A_184 : memref<1x200x64xf32, #tpu.memory_space<vmem>> -> memref<200x64xf32, #tpu.memory_space<vmem>>
          %dma_start3A_186 = arith.constant 100 : i32
          %dma_start3A_187 = arith.constant 0 : i32
          %dma_start3A_188 = tpu.memref_slice %dma_start3A_185[%dma_start3A_186, %dma_start3A_187] : memref<200x64xf32, #tpu.memory_space<vmem>> -> memref<100x64xf32, #tpu.memory_space<vmem>>
          %dma_start3A_189 = arith.constant 0 : i32
          %dma_start3A_190 = arith.constant 0 : i32
          %dma_start3A_191 = tpu.memref_slice %arg6[%select_n3A_157, %dma_start3A_189, %dma_start3A_190] : memref<4x2x100xi32, #tpu.memory_space<vmem>> -> memref<1x2x100xi32, #tpu.memory_space<vmem>>
          %dma_start3A_192 = tpu.memref_squeeze %dma_start3A_191 : memref<1x2x100xi32, #tpu.memory_space<vmem>> -> memref<2x100xi32, #tpu.memory_space<vmem>>
          %dma_start3A_193 = arith.constant 0 : i32
          %dma_start3A_194 = tpu.memref_slice %dma_start3A_192[%run_scoped3A_168, %dma_start3A_193] : memref<2x100xi32, #tpu.memory_space<vmem>> -> memref<1x100xi32, #tpu.memory_space<vmem>>
          %dma_start3A_195 = tpu.memref_squeeze %dma_start3A_194 : memref<1x100xi32, #tpu.memory_space<vmem>> -> memref<100xi32, #tpu.memory_space<vmem>>
          %dma_start3A_196 = arith.constant 0 : i32
          %dma_start3A_197 = arith.constant 0 : i32
          %dma_start3A_198 = tpu.memref_slice %arg8[%add3A_166, %dma_start3A_196, %dma_start3A_197] : memref<22x1024x64xf32, #tpu.memory_space<vmem_shared>> -> memref<1x1024x64xf32, #tpu.memory_space<vmem_shared>>
          %dma_start3A_199 = tpu.memref_squeeze %dma_start3A_198 : memref<1x1024x64xf32, #tpu.memory_space<vmem_shared>> -> memref<1024x64xf32, #tpu.memory_space<vmem_shared>>
          %dma_start3A_200 = arith.constant 0 : i32
          %dma_start3A_201 = arith.constant 0 : i32
          %dma_start3A_202 = tpu.memref_slice %dma_start3A_199[%dma_start3A_200, %dma_start3A_201] : memref<1024x64xf32, #tpu.memory_space<vmem_shared>> -> memref<1024x64xf32, #tpu.memory_space<vmem_shared>>
          tpu.enqueue_indirect_dma source(%dma_start3A_188 : memref<100x64xf32, #tpu.memory_space<vmem>>) target(%dma_start3A_202 : memref<1024x64xf32, #tpu.memory_space<vmem_shared>>) offsets(%dma_start3A_195 : memref<100xi32, #tpu.memory_space<vmem>>) semaphore(%run_scoped3A_181 : memref<!tpu.dma_semaphore, #tpu.memory_space<semaphore_mem>>) {add = true}
          %dma_wait3A_203 = arith.constant 0 : i32
          %dma_wait3A_204 = arith.constant 0 : i32
          %dma_wait3A_205 = tpu.memref_slice %arg7[%run_scoped3A_167, %dma_wait3A_203, %dma_wait3A_204] : memref<2x200x64xf32, #tpu.memory_space<vmem>> -> memref<1x200x64xf32, #tpu.memory_space<vmem>>
          %dma_wait3A_206 = tpu.memref_squeeze %dma_wait3A_205 : memref<1x200x64xf32, #tpu.memory_space<vmem>> -> memref<200x64xf32, #tpu.memory_space<vmem>>
          %dma_wait3A_207 = arith.constant 100 : i32
          %dma_wait3A_208 = arith.constant 0 : i32
          %dma_wait3A_209 = tpu.memref_slice %dma_wait3A_206[%dma_wait3A_207, %dma_wait3A_208] : memref<200x64xf32, #tpu.memory_space<vmem>> -> memref<100x64xf32, #tpu.memory_space<vmem>>
          %dma_wait3A_210 = arith.constant 0 : i32
          %dma_wait3A_211 = arith.constant 0 : i32
          %dma_wait3A_212 = tpu.memref_slice %arg6[%select_n3A_157, %dma_wait3A_210, %dma_wait3A_211] : memref<4x2x100xi32, #tpu.memory_space<vmem>> -> memref<1x2x100xi32, #tpu.memory_space<vmem>>
          %dma_wait3A_213 = tpu.memref_squeeze %dma_wait3A_212 : memref<1x2x100xi32, #tpu.memory_space<vmem>> -> memref<2x100xi32, #tpu.memory_space<vmem>>
          %dma_wait3A_214 = arith.constant 0 : i32
          %dma_wait3A_215 = tpu.memref_slice %dma_wait3A_213[%run_scoped3A_168, %dma_wait3A_214] : memref<2x100xi32, #tpu.memory_space<vmem>> -> memref<1x100xi32, #tpu.memory_space<vmem>>
          %dma_wait3A_216 = tpu.memref_squeeze %dma_wait3A_215 : memref<1x100xi32, #tpu.memory_space<vmem>> -> memref<100xi32, #tpu.memory_space<vmem>>
          %dma_wait3A_217 = arith.constant 0 : i32
          %dma_wait3A_218 = arith.constant 0 : i32
          %dma_wait3A_219 = tpu.memref_slice %arg8[%add3A_166, %dma_wait3A_217, %dma_wait3A_218] : memref<22x1024x64xf32, #tpu.memory_space<vmem_shared>> -> memref<1x1024x64xf32, #tpu.memory_space<vmem_shared>>
          %dma_wait3A_220 = tpu.memref_squeeze %dma_wait3A_219 : memref<1x1024x64xf32, #tpu.memory_space<vmem_shared>> -> memref<1024x64xf32, #tpu.memory_space<vmem_shared>>
          %dma_wait3A_221 = arith.constant 0 : i32
          %dma_wait3A_222 = arith.constant 0 : i32
          %dma_wait3A_223 = tpu.memref_slice %dma_wait3A_220[%dma_wait3A_221, %dma_wait3A_222] : memref<1024x64xf32, #tpu.memory_space<vmem_shared>> -> memref<1024x64xf32, #tpu.memory_space<vmem_shared>>
          tpu.wait_indirect_dma semaphore(%run_scoped3A_181 : memref<!tpu.dma_semaphore, #tpu.memory_space<semaphore_mem>>) src(%dma_wait3A_209 : memref<100x64xf32, #tpu.memory_space<vmem>>) dst(%dma_wait3A_223 : memref<1024x64xf32, #tpu.memory_space<vmem_shared>>)
          tpu.yield
        }) : () -> ()
        %add3A_169 = arith.addi %add3A_12, %add3A_73 : i32
        %mul3A_170 = arith.constant 2 : i32
        %mul3A_171 = arith.muli %mul3A_170, %min3A_14 : i32
        %add3A_172 = arith.constant 1 : i32
        %add3A_173 = arith.addi %mul3A_171, %add3A_172 : i32
        %mul3A_174 = arith.constant 1024 : i32
        %mul3A_175 = arith.muli %add3A_169, %mul3A_174 : i32
        %dma_start3A = arith.constant 0 : i32
        %dma_start3A_176 = tpu.memref_slice %arg5[%mul3A_175, %dma_start3A] : memref<1048576x64xf32, #tpu.memory_space<hbm>> -> memref<1024x64xf32, #tpu.memory_space<hbm>>
        %dma_start3A_177 = arith.constant 0 : i32
        %dma_start3A_178 = arith.constant 0 : i32
        %dma_start3A_179 = tpu.memref_slice %arg8[%add3A_173, %dma_start3A_177, %dma_start3A_178] : memref<22x1024x64xf32, #tpu.memory_space<vmem_shared>> -> memref<1x1024x64xf32, #tpu.memory_space<vmem_shared>>
        %dma_start3A_180 = tpu.memref_squeeze %dma_start3A_179 : memref<1x1024x64xf32, #tpu.memory_space<vmem_shared>> -> memref<1024x64xf32, #tpu.memory_space<vmem_shared>>
        tpu.enqueue_dma source(%dma_start3A_180 : memref<1024x64xf32, #tpu.memory_space<vmem_shared>>) target(%dma_start3A_176 : memref<1024x64xf32, #tpu.memory_space<hbm>>) target_semaphore(%arg15 : memref<!tpu.dma_semaphore, #tpu.memory_space<semaphore_mem>>)
      } else {
      }
      %add3A_102 = arith.constant 2 : i32
      %add3A_103 = arith.addi %add3A_73, %add3A_102 : i32
      %lt3A_104 = arith.cmpi slt, %add3A_103, %select_n3A_8 : i32
      %convert_element_type3A_105 = arith.extui %lt3A_104 : i1 to i32
      %cond3A_106 = arith.constant 0 : i32
      %cond3A_107 = arith.cmpi ne, %convert_element_type3A_105, %cond3A_106 : i32
      scf.if %cond3A_107 {
        %add3A_108 = arith.addi %add3A_12, %add3A_103 : i32
        %jit3A_109 = arith.constant 4 : i32
        %eq3A = arith.constant 0 : i32
        %eq3A_110 = arith.cmpi eq, %jit3A_109, %eq3A : i32
        %jit3A_111 = arith.constant 1 : i32
        %select_n3A_112 = arith.select %eq3A_110, %jit3A_111, %jit3A_109 : i32
        %rem3A_113 = arith.remsi %add3A_103, %select_n3A_112 : i32
        %ne3A_114 = arith.constant 0 : i32
        %ne3A_115 = arith.cmpi ne, %rem3A_113, %ne3A_114 : i32
        %lt3A_116 = arith.constant 0 : i32
        %lt3A_117 = arith.cmpi slt, %rem3A_113, %lt3A_116 : i32
        %lt3A_118 = arith.constant 0 : i32
        %lt3A_119 = arith.cmpi slt, %select_n3A_112, %lt3A_118 : i32
        %ne3A_120 = arith.xori %lt3A_117, %lt3A_119 : i1
        %and3A_121 = arith.andi %ne3A_120, %ne3A_115 : i1
        %add3A_122 = arith.addi %rem3A_113, %select_n3A_112 : i32
        %select_n3A_123 = arith.select %and3A_121, %add3A_122, %rem3A_113 : i32
        %dma_start3A = arith.constant 0 : i32
        %dma_start3A_124 = arith.constant 0 : i32
        %dma_start3A_125 = tpu.memref_slice %arg6[%select_n3A_123, %dma_start3A, %dma_start3A_124] : memref<4x2x100xi32, #tpu.memory_space<vmem>> -> memref<1x2x100xi32, #tpu.memory_space<vmem>>
        %dma_start3A_126 = tpu.memref_squeeze %dma_start3A_125 : memref<1x2x100xi32, #tpu.memory_space<vmem>> -> memref<2x100xi32, #tpu.memory_space<vmem>>
        %dma_start3A_127 = arith.constant 0 : i32
        %dma_start3A_128 = arith.constant 0 : i32
        %dma_start3A_129 = tpu.memref_slice %arg3[%add3A_108, %dma_start3A_127, %dma_start3A_128] : memref<1024x2x100xi32, #tpu.memory_space<hbm>> -> memref<1x2x100xi32, #tpu.memory_space<hbm>>
        %dma_start3A_130 = tpu.memref_squeeze %dma_start3A_129 : memref<1x2x100xi32, #tpu.memory_space<hbm>> -> memref<2x100xi32, #tpu.memory_space<hbm>>
        %dma_start3A_131 = arith.constant 0 : i32
        %dma_start3A_132 = arith.constant 0 : i32
        %dma_start3A_133 = tpu.memref_slice %arg6[%select_n3A_123, %dma_start3A_131, %dma_start3A_132] : memref<4x2x100xi32, #tpu.memory_space<vmem>> -> memref<1x2x100xi32, #tpu.memory_space<vmem>>
        %dma_start3A_134 = tpu.memref_squeeze %dma_start3A_133 : memref<1x2x100xi32, #tpu.memory_space<vmem>> -> memref<2x100xi32, #tpu.memory_space<vmem>>
        %dma_start3A_135 = arith.constant 0 : i32
        %dma_start3A_136 = arith.constant 0 : i32
        %dma_start3A_137 = tpu.memref_slice %arg3[%add3A_108, %dma_start3A_135, %dma_start3A_136] : memref<1024x2x100xi32, #tpu.memory_space<hbm>> -> memref<1x2x100xi32, #tpu.memory_space<hbm>>
        %dma_start3A_138 = tpu.memref_squeeze %dma_start3A_137 : memref<1x2x100xi32, #tpu.memory_space<hbm>> -> memref<2x100xi32, #tpu.memory_space<hbm>>
        tpu.enqueue_dma source(%dma_start3A_138 : memref<2x100xi32, #tpu.memory_space<hbm>>) target(%dma_start3A_134 : memref<2x100xi32, #tpu.memory_space<vmem>>) target_semaphore(%arg11 : memref<!tpu.dma_semaphore, #tpu.memory_space<semaphore_mem>>)
        %dma_start3A_139 = arith.constant 1 : i32
        %dma_start3A_140 = arith.constant 0 : i32
        %dma_start3A_141 = arith.constant 0 : i32
        %dma_start3A_142 = tpu.memref_slice %arg7[%dma_start3A_139, %dma_start3A_140, %dma_start3A_141] : memref<2x200x64xf32, #tpu.memory_space<vmem>> -> memref<1x200x64xf32, #tpu.memory_space<vmem>>
        %dma_start3A_143 = tpu.memref_squeeze %dma_start3A_142 : memref<1x200x64xf32, #tpu.memory_space<vmem>> -> memref<200x64xf32, #tpu.memory_space<vmem>>
        %dma_start3A_144 = arith.constant 0 : i32
        %dma_start3A_145 = arith.constant 0 : i32
        %dma_start3A_146 = tpu.memref_slice %arg2[%add3A_108, %dma_start3A_144, %dma_start3A_145] : memref<1024x200x64xf32, #tpu.memory_space<hbm>> -> memref<1x200x64xf32, #tpu.memory_space<hbm>>
        %dma_start3A_147 = tpu.memref_squeeze %dma_start3A_146 : memref<1x200x64xf32, #tpu.memory_space<hbm>> -> memref<200x64xf32, #tpu.memory_space<hbm>>
        %dma_start3A_148 = arith.constant 0 : i32
        %dma_start3A_149 = arith.constant 0 : i32
        %dma_start3A_150 = tpu.memref_slice %arg7[%dma_start3A_139, %dma_start3A_148, %dma_start3A_149] : memref<2x200x64xf32, #tpu.memory_space<vmem>> -> memref<1x200x64xf32, #tpu.memory_space<vmem>>
        %dma_start3A_151 = tpu.memref_squeeze %dma_start3A_150 : memref<1x200x64xf32, #tpu.memory_space<vmem>> -> memref<200x64xf32, #tpu.memory_space<vmem>>
        %dma_start3A_152 = arith.constant 0 : i32
        %dma_start3A_153 = arith.constant 0 : i32
        %dma_start3A_154 = tpu.memref_slice %arg2[%add3A_108, %dma_start3A_152, %dma_start3A_153] : memref<1024x200x64xf32, #tpu.memory_space<hbm>> -> memref<1x200x64xf32, #tpu.memory_space<hbm>>
        %dma_start3A_155 = tpu.memref_squeeze %dma_start3A_154 : memref<1x200x64xf32, #tpu.memory_space<hbm>> -> memref<200x64xf32, #tpu.memory_space<hbm>>
        tpu.enqueue_dma source(%dma_start3A_155 : memref<200x64xf32, #tpu.memory_space<hbm>>) target(%dma_start3A_151 : memref<200x64xf32, #tpu.memory_space<vmem>>) target_semaphore(%arg13 : memref<!tpu.dma_semaphore, #tpu.memory_space<semaphore_mem>>)
      } else {
      }
    }
    %while3A_57 = arith.constant 1 : i32
    scf.for %while3A_67 = %while3A_55 to %while3A_51 step %while3A_57  : i32 {
      %mul3A_68 = arith.constant 2 : i32
      %mul3A_69 = arith.muli %mul3A_68, %while3A_67 : i32
      %mul3A_70 = arith.constant 2 : i32
      %mul3A_71 = arith.muli %mul3A_70, %while3A_67 : i32
      %add3A_72 = arith.constant 1 : i32
      %add3A_73 = arith.addi %mul3A_71, %add3A_72 : i32
      %ge3A_74 = arith.constant 1 : i32
      %ge3A_75 = arith.cmpi sge, %while3A_67, %ge3A_74 : i32
      %lt3A_76 = arith.cmpi slt, %mul3A_69, %select_n3A_8 : i32
      %and3A_77 = arith.andi %ge3A_75, %lt3A_76 : i1
      %convert_element_type3A_78 = arith.extui %and3A_77 : i1 to i32
      %cond3A_79 = arith.constant 0 : i32
      %cond3A_80 = arith.cmpi ne, %convert_element_type3A_78, %cond3A_79 : i32
      scf.if %cond3A_80 {
        %mul3A_108 = arith.constant 2 : i32
        %mul3A_109 = arith.muli %mul3A_108, %min3A_14 : i32
        %add3A_110 = arith.constant 0 : i32
        %add3A_111 = arith.addi %mul3A_109, %add3A_110 : i32
        %dma_wait3A = arith.constant 0 : i32
        %dma_wait3A_112 = arith.constant 0 : i32
        %dma_wait3A_113 = tpu.memref_slice %arg5[%dma_wait3A, %dma_wait3A_112] : memref<1048576x64xf32, #tpu.memory_space<hbm>> -> memref<1024x64xf32, #tpu.memory_space<hbm>>
        %dma_wait3A_114 = arith.constant 0 : i32
        %dma_wait3A_115 = arith.constant 0 : i32
        %dma_wait3A_116 = tpu.memref_slice %arg8[%add3A_111, %dma_wait3A_114, %dma_wait3A_115] : memref<22x1024x64xf32, #tpu.memory_space<vmem_shared>> -> memref<1x1024x64xf32, #tpu.memory_space<vmem_shared>>
        %dma_wait3A_117 = tpu.memref_squeeze %dma_wait3A_116 : memref<1x1024x64xf32, #tpu.memory_space<vmem_shared>> -> memref<1024x64xf32, #tpu.memory_space<vmem_shared>>
        tpu.wait_dma2 semaphore(%arg14 : memref<!tpu.dma_semaphore, #tpu.memory_space<semaphore_mem>>) src(%dma_wait3A_117 : memref<1024x64xf32, #tpu.memory_space<vmem_shared>>) dst(%dma_wait3A_113 : memref<1024x64xf32, #tpu.memory_space<hbm>>)
        %sub3A_118 = arith.constant 2 : i32
        %sub3A_119 = arith.subi %mul3A_69, %sub3A_118 : i32
        %jit3A_120 = arith.constant 4 : i32
        %eq3A = arith.constant 0 : i32
        %eq3A_121 = arith.cmpi eq, %jit3A_120, %eq3A : i32
        %jit3A_122 = arith.constant 1 : i32
        %select_n3A_123 = arith.select %eq3A_121, %jit3A_122, %jit3A_120 : i32
        %rem3A_124 = arith.remsi %sub3A_119, %select_n3A_123 : i32
        %ne3A_125 = arith.constant 0 : i32
        %ne3A_126 = arith.cmpi ne, %rem3A_124, %ne3A_125 : i32
        %lt3A_127 = arith.constant 0 : i32
        %lt3A_128 = arith.cmpi slt, %rem3A_124, %lt3A_127 : i32
        %lt3A_129 = arith.constant 0 : i32
        %lt3A_130 = arith.cmpi slt, %select_n3A_123, %lt3A_129 : i32
        %ne3A_131 = arith.xori %lt3A_128, %lt3A_130 : i1
        %and3A_132 = arith.andi %ne3A_131, %ne3A_126 : i1
        %add3A_133 = arith.addi %rem3A_124, %select_n3A_123 : i32
        %select_n3A_134 = arith.select %and3A_132, %add3A_133, %rem3A_124 : i32
        %mul3A_135 = arith.constant 2 : i32
        %mul3A_136 = arith.muli %mul3A_135, %min3A_14 : i32
        %add3A_137 = arith.constant 0 : i32
        %add3A_138 = arith.addi %mul3A_136, %add3A_137 : i32
        %run_scoped3A = arith.constant 0 : i32
        "tpu.region"() ({
          %run_scoped3A_144 = tpu.sem_alloc : memref<!tpu.dma_semaphore, #tpu.memory_space<semaphore_mem>>
          %dma_start3A = arith.constant 0 : i32
          %dma_start3A_145 = arith.constant 0 : i32
          %dma_start3A_146 = tpu.memref_slice %arg6[%select_n3A_134, %dma_start3A, %dma_start3A_145] : memref<4x2x100xi32, #tpu.memory_space<vmem>> -> memref<1x2x100xi32, #tpu.memory_space<vmem>>
          %dma_start3A_147 = tpu.memref_squeeze %dma_start3A_146 : memref<1x2x100xi32, #tpu.memory_space<vmem>> -> memref<2x100xi32, #tpu.memory_space<vmem>>
          %dma_start3A_148 = arith.constant 0 : i32
          %dma_start3A_149 = tpu.memref_slice %dma_start3A_147[%run_scoped3A, %dma_start3A_148] : memref<2x100xi32, #tpu.memory_space<vmem>> -> memref<1x100xi32, #tpu.memory_space<vmem>>
          %dma_start3A_150 = tpu.memref_squeeze %dma_start3A_149 : memref<1x100xi32, #tpu.memory_space<vmem>> -> memref<100xi32, #tpu.memory_space<vmem>>
          %dma_start3A_151 = arith.constant 0 : i32
          %dma_start3A_152 = arith.constant 0 : i32
          %dma_start3A_153 = tpu.memref_slice %arg8[%add3A_138, %dma_start3A_151, %dma_start3A_152] : memref<22x1024x64xf32, #tpu.memory_space<vmem_shared>> -> memref<1x1024x64xf32, #tpu.memory_space<vmem_shared>>
          %dma_start3A_154 = tpu.memref_squeeze %dma_start3A_153 : memref<1x1024x64xf32, #tpu.memory_space<vmem_shared>> -> memref<1024x64xf32, #tpu.memory_space<vmem_shared>>
          %dma_start3A_155 = arith.constant 0 : i32
          %dma_start3A_156 = arith.constant 0 : i32
          %dma_start3A_157 = tpu.memref_slice %dma_start3A_154[%dma_start3A_155, %dma_start3A_156] : memref<1024x64xf32, #tpu.memory_space<vmem_shared>> -> memref<1024x64xf32, #tpu.memory_space<vmem_shared>>
          tpu.enqueue_indirect_dma source(%arg9 : memref<100x64xf32, #tpu.memory_space<vmem>>) target(%dma_start3A_157 : memref<1024x64xf32, #tpu.memory_space<vmem_shared>>) offsets(%dma_start3A_150 : memref<100xi32, #tpu.memory_space<vmem>>) semaphore(%run_scoped3A_144 : memref<!tpu.dma_semaphore, #tpu.memory_space<semaphore_mem>>)
          %dma_wait3A_158 = arith.constant 0 : i32
          %dma_wait3A_159 = arith.constant 0 : i32
          %dma_wait3A_160 = tpu.memref_slice %arg6[%select_n3A_134, %dma_wait3A_158, %dma_wait3A_159] : memref<4x2x100xi32, #tpu.memory_space<vmem>> -> memref<1x2x100xi32, #tpu.memory_space<vmem>>
          %dma_wait3A_161 = tpu.memref_squeeze %dma_wait3A_160 : memref<1x2x100xi32, #tpu.memory_space<vmem>> -> memref<2x100xi32, #tpu.memory_space<vmem>>
          %dma_wait3A_162 = arith.constant 0 : i32
          %dma_wait3A_163 = tpu.memref_slice %dma_wait3A_161[%run_scoped3A, %dma_wait3A_162] : memref<2x100xi32, #tpu.memory_space<vmem>> -> memref<1x100xi32, #tpu.memory_space<vmem>>
          %dma_wait3A_164 = tpu.memref_squeeze %dma_wait3A_163 : memref<1x100xi32, #tpu.memory_space<vmem>> -> memref<100xi32, #tpu.memory_space<vmem>>
          %dma_wait3A_165 = arith.constant 0 : i32
          %dma_wait3A_166 = arith.constant 0 : i32
          %dma_wait3A_167 = tpu.memref_slice %arg8[%add3A_138, %dma_wait3A_165, %dma_wait3A_166] : memref<22x1024x64xf32, #tpu.memory_space<vmem_shared>> -> memref<1x1024x64xf32, #tpu.memory_space<vmem_shared>>
          %dma_wait3A_168 = tpu.memref_squeeze %dma_wait3A_167 : memref<1x1024x64xf32, #tpu.memory_space<vmem_shared>> -> memref<1024x64xf32, #tpu.memory_space<vmem_shared>>
          %dma_wait3A_169 = arith.constant 0 : i32
          %dma_wait3A_170 = arith.constant 0 : i32
          %dma_wait3A_171 = tpu.memref_slice %dma_wait3A_168[%dma_wait3A_169, %dma_wait3A_170] : memref<1024x64xf32, #tpu.memory_space<vmem_shared>> -> memref<1024x64xf32, #tpu.memory_space<vmem_shared>>
          tpu.wait_indirect_dma semaphore(%run_scoped3A_144 : memref<!tpu.dma_semaphore, #tpu.memory_space<semaphore_mem>>) src(%arg9 : memref<100x64xf32, #tpu.memory_space<vmem>>) dst(%dma_wait3A_171 : memref<1024x64xf32, #tpu.memory_space<vmem_shared>>)
          tpu.yield
        }) : () -> ()
        %mul3A_139 = arith.constant 2 : i32
        %mul3A_140 = arith.muli %mul3A_139, %min3A_14 : i32
        %add3A_141 = arith.constant 0 : i32
        %add3A_142 = arith.addi %mul3A_140, %add3A_141 : i32
        %run_scoped3A_143 = arith.constant 1 : i32
        "tpu.region"() ({
          %run_scoped3A_144 = tpu.sem_alloc : memref<!tpu.dma_semaphore, #tpu.memory_space<semaphore_mem>>
          %dma_start3A = arith.constant 0 : i32
          %dma_start3A_145 = arith.constant 0 : i32
          %dma_start3A_146 = tpu.memref_slice %arg6[%select_n3A_134, %dma_start3A, %dma_start3A_145] : memref<4x2x100xi32, #tpu.memory_space<vmem>> -> memref<1x2x100xi32, #tpu.memory_space<vmem>>
          %dma_start3A_147 = tpu.memref_squeeze %dma_start3A_146 : memref<1x2x100xi32, #tpu.memory_space<vmem>> -> memref<2x100xi32, #tpu.memory_space<vmem>>
          %dma_start3A_148 = arith.constant 0 : i32
          %dma_start3A_149 = tpu.memref_slice %dma_start3A_147[%run_scoped3A_143, %dma_start3A_148] : memref<2x100xi32, #tpu.memory_space<vmem>> -> memref<1x100xi32, #tpu.memory_space<vmem>>
          %dma_start3A_150 = tpu.memref_squeeze %dma_start3A_149 : memref<1x100xi32, #tpu.memory_space<vmem>> -> memref<100xi32, #tpu.memory_space<vmem>>
          %dma_start3A_151 = arith.constant 0 : i32
          %dma_start3A_152 = arith.constant 0 : i32
          %dma_start3A_153 = tpu.memref_slice %arg8[%add3A_142, %dma_start3A_151, %dma_start3A_152] : memref<22x1024x64xf32, #tpu.memory_space<vmem_shared>> -> memref<1x1024x64xf32, #tpu.memory_space<vmem_shared>>
          %dma_start3A_154 = tpu.memref_squeeze %dma_start3A_153 : memref<1x1024x64xf32, #tpu.memory_space<vmem_shared>> -> memref<1024x64xf32, #tpu.memory_space<vmem_shared>>
          %dma_start3A_155 = arith.constant 0 : i32
          %dma_start3A_156 = arith.constant 0 : i32
          %dma_start3A_157 = tpu.memref_slice %dma_start3A_154[%dma_start3A_155, %dma_start3A_156] : memref<1024x64xf32, #tpu.memory_space<vmem_shared>> -> memref<1024x64xf32, #tpu.memory_space<vmem_shared>>
          tpu.enqueue_indirect_dma source(%arg9 : memref<100x64xf32, #tpu.memory_space<vmem>>) target(%dma_start3A_157 : memref<1024x64xf32, #tpu.memory_space<vmem_shared>>) offsets(%dma_start3A_150 : memref<100xi32, #tpu.memory_space<vmem>>) semaphore(%run_scoped3A_144 : memref<!tpu.dma_semaphore, #tpu.memory_space<semaphore_mem>>)
          %dma_wait3A_158 = arith.constant 0 : i32
          %dma_wait3A_159 = arith.constant 0 : i32
          %dma_wait3A_160 = tpu.memref_slice %arg6[%select_n3A_134, %dma_wait3A_158, %dma_wait3A_159] : memref<4x2x100xi32, #tpu.memory_space<vmem>> -> memref<1x2x100xi32, #tpu.memory_space<vmem>>
          %dma_wait3A_161 = tpu.memref_squeeze %dma_wait3A_160 : memref<1x2x100xi32, #tpu.memory_space<vmem>> -> memref<2x100xi32, #tpu.memory_space<vmem>>
          %dma_wait3A_162 = arith.constant 0 : i32
          %dma_wait3A_163 = tpu.memref_slice %dma_wait3A_161[%run_scoped3A_143, %dma_wait3A_162] : memref<2x100xi32, #tpu.memory_space<vmem>> -> memref<1x100xi32, #tpu.memory_space<vmem>>
          %dma_wait3A_164 = tpu.memref_squeeze %dma_wait3A_163 : memref<1x100xi32, #tpu.memory_space<vmem>> -> memref<100xi32, #tpu.memory_space<vmem>>
          %dma_wait3A_165 = arith.constant 0 : i32
          %dma_wait3A_166 = arith.constant 0 : i32
          %dma_wait3A_167 = tpu.memref_slice %arg8[%add3A_142, %dma_wait3A_165, %dma_wait3A_166] : memref<22x1024x64xf32, #tpu.memory_space<vmem_shared>> -> memref<1x1024x64xf32, #tpu.memory_space<vmem_shared>>
          %dma_wait3A_168 = tpu.memref_squeeze %dma_wait3A_167 : memref<1x1024x64xf32, #tpu.memory_space<vmem_shared>> -> memref<1024x64xf32, #tpu.memory_space<vmem_shared>>
          %dma_wait3A_169 = arith.constant 0 : i32
          %dma_wait3A_170 = arith.constant 0 : i32
          %dma_wait3A_171 = tpu.memref_slice %dma_wait3A_168[%dma_wait3A_169, %dma_wait3A_170] : memref<1024x64xf32, #tpu.memory_space<vmem_shared>> -> memref<1024x64xf32, #tpu.memory_space<vmem_shared>>
          tpu.wait_indirect_dma semaphore(%run_scoped3A_144 : memref<!tpu.dma_semaphore, #tpu.memory_space<semaphore_mem>>) src(%arg9 : memref<100x64xf32, #tpu.memory_space<vmem>>) dst(%dma_wait3A_171 : memref<1024x64xf32, #tpu.memory_space<vmem_shared>>)
          tpu.yield
        }) : () -> ()
      } else {
      }
      %lt3A_81 = arith.cmpi slt, %mul3A_69, %select_n3A_8 : i32
      %convert_element_type3A_82 = arith.extui %lt3A_81 : i1 to i32
      %cond3A_83 = arith.constant 0 : i32
      %cond3A_84 = arith.cmpi ne, %convert_element_type3A_82, %cond3A_83 : i32
      scf.if %cond3A_84 {
        %dma_wait3A = arith.constant 0 : i32
        %dma_wait3A_108 = arith.constant 0 : i32
        %dma_wait3A_109 = arith.constant 0 : i32
        %dma_wait3A_110 = arith.constant 0 : i32
        %dma_wait3A_111 = tpu.memref_slice %arg6[%dma_wait3A_108, %dma_wait3A_109, %dma_wait3A_110] : memref<4x2x100xi32, #tpu.memory_space<vmem>> -> memref<1x2x100xi32, #tpu.memory_space<vmem>>
        %dma_wait3A_112 = tpu.memref_squeeze %dma_wait3A_111 : memref<1x2x100xi32, #tpu.memory_space<vmem>> -> memref<2x100xi32, #tpu.memory_space<vmem>>
        %dma_wait3A_113 = arith.constant 0 : i32
        %dma_wait3A_114 = arith.constant 0 : i32
        %dma_wait3A_115 = tpu.memref_slice %arg3[%dma_wait3A, %dma_wait3A_113, %dma_wait3A_114] : memref<1024x2x100xi32, #tpu.memory_space<hbm>> -> memref<1x2x100xi32, #tpu.memory_space<hbm>>
        %dma_wait3A_116 = tpu.memref_squeeze %dma_wait3A_115 : memref<1x2x100xi32, #tpu.memory_space<hbm>> -> memref<2x100xi32, #tpu.memory_space<hbm>>
        %dma_wait3A_117 = arith.constant 0 : i32
        %dma_wait3A_118 = arith.constant 0 : i32
        %dma_wait3A_119 = tpu.memref_slice %arg6[%dma_wait3A_108, %dma_wait3A_117, %dma_wait3A_118] : memref<4x2x100xi32, #tpu.memory_space<vmem>> -> memref<1x2x100xi32, #tpu.memory_space<vmem>>
        %dma_wait3A_120 = tpu.memref_squeeze %dma_wait3A_119 : memref<1x2x100xi32, #tpu.memory_space<vmem>> -> memref<2x100xi32, #tpu.memory_space<vmem>>
        %dma_wait3A_121 = arith.constant 0 : i32
        %dma_wait3A_122 = arith.constant 0 : i32
        %dma_wait3A_123 = tpu.memref_slice %arg3[%dma_wait3A, %dma_wait3A_121, %dma_wait3A_122] : memref<1024x2x100xi32, #tpu.memory_space<hbm>> -> memref<1x2x100xi32, #tpu.memory_space<hbm>>
        %dma_wait3A_124 = tpu.memref_squeeze %dma_wait3A_123 : memref<1x2x100xi32, #tpu.memory_space<hbm>> -> memref<2x100xi32, #tpu.memory_space<hbm>>
        tpu.wait_dma2 semaphore(%arg10 : memref<!tpu.dma_semaphore, #tpu.memory_space<semaphore_mem>>) src(%dma_wait3A_124 : memref<2x100xi32, #tpu.memory_space<hbm>>) dst(%dma_wait3A_120 : memref<2x100xi32, #tpu.memory_space<vmem>>)
        %dma_wait3A_125 = arith.constant 0 : i32
        %dma_wait3A_126 = arith.constant 0 : i32
        %dma_wait3A_127 = arith.constant 0 : i32
        %dma_wait3A_128 = arith.constant 0 : i32
        %dma_wait3A_129 = tpu.memref_slice %arg7[%dma_wait3A_126, %dma_wait3A_127, %dma_wait3A_128] : memref<2x200x64xf32, #tpu.memory_space<vmem>> -> memref<1x200x64xf32, #tpu.memory_space<vmem>>
        %dma_wait3A_130 = tpu.memref_squeeze %dma_wait3A_129 : memref<1x200x64xf32, #tpu.memory_space<vmem>> -> memref<200x64xf32, #tpu.memory_space<vmem>>
        %dma_wait3A_131 = arith.constant 0 : i32
        %dma_wait3A_132 = arith.constant 0 : i32
        %dma_wait3A_133 = tpu.memref_slice %arg2[%dma_wait3A_125, %dma_wait3A_131, %dma_wait3A_132] : memref<1024x200x64xf32, #tpu.memory_space<hbm>> -> memref<1x200x64xf32, #tpu.memory_space<hbm>>
        %dma_wait3A_134 = tpu.memref_squeeze %dma_wait3A_133 : memref<1x200x64xf32, #tpu.memory_space<hbm>> -> memref<200x64xf32, #tpu.memory_space<hbm>>
        %dma_wait3A_135 = arith.constant 0 : i32
        %dma_wait3A_136 = arith.constant 0 : i32
        %dma_wait3A_137 = tpu.memref_slice %arg7[%dma_wait3A_126, %dma_wait3A_135, %dma_wait3A_136] : memref<2x200x64xf32, #tpu.memory_space<vmem>> -> memref<1x200x64xf32, #tpu.memory_space<vmem>>
        %dma_wait3A_138 = tpu.memref_squeeze %dma_wait3A_137 : memref<1x200x64xf32, #tpu.memory_space<vmem>> -> memref<200x64xf32, #tpu.memory_space<vmem>>
        %dma_wait3A_139 = arith.constant 0 : i32
        %dma_wait3A_140 = arith.constant 0 : i32
        %dma_wait3A_141 = tpu.memref_slice %arg2[%dma_wait3A_125, %dma_wait3A_139, %dma_wait3A_140] : memref<1024x200x64xf32, #tpu.memory_space<hbm>> -> memref<1x200x64xf32, #tpu.memory_space<hbm>>
        %dma_wait3A_142 = tpu.memref_squeeze %dma_wait3A_141 : memref<1x200x64xf32, #tpu.memory_space<hbm>> -> memref<200x64xf32, #tpu.memory_space<hbm>>
        tpu.wait_dma2 semaphore(%arg12 : memref<!tpu.dma_semaphore, #tpu.memory_space<semaphore_mem>>) src(%dma_wait3A_142 : memref<200x64xf32, #tpu.memory_space<hbm>>) dst(%dma_wait3A_138 : memref<200x64xf32, #tpu.memory_space<vmem>>)
        %jit3A_143 = arith.constant 4 : i32
        %eq3A = arith.constant 0 : i32
        %eq3A_144 = arith.cmpi eq, %jit3A_143, %eq3A : i32
        %jit3A_145 = arith.constant 1 : i32
        %select_n3A_146 = arith.select %eq3A_144, %jit3A_145, %jit3A_143 : i32
        %rem3A_147 = arith.remsi %mul3A_69, %select_n3A_146 : i32
        %ne3A_148 = arith.constant 0 : i32
        %ne3A_149 = arith.cmpi ne, %rem3A_147, %ne3A_148 : i32
        %lt3A_150 = arith.constant 0 : i32
        %lt3A_151 = arith.cmpi slt, %rem3A_147, %lt3A_150 : i32
        %lt3A_152 = arith.constant 0 : i32
        %lt3A_153 = arith.cmpi slt, %select_n3A_146, %lt3A_152 : i32
        %ne3A_154 = arith.xori %lt3A_151, %lt3A_153 : i1
        %and3A_155 = arith.andi %ne3A_154, %ne3A_149 : i1
        %add3A_156 = arith.addi %rem3A_147, %select_n3A_146 : i32
        %select_n3A_157 = arith.select %and3A_155, %add3A_156, %rem3A_147 : i32
        %mul3A_158 = arith.constant 2 : i32
        %mul3A_159 = arith.muli %mul3A_158, %min3A_14 : i32
        %add3A_160 = arith.constant 0 : i32
        %add3A_161 = arith.addi %mul3A_159, %add3A_160 : i32
        %run_scoped3A = arith.constant 0 : i32
        %run_scoped3A_162 = arith.constant 0 : i32
        "tpu.region"() ({
          %run_scoped3A_181 = tpu.sem_alloc : memref<!tpu.dma_semaphore, #tpu.memory_space<semaphore_mem>>
          %dma_start3A_182 = arith.constant 0 : i32
          %dma_start3A_183 = arith.constant 0 : i32
          %dma_start3A_184 = tpu.memref_slice %arg7[%run_scoped3A, %dma_start3A_182, %dma_start3A_183] : memref<2x200x64xf32, #tpu.memory_space<vmem>> -> memref<1x200x64xf32, #tpu.memory_space<vmem>>
          %dma_start3A_185 = tpu.memref_squeeze %dma_start3A_184 : memref<1x200x64xf32, #tpu.memory_space<vmem>> -> memref<200x64xf32, #tpu.memory_space<vmem>>
          %dma_start3A_186 = arith.constant 0 : i32
          %dma_start3A_187 = arith.constant 0 : i32
          %dma_start3A_188 = tpu.memref_slice %dma_start3A_185[%dma_start3A_186, %dma_start3A_187] : memref<200x64xf32, #tpu.memory_space<vmem>> -> memref<100x64xf32, #tpu.memory_space<vmem>>
          %dma_start3A_189 = arith.constant 0 : i32
          %dma_start3A_190 = arith.constant 0 : i32
          %dma_start3A_191 = tpu.memref_slice %arg6[%select_n3A_157, %dma_start3A_189, %dma_start3A_190] : memref<4x2x100xi32, #tpu.memory_space<vmem>> -> memref<1x2x100xi32, #tpu.memory_space<vmem>>
          %dma_start3A_192 = tpu.memref_squeeze %dma_start3A_191 : memref<1x2x100xi32, #tpu.memory_space<vmem>> -> memref<2x100xi32, #tpu.memory_space<vmem>>
          %dma_start3A_193 = arith.constant 0 : i32
          %dma_start3A_194 = tpu.memref_slice %dma_start3A_192[%run_scoped3A_162, %dma_start3A_193] : memref<2x100xi32, #tpu.memory_space<vmem>> -> memref<1x100xi32, #tpu.memory_space<vmem>>
          %dma_start3A_195 = tpu.memref_squeeze %dma_start3A_194 : memref<1x100xi32, #tpu.memory_space<vmem>> -> memref<100xi32, #tpu.memory_space<vmem>>
          %dma_start3A_196 = arith.constant 0 : i32
          %dma_start3A_197 = arith.constant 0 : i32
          %dma_start3A_198 = tpu.memref_slice %arg8[%add3A_161, %dma_start3A_196, %dma_start3A_197] : memref<22x1024x64xf32, #tpu.memory_space<vmem_shared>> -> memref<1x1024x64xf32, #tpu.memory_space<vmem_shared>>
          %dma_start3A_199 = tpu.memref_squeeze %dma_start3A_198 : memref<1x1024x64xf32, #tpu.memory_space<vmem_shared>> -> memref<1024x64xf32, #tpu.memory_space<vmem_shared>>
          %dma_start3A_200 = arith.constant 0 : i32
          %dma_start3A_201 = arith.constant 0 : i32
          %dma_start3A_202 = tpu.memref_slice %dma_start3A_199[%dma_start3A_200, %dma_start3A_201] : memref<1024x64xf32, #tpu.memory_space<vmem_shared>> -> memref<1024x64xf32, #tpu.memory_space<vmem_shared>>
          tpu.enqueue_indirect_dma source(%dma_start3A_188 : memref<100x64xf32, #tpu.memory_space<vmem>>) target(%dma_start3A_202 : memref<1024x64xf32, #tpu.memory_space<vmem_shared>>) offsets(%dma_start3A_195 : memref<100xi32, #tpu.memory_space<vmem>>) semaphore(%run_scoped3A_181 : memref<!tpu.dma_semaphore, #tpu.memory_space<semaphore_mem>>) {add = true}
          %dma_wait3A_203 = arith.constant 0 : i32
          %dma_wait3A_204 = arith.constant 0 : i32
          %dma_wait3A_205 = tpu.memref_slice %arg7[%run_scoped3A, %dma_wait3A_203, %dma_wait3A_204] : memref<2x200x64xf32, #tpu.memory_space<vmem>> -> memref<1x200x64xf32, #tpu.memory_space<vmem>>
          %dma_wait3A_206 = tpu.memref_squeeze %dma_wait3A_205 : memref<1x200x64xf32, #tpu.memory_space<vmem>> -> memref<200x64xf32, #tpu.memory_space<vmem>>
          %dma_wait3A_207 = arith.constant 0 : i32
          %dma_wait3A_208 = arith.constant 0 : i32
          %dma_wait3A_209 = tpu.memref_slice %dma_wait3A_206[%dma_wait3A_207, %dma_wait3A_208] : memref<200x64xf32, #tpu.memory_space<vmem>> -> memref<100x64xf32, #tpu.memory_space<vmem>>
          %dma_wait3A_210 = arith.constant 0 : i32
          %dma_wait3A_211 = arith.constant 0 : i32
          %dma_wait3A_212 = tpu.memref_slice %arg6[%select_n3A_157, %dma_wait3A_210, %dma_wait3A_211] : memref<4x2x100xi32, #tpu.memory_space<vmem>> -> memref<1x2x100xi32, #tpu.memory_space<vmem>>
          %dma_wait3A_213 = tpu.memref_squeeze %dma_wait3A_212 : memref<1x2x100xi32, #tpu.memory_space<vmem>> -> memref<2x100xi32, #tpu.memory_space<vmem>>
          %dma_wait3A_214 = arith.constant 0 : i32
          %dma_wait3A_215 = tpu.memref_slice %dma_wait3A_213[%run_scoped3A_162, %dma_wait3A_214] : memref<2x100xi32, #tpu.memory_space<vmem>> -> memref<1x100xi32, #tpu.memory_space<vmem>>
          %dma_wait3A_216 = tpu.memref_squeeze %dma_wait3A_215 : memref<1x100xi32, #tpu.memory_space<vmem>> -> memref<100xi32, #tpu.memory_space<vmem>>
          %dma_wait3A_217 = arith.constant 0 : i32
          %dma_wait3A_218 = arith.constant 0 : i32
          %dma_wait3A_219 = tpu.memref_slice %arg8[%add3A_161, %dma_wait3A_217, %dma_wait3A_218] : memref<22x1024x64xf32, #tpu.memory_space<vmem_shared>> -> memref<1x1024x64xf32, #tpu.memory_space<vmem_shared>>
          %dma_wait3A_220 = tpu.memref_squeeze %dma_wait3A_219 : memref<1x1024x64xf32, #tpu.memory_space<vmem_shared>> -> memref<1024x64xf32, #tpu.memory_space<vmem_shared>>
          %dma_wait3A_221 = arith.constant 0 : i32
          %dma_wait3A_222 = arith.constant 0 : i32
          %dma_wait3A_223 = tpu.memref_slice %dma_wait3A_220[%dma_wait3A_221, %dma_wait3A_222] : memref<1024x64xf32, #tpu.memory_space<vmem_shared>> -> memref<1024x64xf32, #tpu.memory_space<vmem_shared>>
          tpu.wait_indirect_dma semaphore(%run_scoped3A_181 : memref<!tpu.dma_semaphore, #tpu.memory_space<semaphore_mem>>) src(%dma_wait3A_209 : memref<100x64xf32, #tpu.memory_space<vmem>>) dst(%dma_wait3A_223 : memref<1024x64xf32, #tpu.memory_space<vmem_shared>>)
          tpu.yield
        }) : () -> ()
        %mul3A_163 = arith.constant 2 : i32
        %mul3A_164 = arith.muli %mul3A_163, %min3A_14 : i32
        %add3A_165 = arith.constant 0 : i32
        %add3A_166 = arith.addi %mul3A_164, %add3A_165 : i32
        %run_scoped3A_167 = arith.constant 0 : i32
        %run_scoped3A_168 = arith.constant 1 : i32
        "tpu.region"() ({
          %run_scoped3A_181 = tpu.sem_alloc : memref<!tpu.dma_semaphore, #tpu.memory_space<semaphore_mem>>
          %dma_start3A_182 = arith.constant 0 : i32
          %dma_start3A_183 = arith.constant 0 : i32
          %dma_start3A_184 = tpu.memref_slice %arg7[%run_scoped3A_167, %dma_start3A_182, %dma_start3A_183] : memref<2x200x64xf32, #tpu.memory_space<vmem>> -> memref<1x200x64xf32, #tpu.memory_space<vmem>>
          %dma_start3A_185 = tpu.memref_squeeze %dma_start3A_184 : memref<1x200x64xf32, #tpu.memory_space<vmem>> -> memref<200x64xf32, #tpu.memory_space<vmem>>
          %dma_start3A_186 = arith.constant 100 : i32
          %dma_start3A_187 = arith.constant 0 : i32
          %dma_start3A_188 = tpu.memref_slice %dma_start3A_185[%dma_start3A_186, %dma_start3A_187] : memref<200x64xf32, #tpu.memory_space<vmem>> -> memref<100x64xf32, #tpu.memory_space<vmem>>
          %dma_start3A_189 = arith.constant 0 : i32
          %dma_start3A_190 = arith.constant 0 : i32
          %dma_start3A_191 = tpu.memref_slice %arg6[%select_n3A_157, %dma_start3A_189, %dma_start3A_190] : memref<4x2x100xi32, #tpu.memory_space<vmem>> -> memref<1x2x100xi32, #tpu.memory_space<vmem>>
          %dma_start3A_192 = tpu.memref_squeeze %dma_start3A_191 : memref<1x2x100xi32, #tpu.memory_space<vmem>> -> memref<2x100xi32, #tpu.memory_space<vmem>>
          %dma_start3A_193 = arith.constant 0 : i32
          %dma_start3A_194 = tpu.memref_slice %dma_start3A_192[%run_scoped3A_168, %dma_start3A_193] : memref<2x100xi32, #tpu.memory_space<vmem>> -> memref<1x100xi32, #tpu.memory_space<vmem>>
          %dma_start3A_195 = tpu.memref_squeeze %dma_start3A_194 : memref<1x100xi32, #tpu.memory_space<vmem>> -> memref<100xi32, #tpu.memory_space<vmem>>
          %dma_start3A_196 = arith.constant 0 : i32
          %dma_start3A_197 = arith.constant 0 : i32
          %dma_start3A_198 = tpu.memref_slice %arg8[%add3A_166, %dma_start3A_196, %dma_start3A_197] : memref<22x1024x64xf32, #tpu.memory_space<vmem_shared>> -> memref<1x1024x64xf32, #tpu.memory_space<vmem_shared>>
          %dma_start3A_199 = tpu.memref_squeeze %dma_start3A_198 : memref<1x1024x64xf32, #tpu.memory_space<vmem_shared>> -> memref<1024x64xf32, #tpu.memory_space<vmem_shared>>
          %dma_start3A_200 = arith.constant 0 : i32
          %dma_start3A_201 = arith.constant 0 : i32
          %dma_start3A_202 = tpu.memref_slice %dma_start3A_199[%dma_start3A_200, %dma_start3A_201] : memref<1024x64xf32, #tpu.memory_space<vmem_shared>> -> memref<1024x64xf32, #tpu.memory_space<vmem_shared>>
          tpu.enqueue_indirect_dma source(%dma_start3A_188 : memref<100x64xf32, #tpu.memory_space<vmem>>) target(%dma_start3A_202 : memref<1024x64xf32, #tpu.memory_space<vmem_shared>>) offsets(%dma_start3A_195 : memref<100xi32, #tpu.memory_space<vmem>>) semaphore(%run_scoped3A_181 : memref<!tpu.dma_semaphore, #tpu.memory_space<semaphore_mem>>) {add = true}
          %dma_wait3A_203 = arith.constant 0 : i32
          %dma_wait3A_204 = arith.constant 0 : i32
          %dma_wait3A_205 = tpu.memref_slice %arg7[%run_scoped3A_167, %dma_wait3A_203, %dma_wait3A_204] : memref<2x200x64xf32, #tpu.memory_space<vmem>> -> memref<1x200x64xf32, #tpu.memory_space<vmem>>
          %dma_wait3A_206 = tpu.memref_squeeze %dma_wait3A_205 : memref<1x200x64xf32, #tpu.memory_space<vmem>> -> memref<200x64xf32, #tpu.memory_space<vmem>>
          %dma_wait3A_207 = arith.constant 100 : i32
          %dma_wait3A_208 = arith.constant 0 : i32
          %dma_wait3A_209 = tpu.memref_slice %dma_wait3A_206[%dma_wait3A_207, %dma_wait3A_208] : memref<200x64xf32, #tpu.memory_space<vmem>> -> memref<100x64xf32, #tpu.memory_space<vmem>>
          %dma_wait3A_210 = arith.constant 0 : i32
          %dma_wait3A_211 = arith.constant 0 : i32
          %dma_wait3A_212 = tpu.memref_slice %arg6[%select_n3A_157, %dma_wait3A_210, %dma_wait3A_211] : memref<4x2x100xi32, #tpu.memory_space<vmem>> -> memref<1x2x100xi32, #tpu.memory_space<vmem>>
          %dma_wait3A_213 = tpu.memref_squeeze %dma_wait3A_212 : memref<1x2x100xi32, #tpu.memory_space<vmem>> -> memref<2x100xi32, #tpu.memory_space<vmem>>
          %dma_wait3A_214 = arith.constant 0 : i32
          %dma_wait3A_215 = tpu.memref_slice %dma_wait3A_213[%run_scoped3A_168, %dma_wait3A_214] : memref<2x100xi32, #tpu.memory_space<vmem>> -> memref<1x100xi32, #tpu.memory_space<vmem>>
          %dma_wait3A_216 = tpu.memref_squeeze %dma_wait3A_215 : memref<1x100xi32, #tpu.memory_space<vmem>> -> memref<100xi32, #tpu.memory_space<vmem>>
          %dma_wait3A_217 = arith.constant 0 : i32
          %dma_wait3A_218 = arith.constant 0 : i32
          %dma_wait3A_219 = tpu.memref_slice %arg8[%add3A_166, %dma_wait3A_217, %dma_wait3A_218] : memref<22x1024x64xf32, #tpu.memory_space<vmem_shared>> -> memref<1x1024x64xf32, #tpu.memory_space<vmem_shared>>
          %dma_wait3A_220 = tpu.memref_squeeze %dma_wait3A_219 : memref<1x1024x64xf32, #tpu.memory_space<vmem_shared>> -> memref<1024x64xf32, #tpu.memory_space<vmem_shared>>
          %dma_wait3A_221 = arith.constant 0 : i32
          %dma_wait3A_222 = arith.constant 0 : i32
          %dma_wait3A_223 = tpu.memref_slice %dma_wait3A_220[%dma_wait3A_221, %dma_wait3A_222] : memref<1024x64xf32, #tpu.memory_space<vmem_shared>> -> memref<1024x64xf32, #tpu.memory_space<vmem_shared>>
          tpu.wait_indirect_dma semaphore(%run_scoped3A_181 : memref<!tpu.dma_semaphore, #tpu.memory_space<semaphore_mem>>) src(%dma_wait3A_209 : memref<100x64xf32, #tpu.memory_space<vmem>>) dst(%dma_wait3A_223 : memref<1024x64xf32, #tpu.memory_space<vmem_shared>>)
          tpu.yield
        }) : () -> ()
        %add3A_169 = arith.addi %add3A_12, %mul3A_69 : i32
        %mul3A_170 = arith.constant 2 : i32
        %mul3A_171 = arith.muli %mul3A_170, %min3A_14 : i32
        %add3A_172 = arith.constant 0 : i32
        %add3A_173 = arith.addi %mul3A_171, %add3A_172 : i32
        %mul3A_174 = arith.constant 1024 : i32
        %mul3A_175 = arith.muli %add3A_169, %mul3A_174 : i32
        %dma_start3A = arith.constant 0 : i32
        %dma_start3A_176 = tpu.memref_slice %arg5[%mul3A_175, %dma_start3A] : memref<1048576x64xf32, #tpu.memory_space<hbm>> -> memref<1024x64xf32, #tpu.memory_space<hbm>>
        %dma_start3A_177 = arith.constant 0 : i32
        %dma_start3A_178 = arith.constant 0 : i32
        %dma_start3A_179 = tpu.memref_slice %arg8[%add3A_173, %dma_start3A_177, %dma_start3A_178] : memref<22x1024x64xf32, #tpu.memory_space<vmem_shared>> -> memref<1x1024x64xf32, #tpu.memory_space<vmem_shared>>
        %dma_start3A_180 = tpu.memref_squeeze %dma_start3A_179 : memref<1x1024x64xf32, #tpu.memory_space<vmem_shared>> -> memref<1024x64xf32, #tpu.memory_space<vmem_shared>>
        tpu.enqueue_dma source(%dma_start3A_180 : memref<1024x64xf32, #tpu.memory_space<vmem_shared>>) target(%dma_start3A_176 : memref<1024x64xf32, #tpu.memory_space<hbm>>) target_semaphore(%arg14 : memref<!tpu.dma_semaphore, #tpu.memory_space<semaphore_mem>>)
      } else {
      }
      %add3A_85 = arith.constant 2 : i32
      %add3A_86 = arith.addi %mul3A_69, %add3A_85 : i32
      %lt3A_87 = arith.cmpi slt, %add3A_86, %select_n3A_8 : i32
      %convert_element_type3A_88 = arith.extui %lt3A_87 : i1 to i32
      %cond3A_89 = arith.constant 0 : i32
      %cond3A_90 = arith.cmpi ne, %convert_element_type3A_88, %cond3A_89 : i32
      scf.if %cond3A_90 {
        %add3A_108 = arith.addi %add3A_12, %add3A_86 : i32
        %jit3A_109 = arith.constant 4 : i32
        %eq3A = arith.constant 0 : i32
        %eq3A_110 = arith.cmpi eq, %jit3A_109, %eq3A : i32
        %jit3A_111 = arith.constant 1 : i32
        %select_n3A_112 = arith.select %eq3A_110, %jit3A_111, %jit3A_109 : i32
        %rem3A_113 = arith.remsi %add3A_86, %select_n3A_112 : i32
        %ne3A_114 = arith.constant 0 : i32
        %ne3A_115 = arith.cmpi ne, %rem3A_113, %ne3A_114 : i32
        %lt3A_116 = arith.constant 0 : i32
        %lt3A_117 = arith.cmpi slt, %rem3A_113, %lt3A_116 : i32
        %lt3A_118 = arith.constant 0 : i32
        %lt3A_119 = arith.cmpi slt, %select_n3A_112, %lt3A_118 : i32
        %ne3A_120 = arith.xori %lt3A_117, %lt3A_119 : i1
        %and3A_121 = arith.andi %ne3A_120, %ne3A_115 : i1
        %add3A_122 = arith.addi %rem3A_113, %select_n3A_112 : i32
        %select_n3A_123 = arith.select %and3A_121, %add3A_122, %rem3A_113 : i32
        %dma_start3A = arith.constant 0 : i32
        %dma_start3A_124 = arith.constant 0 : i32
        %dma_start3A_125 = tpu.memref_slice %arg6[%select_n3A_123, %dma_start3A, %dma_start3A_124] : memref<4x2x100xi32, #tpu.memory_space<vmem>> -> memref<1x2x100xi32, #tpu.memory_space<vmem>>
        %dma_start3A_126 = tpu.memref_squeeze %dma_start3A_125 : memref<1x2x100xi32, #tpu.memory_space<vmem>> -> memref<2x100xi32, #tpu.memory_space<vmem>>
        %dma_start3A_127 = arith.constant 0 : i32
        %dma_start3A_128 = arith.constant 0 : i32
        %dma_start3A_129 = tpu.memref_slice %arg3[%add3A_108, %dma_start3A_127, %dma_start3A_128] : memref<1024x2x100xi32, #tpu.memory_space<hbm>> -> memref<1x2x100xi32, #tpu.memory_space<hbm>>
        %dma_start3A_130 = tpu.memref_squeeze %dma_start3A_129 : memref<1x2x100xi32, #tpu.memory_space<hbm>> -> memref<2x100xi32, #tpu.memory_space<hbm>>
        %dma_start3A_131 = arith.constant 0 : i32
        %dma_start3A_132 = arith.constant 0 : i32
        %dma_start3A_133 = tpu.memref_slice %arg6[%select_n3A_123, %dma_start3A_131, %dma_start3A_132] : memref<4x2x100xi32, #tpu.memory_space<vmem>> -> memref<1x2x100xi32, #tpu.memory_space<vmem>>
        %dma_start3A_134 = tpu.memref_squeeze %dma_start3A_133 : memref<1x2x100xi32, #tpu.memory_space<vmem>> -> memref<2x100xi32, #tpu.memory_space<vmem>>
        %dma_start3A_135 = arith.constant 0 : i32
        %dma_start3A_136 = arith.constant 0 : i32
        %dma_start3A_137 = tpu.memref_slice %arg3[%add3A_108, %dma_start3A_135, %dma_start3A_136] : memref<1024x2x100xi32, #tpu.memory_space<hbm>> -> memref<1x2x100xi32, #tpu.memory_space<hbm>>
        %dma_start3A_138 = tpu.memref_squeeze %dma_start3A_137 : memref<1x2x100xi32, #tpu.memory_space<hbm>> -> memref<2x100xi32, #tpu.memory_space<hbm>>
        tpu.enqueue_dma source(%dma_start3A_138 : memref<2x100xi32, #tpu.memory_space<hbm>>) target(%dma_start3A_134 : memref<2x100xi32, #tpu.memory_space<vmem>>) target_semaphore(%arg10 : memref<!tpu.dma_semaphore, #tpu.memory_space<semaphore_mem>>)
        %dma_start3A_139 = arith.constant 0 : i32
        %dma_start3A_140 = arith.constant 0 : i32
        %dma_start3A_141 = arith.constant 0 : i32
        %dma_start3A_142 = tpu.memref_slice %arg7[%dma_start3A_139, %dma_start3A_140, %dma_start3A_141] : memref<2x200x64xf32, #tpu.memory_space<vmem>> -> memref<1x200x64xf32, #tpu.memory_space<vmem>>
        %dma_start3A_143 = tpu.memref_squeeze %dma_start3A_142 : memref<1x200x64xf32, #tpu.memory_space<vmem>> -> memref<200x64xf32, #tpu.memory_space<vmem>>
        %dma_start3A_144 = arith.constant 0 : i32
        %dma_start3A_145 = arith.constant 0 : i32
        %dma_start3A_146 = tpu.memref_slice %arg2[%add3A_108, %dma_start3A_144, %dma_start3A_145] : memref<1024x200x64xf32, #tpu.memory_space<hbm>> -> memref<1x200x64xf32, #tpu.memory_space<hbm>>
        %dma_start3A_147 = tpu.memref_squeeze %dma_start3A_146 : memref<1x200x64xf32, #tpu.memory_space<hbm>> -> memref<200x64xf32, #tpu.memory_space<hbm>>
        %dma_start3A_148 = arith.constant 0 : i32
        %dma_start3A_149 = arith.constant 0 : i32
        %dma_start3A_150 = tpu.memref_slice %arg7[%dma_start3A_139, %dma_start3A_148, %dma_start3A_149] : memref<2x200x64xf32, #tpu.memory_space<vmem>> -> memref<1x200x64xf32, #tpu.memory_space<vmem>>
        %dma_start3A_151 = tpu.memref_squeeze %dma_start3A_150 : memref<1x200x64xf32, #tpu.memory_space<vmem>> -> memref<200x64xf32, #tpu.memory_space<vmem>>
        %dma_start3A_152 = arith.constant 0 : i32
        %dma_start3A_153 = arith.constant 0 : i32
        %dma_start3A_154 = tpu.memref_slice %arg2[%add3A_108, %dma_start3A_152, %dma_start3A_153] : memref<1024x200x64xf32, #tpu.memory_space<hbm>> -> memref<1x200x64xf32, #tpu.memory_space<hbm>>
        %dma_start3A_155 = tpu.memref_squeeze %dma_start3A_154 : memref<1x200x64xf32, #tpu.memory_space<hbm>> -> memref<200x64xf32, #tpu.memory_space<hbm>>
        tpu.enqueue_dma source(%dma_start3A_155 : memref<200x64xf32, #tpu.memory_space<hbm>>) target(%dma_start3A_151 : memref<200x64xf32, #tpu.memory_space<vmem>>) target_semaphore(%arg12 : memref<!tpu.dma_semaphore, #tpu.memory_space<semaphore_mem>>)
      } else {
      }
      %ge3A_91 = arith.constant 1 : i32
      %ge3A_92 = arith.cmpi sge, %while3A_67, %ge3A_91 : i32
      %lt3A_93 = arith.cmpi slt, %add3A_73, %select_n3A_8 : i32
      %and3A_94 = arith.andi %ge3A_92, %lt3A_93 : i1
      %convert_element_type3A_95 = arith.extui %and3A_94 : i1 to i32
      %cond3A_96 = arith.constant 0 : i32
      %cond3A_97 = arith.cmpi ne, %convert_element_type3A_95, %cond3A_96 : i32
      scf.if %cond3A_97 {
        %mul3A_108 = arith.constant 2 : i32
        %mul3A_109 = arith.muli %mul3A_108, %min3A_14 : i32
        %add3A_110 = arith.constant 1 : i32
        %add3A_111 = arith.addi %mul3A_109, %add3A_110 : i32
        %dma_wait3A = arith.constant 0 : i32
        %dma_wait3A_112 = arith.constant 0 : i32
        %dma_wait3A_113 = tpu.memref_slice %arg5[%dma_wait3A, %dma_wait3A_112] : memref<1048576x64xf32, #tpu.memory_space<hbm>> -> memref<1024x64xf32, #tpu.memory_space<hbm>>
        %dma_wait3A_114 = arith.constant 0 : i32
        %dma_wait3A_115 = arith.constant 0 : i32
        %dma_wait3A_116 = tpu.memref_slice %arg8[%add3A_111, %dma_wait3A_114, %dma_wait3A_115] : memref<22x1024x64xf32, #tpu.memory_space<vmem_shared>> -> memref<1x1024x64xf32, #tpu.memory_space<vmem_shared>>
        %dma_wait3A_117 = tpu.memref_squeeze %dma_wait3A_116 : memref<1x1024x64xf32, #tpu.memory_space<vmem_shared>> -> memref<1024x64xf32, #tpu.memory_space<vmem_shared>>
        tpu.wait_dma2 semaphore(%arg15 : memref<!tpu.dma_semaphore, #tpu.memory_space<semaphore_mem>>) src(%dma_wait3A_117 : memref<1024x64xf32, #tpu.memory_space<vmem_shared>>) dst(%dma_wait3A_113 : memref<1024x64xf32, #tpu.memory_space<hbm>>)
        %sub3A_118 = arith.constant 2 : i32
        %sub3A_119 = arith.subi %add3A_73, %sub3A_118 : i32
        %jit3A_120 = arith.constant 4 : i32
        %eq3A = arith.constant 0 : i32
        %eq3A_121 = arith.cmpi eq, %jit3A_120, %eq3A : i32
        %jit3A_122 = arith.constant 1 : i32
        %select_n3A_123 = arith.select %eq3A_121, %jit3A_122, %jit3A_120 : i32
        %rem3A_124 = arith.remsi %sub3A_119, %select_n3A_123 : i32
        %ne3A_125 = arith.constant 0 : i32
        %ne3A_126 = arith.cmpi ne, %rem3A_124, %ne3A_125 : i32
        %lt3A_127 = arith.constant 0 : i32
        %lt3A_128 = arith.cmpi slt, %rem3A_124, %lt3A_127 : i32
        %lt3A_129 = arith.constant 0 : i32
        %lt3A_130 = arith.cmpi slt, %select_n3A_123, %lt3A_129 : i32
        %ne3A_131 = arith.xori %lt3A_128, %lt3A_130 : i1
        %and3A_132 = arith.andi %ne3A_131, %ne3A_126 : i1
        %add3A_133 = arith.addi %rem3A_124, %select_n3A_123 : i32
        %select_n3A_134 = arith.select %and3A_132, %add3A_133, %rem3A_124 : i32
        %mul3A_135 = arith.constant 2 : i32
        %mul3A_136 = arith.muli %mul3A_135, %min3A_14 : i32
        %add3A_137 = arith.constant 1 : i32
        %add3A_138 = arith.addi %mul3A_136, %add3A_137 : i32
        %run_scoped3A = arith.constant 0 : i32
        "tpu.region"() ({
          %run_scoped3A_144 = tpu.sem_alloc : memref<!tpu.dma_semaphore, #tpu.memory_space<semaphore_mem>>
          %dma_start3A = arith.constant 0 : i32
          %dma_start3A_145 = arith.constant 0 : i32
          %dma_start3A_146 = tpu.memref_slice %arg6[%select_n3A_134, %dma_start3A, %dma_start3A_145] : memref<4x2x100xi32, #tpu.memory_space<vmem>> -> memref<1x2x100xi32, #tpu.memory_space<vmem>>
          %dma_start3A_147 = tpu.memref_squeeze %dma_start3A_146 : memref<1x2x100xi32, #tpu.memory_space<vmem>> -> memref<2x100xi32, #tpu.memory_space<vmem>>
          %dma_start3A_148 = arith.constant 0 : i32
          %dma_start3A_149 = tpu.memref_slice %dma_start3A_147[%run_scoped3A, %dma_start3A_148] : memref<2x100xi32, #tpu.memory_space<vmem>> -> memref<1x100xi32, #tpu.memory_space<vmem>>
          %dma_start3A_150 = tpu.memref_squeeze %dma_start3A_149 : memref<1x100xi32, #tpu.memory_space<vmem>> -> memref<100xi32, #tpu.memory_space<vmem>>
          %dma_start3A_151 = arith.constant 0 : i32
          %dma_start3A_152 = arith.constant 0 : i32
          %dma_start3A_153 = tpu.memref_slice %arg8[%add3A_138, %dma_start3A_151, %dma_start3A_152] : memref<22x1024x64xf32, #tpu.memory_space<vmem_shared>> -> memref<1x1024x64xf32, #tpu.memory_space<vmem_shared>>
          %dma_start3A_154 = tpu.memref_squeeze %dma_start3A_153 : memref<1x1024x64xf32, #tpu.memory_space<vmem_shared>> -> memref<1024x64xf32, #tpu.memory_space<vmem_shared>>
          %dma_start3A_155 = arith.constant 0 : i32
          %dma_start3A_156 = arith.constant 0 : i32
          %dma_start3A_157 = tpu.memref_slice %dma_start3A_154[%dma_start3A_155, %dma_start3A_156] : memref<1024x64xf32, #tpu.memory_space<vmem_shared>> -> memref<1024x64xf32, #tpu.memory_space<vmem_shared>>
          tpu.enqueue_indirect_dma source(%arg9 : memref<100x64xf32, #tpu.memory_space<vmem>>) target(%dma_start3A_157 : memref<1024x64xf32, #tpu.memory_space<vmem_shared>>) offsets(%dma_start3A_150 : memref<100xi32, #tpu.memory_space<vmem>>) semaphore(%run_scoped3A_144 : memref<!tpu.dma_semaphore, #tpu.memory_space<semaphore_mem>>)
          %dma_wait3A_158 = arith.constant 0 : i32
          %dma_wait3A_159 = arith.constant 0 : i32
          %dma_wait3A_160 = tpu.memref_slice %arg6[%select_n3A_134, %dma_wait3A_158, %dma_wait3A_159] : memref<4x2x100xi32, #tpu.memory_space<vmem>> -> memref<1x2x100xi32, #tpu.memory_space<vmem>>
          %dma_wait3A_161 = tpu.memref_squeeze %dma_wait3A_160 : memref<1x2x100xi32, #tpu.memory_space<vmem>> -> memref<2x100xi32, #tpu.memory_space<vmem>>
          %dma_wait3A_162 = arith.constant 0 : i32
          %dma_wait3A_163 = tpu.memref_slice %dma_wait3A_161[%run_scoped3A, %dma_wait3A_162] : memref<2x100xi32, #tpu.memory_space<vmem>> -> memref<1x100xi32, #tpu.memory_space<vmem>>
          %dma_wait3A_164 = tpu.memref_squeeze %dma_wait3A_163 : memref<1x100xi32, #tpu.memory_space<vmem>> -> memref<100xi32, #tpu.memory_space<vmem>>
          %dma_wait3A_165 = arith.constant 0 : i32
          %dma_wait3A_166 = arith.constant 0 : i32
          %dma_wait3A_167 = tpu.memref_slice %arg8[%add3A_138, %dma_wait3A_165, %dma_wait3A_166] : memref<22x1024x64xf32, #tpu.memory_space<vmem_shared>> -> memref<1x1024x64xf32, #tpu.memory_space<vmem_shared>>
          %dma_wait3A_168 = tpu.memref_squeeze %dma_wait3A_167 : memref<1x1024x64xf32, #tpu.memory_space<vmem_shared>> -> memref<1024x64xf32, #tpu.memory_space<vmem_shared>>
          %dma_wait3A_169 = arith.constant 0 : i32
          %dma_wait3A_170 = arith.constant 0 : i32
          %dma_wait3A_171 = tpu.memref_slice %dma_wait3A_168[%dma_wait3A_169, %dma_wait3A_170] : memref<1024x64xf32, #tpu.memory_space<vmem_shared>> -> memref<1024x64xf32, #tpu.memory_space<vmem_shared>>
          tpu.wait_indirect_dma semaphore(%run_scoped3A_144 : memref<!tpu.dma_semaphore, #tpu.memory_space<semaphore_mem>>) src(%arg9 : memref<100x64xf32, #tpu.memory_space<vmem>>) dst(%dma_wait3A_171 : memref<1024x64xf32, #tpu.memory_space<vmem_shared>>)
          tpu.yield
        }) : () -> ()
        %mul3A_139 = arith.constant 2 : i32
        %mul3A_140 = arith.muli %mul3A_139, %min3A_14 : i32
        %add3A_141 = arith.constant 1 : i32
        %add3A_142 = arith.addi %mul3A_140, %add3A_141 : i32
        %run_scoped3A_143 = arith.constant 1 : i32
        "tpu.region"() ({
          %run_scoped3A_144 = tpu.sem_alloc : memref<!tpu.dma_semaphore, #tpu.memory_space<semaphore_mem>>
          %dma_start3A = arith.constant 0 : i32
          %dma_start3A_145 = arith.constant 0 : i32
          %dma_start3A_146 = tpu.memref_slice %arg6[%select_n3A_134, %dma_start3A, %dma_start3A_145] : memref<4x2x100xi32, #tpu.memory_space<vmem>> -> memref<1x2x100xi32, #tpu.memory_space<vmem>>
          %dma_start3A_147 = tpu.memref_squeeze %dma_start3A_146 : memref<1x2x100xi32, #tpu.memory_space<vmem>> -> memref<2x100xi32, #tpu.memory_space<vmem>>
          %dma_start3A_148 = arith.constant 0 : i32
          %dma_start3A_149 = tpu.memref_slice %dma_start3A_147[%run_scoped3A_143, %dma_start3A_148] : memref<2x100xi32, #tpu.memory_space<vmem>> -> memref<1x100xi32, #tpu.memory_space<vmem>>
          %dma_start3A_150 = tpu.memref_squeeze %dma_start3A_149 : memref<1x100xi32, #tpu.memory_space<vmem>> -> memref<100xi32, #tpu.memory_space<vmem>>
          %dma_start3A_151 = arith.constant 0 : i32
          %dma_start3A_152 = arith.constant 0 : i32
          %dma_start3A_153 = tpu.memref_slice %arg8[%add3A_142, %dma_start3A_151, %dma_start3A_152] : memref<22x1024x64xf32, #tpu.memory_space<vmem_shared>> -> memref<1x1024x64xf32, #tpu.memory_space<vmem_shared>>
          %dma_start3A_154 = tpu.memref_squeeze %dma_start3A_153 : memref<1x1024x64xf32, #tpu.memory_space<vmem_shared>> -> memref<1024x64xf32, #tpu.memory_space<vmem_shared>>
          %dma_start3A_155 = arith.constant 0 : i32
          %dma_start3A_156 = arith.constant 0 : i32
          %dma_start3A_157 = tpu.memref_slice %dma_start3A_154[%dma_start3A_155, %dma_start3A_156] : memref<1024x64xf32, #tpu.memory_space<vmem_shared>> -> memref<1024x64xf32, #tpu.memory_space<vmem_shared>>
          tpu.enqueue_indirect_dma source(%arg9 : memref<100x64xf32, #tpu.memory_space<vmem>>) target(%dma_start3A_157 : memref<1024x64xf32, #tpu.memory_space<vmem_shared>>) offsets(%dma_start3A_150 : memref<100xi32, #tpu.memory_space<vmem>>) semaphore(%run_scoped3A_144 : memref<!tpu.dma_semaphore, #tpu.memory_space<semaphore_mem>>)
          %dma_wait3A_158 = arith.constant 0 : i32
          %dma_wait3A_159 = arith.constant 0 : i32
          %dma_wait3A_160 = tpu.memref_slice %arg6[%select_n3A_134, %dma_wait3A_158, %dma_wait3A_159] : memref<4x2x100xi32, #tpu.memory_space<vmem>> -> memref<1x2x100xi32, #tpu.memory_space<vmem>>
          %dma_wait3A_161 = tpu.memref_squeeze %dma_wait3A_160 : memref<1x2x100xi32, #tpu.memory_space<vmem>> -> memref<2x100xi32, #tpu.memory_space<vmem>>
          %dma_wait3A_162 = arith.constant 0 : i32
          %dma_wait3A_163 = tpu.memref_slice %dma_wait3A_161[%run_scoped3A_143, %dma_wait3A_162] : memref<2x100xi32, #tpu.memory_space<vmem>> -> memref<1x100xi32, #tpu.memory_space<vmem>>
          %dma_wait3A_164 = tpu.memref_squeeze %dma_wait3A_163 : memref<1x100xi32, #tpu.memory_space<vmem>> -> memref<100xi32, #tpu.memory_space<vmem>>
          %dma_wait3A_165 = arith.constant 0 : i32
          %dma_wait3A_166 = arith.constant 0 : i32
          %dma_wait3A_167 = tpu.memref_slice %arg8[%add3A_142, %dma_wait3A_165, %dma_wait3A_166] : memref<22x1024x64xf32, #tpu.memory_space<vmem_shared>> -> memref<1x1024x64xf32, #tpu.memory_space<vmem_shared>>
          %dma_wait3A_168 = tpu.memref_squeeze %dma_wait3A_167 : memref<1x1024x64xf32, #tpu.memory_space<vmem_shared>> -> memref<1024x64xf32, #tpu.memory_space<vmem_shared>>
          %dma_wait3A_169 = arith.constant 0 : i32
          %dma_wait3A_170 = arith.constant 0 : i32
          %dma_wait3A_171 = tpu.memref_slice %dma_wait3A_168[%dma_wait3A_169, %dma_wait3A_170] : memref<1024x64xf32, #tpu.memory_space<vmem_shared>> -> memref<1024x64xf32, #tpu.memory_space<vmem_shared>>
          tpu.wait_indirect_dma semaphore(%run_scoped3A_144 : memref<!tpu.dma_semaphore, #tpu.memory_space<semaphore_mem>>) src(%arg9 : memref<100x64xf32, #tpu.memory_space<vmem>>) dst(%dma_wait3A_171 : memref<1024x64xf32, #tpu.memory_space<vmem_shared>>)
          tpu.yield
        }) : () -> ()
      } else {
      }
      %lt3A_98 = arith.cmpi slt, %add3A_73, %select_n3A_8 : i32
      %convert_element_type3A_99 = arith.extui %lt3A_98 : i1 to i32
      %cond3A_100 = arith.constant 0 : i32
      %cond3A_101 = arith.cmpi ne, %convert_element_type3A_99, %cond3A_100 : i32
      scf.if %cond3A_101 {
        %dma_wait3A = arith.constant 0 : i32
        %dma_wait3A_108 = arith.constant 0 : i32
        %dma_wait3A_109 = arith.constant 0 : i32
        %dma_wait3A_110 = arith.constant 0 : i32
        %dma_wait3A_111 = tpu.memref_slice %arg6[%dma_wait3A_108, %dma_wait3A_109, %dma_wait3A_110] : memref<4x2x100xi32, #tpu.memory_space<vmem>> -> memref<1x2x100xi32, #tpu.memory_space<vmem>>
        %dma_wait3A_112 = tpu.memref_squeeze %dma_wait3A_111 : memref<1x2x100xi32, #tpu.memory_space<vmem>> -> memref<2x100xi32, #tpu.memory_space<vmem>>
        %dma_wait3A_113 = arith.constant 0 : i32
        %dma_wait3A_114 = arith.constant 0 : i32
        %dma_wait3A_115 = tpu.memref_slice %arg3[%dma_wait3A, %dma_wait3A_113, %dma_wait3A_114] : memref<1024x2x100xi32, #tpu.memory_space<hbm>> -> memref<1x2x100xi32, #tpu.memory_space<hbm>>
        %dma_wait3A_116 = tpu.memref_squeeze %dma_wait3A_115 : memref<1x2x100xi32, #tpu.memory_space<hbm>> -> memref<2x100xi32, #tpu.memory_space<hbm>>
        %dma_wait3A_117 = arith.constant 0 : i32
        %dma_wait3A_118 = arith.constant 0 : i32
        %dma_wait3A_119 = tpu.memref_slice %arg6[%dma_wait3A_108, %dma_wait3A_117, %dma_wait3A_118] : memref<4x2x100xi32, #tpu.memory_space<vmem>> -> memref<1x2x100xi32, #tpu.memory_space<vmem>>
        %dma_wait3A_120 = tpu.memref_squeeze %dma_wait3A_119 : memref<1x2x100xi32, #tpu.memory_space<vmem>> -> memref<2x100xi32, #tpu.memory_space<vmem>>
        %dma_wait3A_121 = arith.constant 0 : i32
        %dma_wait3A_122 = arith.constant 0 : i32
        %dma_wait3A_123 = tpu.memref_slice %arg3[%dma_wait3A, %dma_wait3A_121, %dma_wait3A_122] : memref<1024x2x100xi32, #tpu.memory_space<hbm>> -> memref<1x2x100xi32, #tpu.memory_space<hbm>>
        %dma_wait3A_124 = tpu.memref_squeeze %dma_wait3A_123 : memref<1x2x100xi32, #tpu.memory_space<hbm>> -> memref<2x100xi32, #tpu.memory_space<hbm>>
        tpu.wait_dma2 semaphore(%arg11 : memref<!tpu.dma_semaphore, #tpu.memory_space<semaphore_mem>>) src(%dma_wait3A_124 : memref<2x100xi32, #tpu.memory_space<hbm>>) dst(%dma_wait3A_120 : memref<2x100xi32, #tpu.memory_space<vmem>>)
        %dma_wait3A_125 = arith.constant 0 : i32
        %dma_wait3A_126 = arith.constant 0 : i32
        %dma_wait3A_127 = arith.constant 0 : i32
        %dma_wait3A_128 = arith.constant 0 : i32
        %dma_wait3A_129 = tpu.memref_slice %arg7[%dma_wait3A_126, %dma_wait3A_127, %dma_wait3A_128] : memref<2x200x64xf32, #tpu.memory_space<vmem>> -> memref<1x200x64xf32, #tpu.memory_space<vmem>>
        %dma_wait3A_130 = tpu.memref_squeeze %dma_wait3A_129 : memref<1x200x64xf32, #tpu.memory_space<vmem>> -> memref<200x64xf32, #tpu.memory_space<vmem>>
        %dma_wait3A_131 = arith.constant 0 : i32
        %dma_wait3A_132 = arith.constant 0 : i32
        %dma_wait3A_133 = tpu.memref_slice %arg2[%dma_wait3A_125, %dma_wait3A_131, %dma_wait3A_132] : memref<1024x200x64xf32, #tpu.memory_space<hbm>> -> memref<1x200x64xf32, #tpu.memory_space<hbm>>
        %dma_wait3A_134 = tpu.memref_squeeze %dma_wait3A_133 : memref<1x200x64xf32, #tpu.memory_space<hbm>> -> memref<200x64xf32, #tpu.memory_space<hbm>>
        %dma_wait3A_135 = arith.constant 0 : i32
        %dma_wait3A_136 = arith.constant 0 : i32
        %dma_wait3A_137 = tpu.memref_slice %arg7[%dma_wait3A_126, %dma_wait3A_135, %dma_wait3A_136] : memref<2x200x64xf32, #tpu.memory_space<vmem>> -> memref<1x200x64xf32, #tpu.memory_space<vmem>>
        %dma_wait3A_138 = tpu.memref_squeeze %dma_wait3A_137 : memref<1x200x64xf32, #tpu.memory_space<vmem>> -> memref<200x64xf32, #tpu.memory_space<vmem>>
        %dma_wait3A_139 = arith.constant 0 : i32
        %dma_wait3A_140 = arith.constant 0 : i32
        %dma_wait3A_141 = tpu.memref_slice %arg2[%dma_wait3A_125, %dma_wait3A_139, %dma_wait3A_140] : memref<1024x200x64xf32, #tpu.memory_space<hbm>> -> memref<1x200x64xf32, #tpu.memory_space<hbm>>
        %dma_wait3A_142 = tpu.memref_squeeze %dma_wait3A_141 : memref<1x200x64xf32, #tpu.memory_space<hbm>> -> memref<200x64xf32, #tpu.memory_space<hbm>>
        tpu.wait_dma2 semaphore(%arg13 : memref<!tpu.dma_semaphore, #tpu.memory_space<semaphore_mem>>) src(%dma_wait3A_142 : memref<200x64xf32, #tpu.memory_space<hbm>>) dst(%dma_wait3A_138 : memref<200x64xf32, #tpu.memory_space<vmem>>)
        %jit3A_143 = arith.constant 4 : i32
        %eq3A = arith.constant 0 : i32
        %eq3A_144 = arith.cmpi eq, %jit3A_143, %eq3A : i32
        %jit3A_145 = arith.constant 1 : i32
        %select_n3A_146 = arith.select %eq3A_144, %jit3A_145, %jit3A_143 : i32
        %rem3A_147 = arith.remsi %add3A_73, %select_n3A_146 : i32
        %ne3A_148 = arith.constant 0 : i32
        %ne3A_149 = arith.cmpi ne, %rem3A_147, %ne3A_148 : i32
        %lt3A_150 = arith.constant 0 : i32
        %lt3A_151 = arith.cmpi slt, %rem3A_147, %lt3A_150 : i32
        %lt3A_152 = arith.constant 0 : i32
        %lt3A_153 = arith.cmpi slt, %select_n3A_146, %lt3A_152 : i32
        %ne3A_154 = arith.xori %lt3A_151, %lt3A_153 : i1
        %and3A_155 = arith.andi %ne3A_154, %ne3A_149 : i1
        %add3A_156 = arith.addi %rem3A_147, %select_n3A_146 : i32
        %select_n3A_157 = arith.select %and3A_155, %add3A_156, %rem3A_147 : i32
        %mul3A_158 = arith.constant 2 : i32
        %mul3A_159 = arith.muli %mul3A_158, %min3A_14 : i32
        %add3A_160 = arith.constant 1 : i32
        %add3A_161 = arith.addi %mul3A_159, %add3A_160 : i32
        %run_scoped3A = arith.constant 1 : i32
        %run_scoped3A_162 = arith.constant 0 : i32
        "tpu.region"() ({
          %run_scoped3A_181 = tpu.sem_alloc : memref<!tpu.dma_semaphore, #tpu.memory_space<semaphore_mem>>
          %dma_start3A_182 = arith.constant 0 : i32
          %dma_start3A_183 = arith.constant 0 : i32
          %dma_start3A_184 = tpu.memref_slice %arg7[%run_scoped3A, %dma_start3A_182, %dma_start3A_183] : memref<2x200x64xf32, #tpu.memory_space<vmem>> -> memref<1x200x64xf32, #tpu.memory_space<vmem>>
          %dma_start3A_185 = tpu.memref_squeeze %dma_start3A_184 : memref<1x200x64xf32, #tpu.memory_space<vmem>> -> memref<200x64xf32, #tpu.memory_space<vmem>>
          %dma_start3A_186 = arith.constant 0 : i32
          %dma_start3A_187 = arith.constant 0 : i32
          %dma_start3A_188 = tpu.memref_slice %dma_start3A_185[%dma_start3A_186, %dma_start3A_187] : memref<200x64xf32, #tpu.memory_space<vmem>> -> memref<100x64xf32, #tpu.memory_space<vmem>>
          %dma_start3A_189 = arith.constant 0 : i32
          %dma_start3A_190 = arith.constant 0 : i32
          %dma_start3A_191 = tpu.memref_slice %arg6[%select_n3A_157, %dma_start3A_189, %dma_start3A_190] : memref<4x2x100xi32, #tpu.memory_space<vmem>> -> memref<1x2x100xi32, #tpu.memory_space<vmem>>
          %dma_start3A_192 = tpu.memref_squeeze %dma_start3A_191 : memref<1x2x100xi32, #tpu.memory_space<vmem>> -> memref<2x100xi32, #tpu.memory_space<vmem>>
          %dma_start3A_193 = arith.constant 0 : i32
          %dma_start3A_194 = tpu.memref_slice %dma_start3A_192[%run_scoped3A_162, %dma_start3A_193] : memref<2x100xi32, #tpu.memory_space<vmem>> -> memref<1x100xi32, #tpu.memory_space<vmem>>
          %dma_start3A_195 = tpu.memref_squeeze %dma_start3A_194 : memref<1x100xi32, #tpu.memory_space<vmem>> -> memref<100xi32, #tpu.memory_space<vmem>>
          %dma_start3A_196 = arith.constant 0 : i32
          %dma_start3A_197 = arith.constant 0 : i32
          %dma_start3A_198 = tpu.memref_slice %arg8[%add3A_161, %dma_start3A_196, %dma_start3A_197] : memref<22x1024x64xf32, #tpu.memory_space<vmem_shared>> -> memref<1x1024x64xf32, #tpu.memory_space<vmem_shared>>
          %dma_start3A_199 = tpu.memref_squeeze %dma_start3A_198 : memref<1x1024x64xf32, #tpu.memory_space<vmem_shared>> -> memref<1024x64xf32, #tpu.memory_space<vmem_shared>>
          %dma_start3A_200 = arith.constant 0 : i32
          %dma_start3A_201 = arith.constant 0 : i32
          %dma_start3A_202 = tpu.memref_slice %dma_start3A_199[%dma_start3A_200, %dma_start3A_201] : memref<1024x64xf32, #tpu.memory_space<vmem_shared>> -> memref<1024x64xf32, #tpu.memory_space<vmem_shared>>
          tpu.enqueue_indirect_dma source(%dma_start3A_188 : memref<100x64xf32, #tpu.memory_space<vmem>>) target(%dma_start3A_202 : memref<1024x64xf32, #tpu.memory_space<vmem_shared>>) offsets(%dma_start3A_195 : memref<100xi32, #tpu.memory_space<vmem>>) semaphore(%run_scoped3A_181 : memref<!tpu.dma_semaphore, #tpu.memory_space<semaphore_mem>>) {add = true}
          %dma_wait3A_203 = arith.constant 0 : i32
          %dma_wait3A_204 = arith.constant 0 : i32
          %dma_wait3A_205 = tpu.memref_slice %arg7[%run_scoped3A, %dma_wait3A_203, %dma_wait3A_204] : memref<2x200x64xf32, #tpu.memory_space<vmem>> -> memref<1x200x64xf32, #tpu.memory_space<vmem>>
          %dma_wait3A_206 = tpu.memref_squeeze %dma_wait3A_205 : memref<1x200x64xf32, #tpu.memory_space<vmem>> -> memref<200x64xf32, #tpu.memory_space<vmem>>
          %dma_wait3A_207 = arith.constant 0 : i32
          %dma_wait3A_208 = arith.constant 0 : i32
          %dma_wait3A_209 = tpu.memref_slice %dma_wait3A_206[%dma_wait3A_207, %dma_wait3A_208] : memref<200x64xf32, #tpu.memory_space<vmem>> -> memref<100x64xf32, #tpu.memory_space<vmem>>
          %dma_wait3A_210 = arith.constant 0 : i32
          %dma_wait3A_211 = arith.constant 0 : i32
          %dma_wait3A_212 = tpu.memref_slice %arg6[%select_n3A_157, %dma_wait3A_210, %dma_wait3A_211] : memref<4x2x100xi32, #tpu.memory_space<vmem>> -> memref<1x2x100xi32, #tpu.memory_space<vmem>>
          %dma_wait3A_213 = tpu.memref_squeeze %dma_wait3A_212 : memref<1x2x100xi32, #tpu.memory_space<vmem>> -> memref<2x100xi32, #tpu.memory_space<vmem>>
          %dma_wait3A_214 = arith.constant 0 : i32
          %dma_wait3A_215 = tpu.memref_slice %dma_wait3A_213[%run_scoped3A_162, %dma_wait3A_214] : memref<2x100xi32, #tpu.memory_space<vmem>> -> memref<1x100xi32, #tpu.memory_space<vmem>>
          %dma_wait3A_216 = tpu.memref_squeeze %dma_wait3A_215 : memref<1x100xi32, #tpu.memory_space<vmem>> -> memref<100xi32, #tpu.memory_space<vmem>>
          %dma_wait3A_217 = arith.constant 0 : i32
          %dma_wait3A_218 = arith.constant 0 : i32
          %dma_wait3A_219 = tpu.memref_slice %arg8[%add3A_161, %dma_wait3A_217, %dma_wait3A_218] : memref<22x1024x64xf32, #tpu.memory_space<vmem_shared>> -> memref<1x1024x64xf32, #tpu.memory_space<vmem_shared>>
          %dma_wait3A_220 = tpu.memref_squeeze %dma_wait3A_219 : memref<1x1024x64xf32, #tpu.memory_space<vmem_shared>> -> memref<1024x64xf32, #tpu.memory_space<vmem_shared>>
          %dma_wait3A_221 = arith.constant 0 : i32
          %dma_wait3A_222 = arith.constant 0 : i32
          %dma_wait3A_223 = tpu.memref_slice %dma_wait3A_220[%dma_wait3A_221, %dma_wait3A_222] : memref<1024x64xf32, #tpu.memory_space<vmem_shared>> -> memref<1024x64xf32, #tpu.memory_space<vmem_shared>>
          tpu.wait_indirect_dma semaphore(%run_scoped3A_181 : memref<!tpu.dma_semaphore, #tpu.memory_space<semaphore_mem>>) src(%dma_wait3A_209 : memref<100x64xf32, #tpu.memory_space<vmem>>) dst(%dma_wait3A_223 : memref<1024x64xf32, #tpu.memory_space<vmem_shared>>)
          tpu.yield
        }) : () -> ()
        %mul3A_163 = arith.constant 2 : i32
        %mul3A_164 = arith.muli %mul3A_163, %min3A_14 : i32
        %add3A_165 = arith.constant 1 : i32
        %add3A_166 = arith.addi %mul3A_164, %add3A_165 : i32
        %run_scoped3A_167 = arith.constant 1 : i32
        %run_scoped3A_168 = arith.constant 1 : i32
        "tpu.region"() ({
          %run_scoped3A_181 = tpu.sem_alloc : memref<!tpu.dma_semaphore, #tpu.memory_space<semaphore_mem>>
          %dma_start3A_182 = arith.constant 0 : i32
          %dma_start3A_183 = arith.constant 0 : i32
          %dma_start3A_184 = tpu.memref_slice %arg7[%run_scoped3A_167, %dma_start3A_182, %dma_start3A_183] : memref<2x200x64xf32, #tpu.memory_space<vmem>> -> memref<1x200x64xf32, #tpu.memory_space<vmem>>
          %dma_start3A_185 = tpu.memref_squeeze %dma_start3A_184 : memref<1x200x64xf32, #tpu.memory_space<vmem>> -> memref<200x64xf32, #tpu.memory_space<vmem>>
          %dma_start3A_186 = arith.constant 100 : i32
          %dma_start3A_187 = arith.constant 0 : i32
          %dma_start3A_188 = tpu.memref_slice %dma_start3A_185[%dma_start3A_186, %dma_start3A_187] : memref<200x64xf32, #tpu.memory_space<vmem>> -> memref<100x64xf32, #tpu.memory_space<vmem>>
          %dma_start3A_189 = arith.constant 0 : i32
          %dma_start3A_190 = arith.constant 0 : i32
          %dma_start3A_191 = tpu.memref_slice %arg6[%select_n3A_157, %dma_start3A_189, %dma_start3A_190] : memref<4x2x100xi32, #tpu.memory_space<vmem>> -> memref<1x2x100xi32, #tpu.memory_space<vmem>>
          %dma_start3A_192 = tpu.memref_squeeze %dma_start3A_191 : memref<1x2x100xi32, #tpu.memory_space<vmem>> -> memref<2x100xi32, #tpu.memory_space<vmem>>
          %dma_start3A_193 = arith.constant 0 : i32
          %dma_start3A_194 = tpu.memref_slice %dma_start3A_192[%run_scoped3A_168, %dma_start3A_193] : memref<2x100xi32, #tpu.memory_space<vmem>> -> memref<1x100xi32, #tpu.memory_space<vmem>>
          %dma_start3A_195 = tpu.memref_squeeze %dma_start3A_194 : memref<1x100xi32, #tpu.memory_space<vmem>> -> memref<100xi32, #tpu.memory_space<vmem>>
          %dma_start3A_196 = arith.constant 0 : i32
          %dma_start3A_197 = arith.constant 0 : i32
          %dma_start3A_198 = tpu.memref_slice %arg8[%add3A_166, %dma_start3A_196, %dma_start3A_197] : memref<22x1024x64xf32, #tpu.memory_space<vmem_shared>> -> memref<1x1024x64xf32, #tpu.memory_space<vmem_shared>>
          %dma_start3A_199 = tpu.memref_squeeze %dma_start3A_198 : memref<1x1024x64xf32, #tpu.memory_space<vmem_shared>> -> memref<1024x64xf32, #tpu.memory_space<vmem_shared>>
          %dma_start3A_200 = arith.constant 0 : i32
          %dma_start3A_201 = arith.constant 0 : i32
          %dma_start3A_202 = tpu.memref_slice %dma_start3A_199[%dma_start3A_200, %dma_start3A_201] : memref<1024x64xf32, #tpu.memory_space<vmem_shared>> -> memref<1024x64xf32, #tpu.memory_space<vmem_shared>>
          tpu.enqueue_indirect_dma source(%dma_start3A_188 : memref<100x64xf32, #tpu.memory_space<vmem>>) target(%dma_start3A_202 : memref<1024x64xf32, #tpu.memory_space<vmem_shared>>) offsets(%dma_start3A_195 : memref<100xi32, #tpu.memory_space<vmem>>) semaphore(%run_scoped3A_181 : memref<!tpu.dma_semaphore, #tpu.memory_space<semaphore_mem>>) {add = true}
          %dma_wait3A_203 = arith.constant 0 : i32
          %dma_wait3A_204 = arith.constant 0 : i32
          %dma_wait3A_205 = tpu.memref_slice %arg7[%run_scoped3A_167, %dma_wait3A_203, %dma_wait3A_204] : memref<2x200x64xf32, #tpu.memory_space<vmem>> -> memref<1x200x64xf32, #tpu.memory_space<vmem>>
          %dma_wait3A_206 = tpu.memref_squeeze %dma_wait3A_205 : memref<1x200x64xf32, #tpu.memory_space<vmem>> -> memref<200x64xf32, #tpu.memory_space<vmem>>
          %dma_wait3A_207 = arith.constant 100 : i32
          %dma_wait3A_208 = arith.constant 0 : i32
          %dma_wait3A_209 = tpu.memref_slice %dma_wait3A_206[%dma_wait3A_207, %dma_wait3A_208] : memref<200x64xf32, #tpu.memory_space<vmem>> -> memref<100x64xf32, #tpu.memory_space<vmem>>
          %dma_wait3A_210 = arith.constant 0 : i32
          %dma_wait3A_211 = arith.constant 0 : i32
          %dma_wait3A_212 = tpu.memref_slice %arg6[%select_n3A_157, %dma_wait3A_210, %dma_wait3A_211] : memref<4x2x100xi32, #tpu.memory_space<vmem>> -> memref<1x2x100xi32, #tpu.memory_space<vmem>>
          %dma_wait3A_213 = tpu.memref_squeeze %dma_wait3A_212 : memref<1x2x100xi32, #tpu.memory_space<vmem>> -> memref<2x100xi32, #tpu.memory_space<vmem>>
          %dma_wait3A_214 = arith.constant 0 : i32
          %dma_wait3A_215 = tpu.memref_slice %dma_wait3A_213[%run_scoped3A_168, %dma_wait3A_214] : memref<2x100xi32, #tpu.memory_space<vmem>> -> memref<1x100xi32, #tpu.memory_space<vmem>>
          %dma_wait3A_216 = tpu.memref_squeeze %dma_wait3A_215 : memref<1x100xi32, #tpu.memory_space<vmem>> -> memref<100xi32, #tpu.memory_space<vmem>>
          %dma_wait3A_217 = arith.constant 0 : i32
          %dma_wait3A_218 = arith.constant 0 : i32
          %dma_wait3A_219 = tpu.memref_slice %arg8[%add3A_166, %dma_wait3A_217, %dma_wait3A_218] : memref<22x1024x64xf32, #tpu.memory_space<vmem_shared>> -> memref<1x1024x64xf32, #tpu.memory_space<vmem_shared>>
          %dma_wait3A_220 = tpu.memref_squeeze %dma_wait3A_219 : memref<1x1024x64xf32, #tpu.memory_space<vmem_shared>> -> memref<1024x64xf32, #tpu.memory_space<vmem_shared>>
          %dma_wait3A_221 = arith.constant 0 : i32
          %dma_wait3A_222 = arith.constant 0 : i32
          %dma_wait3A_223 = tpu.memref_slice %dma_wait3A_220[%dma_wait3A_221, %dma_wait3A_222] : memref<1024x64xf32, #tpu.memory_space<vmem_shared>> -> memref<1024x64xf32, #tpu.memory_space<vmem_shared>>
          tpu.wait_indirect_dma semaphore(%run_scoped3A_181 : memref<!tpu.dma_semaphore, #tpu.memory_space<semaphore_mem>>) src(%dma_wait3A_209 : memref<100x64xf32, #tpu.memory_space<vmem>>) dst(%dma_wait3A_223 : memref<1024x64xf32, #tpu.memory_space<vmem_shared>>)
          tpu.yield
        }) : () -> ()
        %add3A_169 = arith.addi %add3A_12, %add3A_73 : i32
        %mul3A_170 = arith.constant 2 : i32
        %mul3A_171 = arith.muli %mul3A_170, %min3A_14 : i32
        %add3A_172 = arith.constant 1 : i32
        %add3A_173 = arith.addi %mul3A_171, %add3A_172 : i32
        %mul3A_174 = arith.constant 1024 : i32
        %mul3A_175 = arith.muli %add3A_169, %mul3A_174 : i32
        %dma_start3A = arith.constant 0 : i32
        %dma_start3A_176 = tpu.memref_slice %arg5[%mul3A_175, %dma_start3A] : memref<1048576x64xf32, #tpu.memory_space<hbm>> -> memref<1024x64xf32, #tpu.memory_space<hbm>>
        %dma_start3A_177 = arith.constant 0 : i32
        %dma_start3A_178 = arith.constant 0 : i32
        %dma_start3A_179 = tpu.memref_slice %arg8[%add3A_173, %dma_start3A_177, %dma_start3A_178] : memref<22x1024x64xf32, #tpu.memory_space<vmem_shared>> -> memref<1x1024x64xf32, #tpu.memory_space<vmem_shared>>
        %dma_start3A_180 = tpu.memref_squeeze %dma_start3A_179 : memref<1x1024x64xf32, #tpu.memory_space<vmem_shared>> -> memref<1024x64xf32, #tpu.memory_space<vmem_shared>>
        tpu.enqueue_dma source(%dma_start3A_180 : memref<1024x64xf32, #tpu.memory_space<vmem_shared>>) target(%dma_start3A_176 : memref<1024x64xf32, #tpu.memory_space<hbm>>) target_semaphore(%arg15 : memref<!tpu.dma_semaphore, #tpu.memory_space<semaphore_mem>>)
      } else {
      }
      %add3A_102 = arith.constant 2 : i32
      %add3A_103 = arith.addi %add3A_73, %add3A_102 : i32
      %lt3A_104 = arith.cmpi slt, %add3A_103, %select_n3A_8 : i32
      %convert_element_type3A_105 = arith.extui %lt3A_104 : i1 to i32
      %cond3A_106 = arith.constant 0 : i32
      %cond3A_107 = arith.cmpi ne, %convert_element_type3A_105, %cond3A_106 : i32
      scf.if %cond3A_107 {
        %add3A_108 = arith.addi %add3A_12, %add3A_103 : i32
        %jit3A_109 = arith.constant 4 : i32
        %eq3A = arith.constant 0 : i32
        %eq3A_110 = arith.cmpi eq, %jit3A_109, %eq3A : i32
        %jit3A_111 = arith.constant 1 : i32
        %select_n3A_112 = arith.select %eq3A_110, %jit3A_111, %jit3A_109 : i32
        %rem3A_113 = arith.remsi %add3A_103, %select_n3A_112 : i32
        %ne3A_114 = arith.constant 0 : i32
        %ne3A_115 = arith.cmpi ne, %rem3A_113, %ne3A_114 : i32
        %lt3A_116 = arith.constant 0 : i32
        %lt3A_117 = arith.cmpi slt, %rem3A_113, %lt3A_116 : i32
        %lt3A_118 = arith.constant 0 : i32
        %lt3A_119 = arith.cmpi slt, %select_n3A_112, %lt3A_118 : i32
        %ne3A_120 = arith.xori %lt3A_117, %lt3A_119 : i1
        %and3A_121 = arith.andi %ne3A_120, %ne3A_115 : i1
        %add3A_122 = arith.addi %rem3A_113, %select_n3A_112 : i32
        %select_n3A_123 = arith.select %and3A_121, %add3A_122, %rem3A_113 : i32
        %dma_start3A = arith.constant 0 : i32
        %dma_start3A_124 = arith.constant 0 : i32
        %dma_start3A_125 = tpu.memref_slice %arg6[%select_n3A_123, %dma_start3A, %dma_start3A_124] : memref<4x2x100xi32, #tpu.memory_space<vmem>> -> memref<1x2x100xi32, #tpu.memory_space<vmem>>
        %dma_start3A_126 = tpu.memref_squeeze %dma_start3A_125 : memref<1x2x100xi32, #tpu.memory_space<vmem>> -> memref<2x100xi32, #tpu.memory_space<vmem>>
        %dma_start3A_127 = arith.constant 0 : i32
        %dma_start3A_128 = arith.constant 0 : i32
        %dma_start3A_129 = tpu.memref_slice %arg3[%add3A_108, %dma_start3A_127, %dma_start3A_128] : memref<1024x2x100xi32, #tpu.memory_space<hbm>> -> memref<1x2x100xi32, #tpu.memory_space<hbm>>
        %dma_start3A_130 = tpu.memref_squeeze %dma_start3A_129 : memref<1x2x100xi32, #tpu.memory_space<hbm>> -> memref<2x100xi32, #tpu.memory_space<hbm>>
        %dma_start3A_131 = arith.constant 0 : i32
        %dma_start3A_132 = arith.constant 0 : i32
        %dma_start3A_133 = tpu.memref_slice %arg6[%select_n3A_123, %dma_start3A_131, %dma_start3A_132] : memref<4x2x100xi32, #tpu.memory_space<vmem>> -> memref<1x2x100xi32, #tpu.memory_space<vmem>>
        %dma_start3A_134 = tpu.memref_squeeze %dma_start3A_133 : memref<1x2x100xi32, #tpu.memory_space<vmem>> -> memref<2x100xi32, #tpu.memory_space<vmem>>
        %dma_start3A_135 = arith.constant 0 : i32
        %dma_start3A_136 = arith.constant 0 : i32
        %dma_start3A_137 = tpu.memref_slice %arg3[%add3A_108, %dma_start3A_135, %dma_start3A_136] : memref<1024x2x100xi32, #tpu.memory_space<hbm>> -> memref<1x2x100xi32, #tpu.memory_space<hbm>>
        %dma_start3A_138 = tpu.memref_squeeze %dma_start3A_137 : memref<1x2x100xi32, #tpu.memory_space<hbm>> -> memref<2x100xi32, #tpu.memory_space<hbm>>
        tpu.enqueue_dma source(%dma_start3A_138 : memref<2x100xi32, #tpu.memory_space<hbm>>) target(%dma_start3A_134 : memref<2x100xi32, #tpu.memory_space<vmem>>) target_semaphore(%arg11 : memref<!tpu.dma_semaphore, #tpu.memory_space<semaphore_mem>>)
        %dma_start3A_139 = arith.constant 1 : i32
        %dma_start3A_140 = arith.constant 0 : i32
        %dma_start3A_141 = arith.constant 0 : i32
        %dma_start3A_142 = tpu.memref_slice %arg7[%dma_start3A_139, %dma_start3A_140, %dma_start3A_141] : memref<2x200x64xf32, #tpu.memory_space<vmem>> -> memref<1x200x64xf32, #tpu.memory_space<vmem>>
        %dma_start3A_143 = tpu.memref_squeeze %dma_start3A_142 : memref<1x200x64xf32, #tpu.memory_space<vmem>> -> memref<200x64xf32, #tpu.memory_space<vmem>>
        %dma_start3A_144 = arith.constant 0 : i32
        %dma_start3A_145 = arith.constant 0 : i32
        %dma_start3A_146 = tpu.memref_slice %arg2[%add3A_108, %dma_start3A_144, %dma_start3A_145] : memref<1024x200x64xf32, #tpu.memory_space<hbm>> -> memref<1x200x64xf32, #tpu.memory_space<hbm>>
        %dma_start3A_147 = tpu.memref_squeeze %dma_start3A_146 : memref<1x200x64xf32, #tpu.memory_space<hbm>> -> memref<200x64xf32, #tpu.memory_space<hbm>>
        %dma_start3A_148 = arith.constant 0 : i32
        %dma_start3A_149 = arith.constant 0 : i32
        %dma_start3A_150 = tpu.memref_slice %arg7[%dma_start3A_139, %dma_start3A_148, %dma_start3A_149] : memref<2x200x64xf32, #tpu.memory_space<vmem>> -> memref<1x200x64xf32, #tpu.memory_space<vmem>>
        %dma_start3A_151 = tpu.memref_squeeze %dma_start3A_150 : memref<1x200x64xf32, #tpu.memory_space<vmem>> -> memref<200x64xf32, #tpu.memory_space<vmem>>
        %dma_start3A_152 = arith.constant 0 : i32
        %dma_start3A_153 = arith.constant 0 : i32
        %dma_start3A_154 = tpu.memref_slice %arg2[%add3A_108, %dma_start3A_152, %dma_start3A_153] : memref<1024x200x64xf32, #tpu.memory_space<hbm>> -> memref<1x200x64xf32, #tpu.memory_space<hbm>>
        %dma_start3A_155 = tpu.memref_squeeze %dma_start3A_154 : memref<1x200x64xf32, #tpu.memory_space<hbm>> -> memref<200x64xf32, #tpu.memory_space<hbm>>
        tpu.enqueue_dma source(%dma_start3A_155 : memref<200x64xf32, #tpu.memory_space<hbm>>) target(%dma_start3A_151 : memref<200x64xf32, #tpu.memory_space<vmem>>) target_semaphore(%arg13 : memref<!tpu.dma_semaphore, #tpu.memory_space<semaphore_mem>>)
      } else {
      }
    }
    %ge3A = arith.constant 1 : i32
    %ge3A_58 = arith.cmpi sge, %select_n3A_8, %ge3A : i32
    %convert_element_type3A_59 = arith.extui %ge3A_58 : i1 to i32
    %cond3A_60 = arith.constant 0 : i32
    %cond3A_61 = arith.cmpi ne, %convert_element_type3A_59, %cond3A_60 : i32
    scf.if %cond3A_61 {
      %mul3A_67 = arith.constant 2 : i32
      %mul3A_68 = arith.muli %mul3A_67, %min3A_14 : i32
      %add3A_69 = arith.constant 0 : i32
      %add3A_70 = arith.addi %mul3A_68, %add3A_69 : i32
      %dma_wait3A = arith.constant 0 : i32
      %dma_wait3A_71 = arith.constant 0 : i32
      %dma_wait3A_72 = tpu.memref_slice %arg5[%dma_wait3A, %dma_wait3A_71] : memref<1048576x64xf32, #tpu.memory_space<hbm>> -> memref<1024x64xf32, #tpu.memory_space<hbm>>
      %dma_wait3A_73 = arith.constant 0 : i32
      %dma_wait3A_74 = arith.constant 0 : i32
      %dma_wait3A_75 = tpu.memref_slice %arg8[%add3A_70, %dma_wait3A_73, %dma_wait3A_74] : memref<22x1024x64xf32, #tpu.memory_space<vmem_shared>> -> memref<1x1024x64xf32, #tpu.memory_space<vmem_shared>>
      %dma_wait3A_76 = tpu.memref_squeeze %dma_wait3A_75 : memref<1x1024x64xf32, #tpu.memory_space<vmem_shared>> -> memref<1024x64xf32, #tpu.memory_space<vmem_shared>>
      tpu.wait_dma2 semaphore(%arg14 : memref<!tpu.dma_semaphore, #tpu.memory_space<semaphore_mem>>) src(%dma_wait3A_76 : memref<1024x64xf32, #tpu.memory_space<vmem_shared>>) dst(%dma_wait3A_72 : memref<1024x64xf32, #tpu.memory_space<hbm>>)
    } else {
    }
    %ge3A_62 = arith.constant 2 : i32
    %ge3A_63 = arith.cmpi sge, %select_n3A_8, %ge3A_62 : i32
    %convert_element_type3A_64 = arith.extui %ge3A_63 : i1 to i32
    %cond3A_65 = arith.constant 0 : i32
    %cond3A_66 = arith.cmpi ne, %convert_element_type3A_64, %cond3A_65 : i32
    scf.if %cond3A_66 {
      %mul3A_67 = arith.constant 2 : i32
      %mul3A_68 = arith.muli %mul3A_67, %min3A_14 : i32
      %add3A_69 = arith.constant 1 : i32
      %add3A_70 = arith.addi %mul3A_68, %add3A_69 : i32
      %dma_wait3A = arith.constant 0 : i32
      %dma_wait3A_71 = arith.constant 0 : i32
      %dma_wait3A_72 = tpu.memref_slice %arg5[%dma_wait3A, %dma_wait3A_71] : memref<1048576x64xf32, #tpu.memory_space<hbm>> -> memref<1024x64xf32, #tpu.memory_space<hbm>>
      %dma_wait3A_73 = arith.constant 0 : i32
      %dma_wait3A_74 = arith.constant 0 : i32
      %dma_wait3A_75 = tpu.memref_slice %arg8[%add3A_70, %dma_wait3A_73, %dma_wait3A_74] : memref<22x1024x64xf32, #tpu.memory_space<vmem_shared>> -> memref<1x1024x64xf32, #tpu.memory_space<vmem_shared>>
      %dma_wait3A_76 = tpu.memref_squeeze %dma_wait3A_75 : memref<1x1024x64xf32, #tpu.memory_space<vmem_shared>> -> memref<1024x64xf32, #tpu.memory_space<vmem_shared>>
      tpu.wait_dma2 semaphore(%arg15 : memref<!tpu.dma_semaphore, #tpu.memory_space<semaphore_mem>>) src(%dma_wait3A_76 : memref<1024x64xf32, #tpu.memory_space<vmem_shared>>) dst(%dma_wait3A_72 : memref<1024x64xf32, #tpu.memory_space<hbm>>)
    } else {
    }
    return
  }
}

</mosaic_0001>

<sc_bundles>
// kernel: kernel.3.cloned.1.call-start
scs
__scs_entry_jumppad:
0x0: {  	(pc) =	sbr.rel $0x88, $3  }
0x1: {  	(tag) =	ssettag $0x0;
	lr =	simm.s32 $0x1  }
0x2: {  	[smem:$0x3F9F] =	sst lr;
	_ =	strace $0xD0000000  }
0x3: {  	_ = 	snop  }
0x4: {  	_ = 	snop  }
0x5: {  	_ = 	snop  }
0x6: {  	_ = 	snop  }
0x7: {  	_ = 	snop  }
__scs_overlays_trampoline_lowered:
0x8: {  	[smem:$0x3FAE] =	sst s0  }
0x9: {  	[smem:$0x3FAF] =	sst s1  }
0xa: {  	[smem:$0x3FB0] =	sst s2  }
0xb: {  	[smem:$0x3FB1] =	sst s3  }
0xc: {  	[smem:$0x3FB2] =	sst s4  }
0xd: {  	[smem:$0x3FB3] =	sst s5  }
0xe: {  	[smem:$0x3FB4] =	sst s6  }
0xf: {  	[smem:$0x3FB5] =	sst s7  }
0x10: {  	[smem:$0x3FB6] =	sst s8  }
0x11: {  	[smem:$0x3FB7] =	sst s9;
	s0 =	simm.s32 @!p0 $0x0  }
0x12: {  	s1 =	sld [smem:$0x3F9D];
	s0 =	simm.s32 @p0 $0x1  }
0x13: {  	[smem:$0x3FB8] =	sst s0;
	s0 =	simm.s32 @!p1 $0x0  }
0x14: {  	s2 =	sld [smem:$0x3F9C];
	s0 =	simm.s32 @p1 $0x1  }
0x15: {  	[smem:$0x3FB9] =	sst s0;
	s0 =	simm.s32 @!p2 $0x0  }
0x16: {  	s3 =	sld [smem:$0x3FDB];
	s0 =	simm.s32 @p2 $0x1  }
0x17: {  	s4 =	simm.s32 $0x1BF5;
	[smem:$0x3FBB] =	sst s0  }
0x18: {  	s0 =	sld [smem:$0x3F9E];
	_ =	swait.ge [sflag:s4], $0x0  }
0x19: {  	s7 =	sld [smem:$0x3F9F]  }
0x1a: {  	s8 =	sadd.s32 $0xFFFFE003, lr  }
0x1b: {  	s9 =	sadd.s32 $0xFFFFFEF7, lr;
	s5 =	simm.s32 $0xFFFFFFFF;
	p2 =	slt.u32 s8, $0xFFFFF086  }
0x1c: {  	p1 =	slt.u32 s9, $0xF7A;
	s5 =	simm.s32 @!p2 $0x0  }
0x1d: {  	s5 =	simm.s32 @p1 $0x1;
	p0 =	seq.s32 s7, s2  }
0x1e: {  	s7 =	smul.u32 @!p0 $0xF7A, s2;
	p2 =	seq.s32 @!p0 s5, $0x0  }
0x1f: {  	s9 =	smul.u32 $0xF7A, s1;
	s8 =	simm.s32 @!p0 $0x1BF5;
	p2 =	por !p2, p0  }
0x20: {  	[sflag:s8] =	ssyncset.s32 @!p0 $0xFFFFF086;
	s6 =	sadd.s32 @!p0 s3, s7;
	s7 =	simm.s32 @!p0 $0x108  }
0x21: {  	s3 =	sadd.s32 s3, s9;
	s6 =	sadd.s32 @!p0 $0x88, s6;
	s7 =	simm.s32 @p2 $0x1082  }
0x22: {  	[simem:s7], [sflag:s8] =	dma.local @!p0 [hbm:s6], $0xF7A  }
0x23: {  	s9 =	sor.u32 $0xD0000000, s2;
	s6 =	simm.s32 $0x108;
	_ =	swait.ge @!p0 [sflag:s8], $0x0  }
0x24: {  	s3 =	sadd.s32 $0x88, s3;
	s6 =	simm.s32 @!p1 $0x1082;
	[sflag:s4] =	ssyncset.s32 $0xFFFFF086  }
0x25: {  	[simem:s6], [sflag:s4] =	dma.local [hbm:s3], $0xF7A  }
0x26: {  	[smem:$0x3F9F] =	sst s1;
	(tag) =	ssettag s2;
	_ =	strace s9  }
0x27: {  	s1 =	sld [smem:$0x3FAF]  }
0x28: {  	s2 =	sld [smem:$0x3FB0]  }
0x29: {  	s4 =	sld [smem:$0x3FB2]  }
0x2a: {  	p0 =	seq.s32 s5, $0x0;
	s5 =	sld [smem:$0x3FB3]  }
0x2b: {  	s6 =	sld [smem:$0x3FB4]  }
0x2c: {  	s7 =	sld [smem:$0x3FB5]  }
0x2d: {  	s3 =	simm.s32 $0x108;
	s8 =	sld [smem:$0x3FB6]  }
0x2e: {  	s3 =	simm.s32 @!p0 $0x1082;
	s9 =	sld [smem:$0x3FB7]  }
0x2f: {  	lr =	sadd.s32 s0, s3;
	s0 =	sld [smem:$0x3FAE]  }
0x30: {  	s3 =	sld [smem:$0x3FB1]  }
0x31: {  	[smem:$0x3FBA] =	sst s10  }
0x32: {  	s10 =	sld [smem:$0x3FB8];
	_ =	sdelay $0x3  }
0x33: {  	p0 =	seq.s32 s10, $0x1;
	s10 =	sld [smem:$0x3FBA];
	_ =	sdelay $0x3  }
0x34: {  	[smem:$0x3FBA] =	sst s10  }
0x35: {  	s10 =	sld [smem:$0x3FB9];
	_ =	sdelay $0x3  }
0x36: {  	p1 =	seq.s32 s10, $0x1;
	s10 =	sld [smem:$0x3FBA];
	_ =	sdelay $0x3  }
0x37: {  	[smem:$0x3FBA] =	sst s10  }
0x38: {  	s10 =	sld [smem:$0x3FBB]  }
0x39: {  	_ = 	snop;
	(pc) =	sbr.ind lr, $3  }
0x3a: {  	_ = 	snop  }
0x3b: {  	_ = 	snop  }
0x3c: {  	p2 =	seq.s32 s10, $0x1;
	s10 =	sld [smem:$0x3FBA]  }
0x3d: {  	_ =	shalt  }
0x3e: {  	_ =	shalt  }
0x3f: {  	_ =	shalt  }
0x40: {  	_ =	shalt  }
0x41: {  	_ =	shalt  }
0x42: {  	_ =	shalt  }
0x43: {  	_ =	shalt  }
0x44: {  	_ =	shalt  }
0x45: {  	_ =	shalt  }
0x46: {  	_ =	shalt  }
0x47: {  	_ =	shalt  }
0x48: {  	_ =	shalt  }
0x49: {  	_ =	shalt  }
0x4a: {  	_ =	shalt  }
0x4b: {  	_ =	shalt  }
0x4c: {  	_ =	shalt  }
0x4d: {  	_ =	shalt  }
0x4e: {  	_ =	shalt  }
0x4f: {  	_ =	shalt  }
0x50: {  	_ =	shalt  }
0x51: {  	_ =	shalt  }
0x52: {  	_ =	shalt  }
0x53: {  	_ =	shalt  }
0x54: {  	_ =	shalt  }
0x55: {  	_ =	shalt  }
0x56: {  	_ =	shalt  }
0x57: {  	_ =	shalt  }
0x58: {  	_ =	shalt  }
0x59: {  	_ =	shalt  }
0x5a: {  	_ =	shalt  }
0x5b: {  	_ =	shalt  }
0x5c: {  	_ =	shalt  }
0x5d: {  	_ =	shalt  }
0x5e: {  	_ =	shalt  }
0x5f: {  	_ =	shalt  }
0x60: {  	_ =	shalt  }
0x61: {  	_ =	shalt  }
0x62: {  	_ =	shalt  }
0x63: {  	_ =	shalt  }
0x64: {  	_ =	shalt  }
0x65: {  	_ =	shalt  }
0x66: {  	_ =	shalt  }
0x67: {  	_ =	shalt  }
0x68: {  	_ =	shalt  }
0x69: {  	_ =	shalt  }
0x6a: {  	_ =	shalt  }
0x6b: {  	_ =	shalt  }
0x6c: {  	_ =	shalt  }
0x6d: {  	_ =	shalt  }
0x6e: {  	_ =	shalt  }
0x6f: {  	_ =	shalt  }
0x70: {  	_ =	shalt  }
0x71: {  	_ =	shalt  }
0x72: {  	_ =	shalt  }
0x73: {  	_ =	shalt  }
0x74: {  	_ =	shalt  }
0x75: {  	_ =	shalt  }
0x76: {  	_ =	shalt  }
0x77: {  	_ =	shalt  }
0x78: {  	_ =	shalt  }
0x79: {  	_ =	shalt  }
0x7a: {  	_ =	shalt  }
0x7b: {  	_ =	shalt  }
0x7c: {  	_ =	shalt  }
0x7d: {  	_ =	shalt  }
0x7e: {  	_ =	shalt  }
0x7f: {  	_ =	shalt  }
0x80: {  	_ =	shalt  }
0x81: {  	_ =	shalt  }
0x82: {  	_ =	shalt  }
0x83: {  	_ =	shalt  }
0x84: {  	_ =	shalt  }
0x85: {  	_ =	shalt  }
0x86: {  	_ =	shalt  }
0x87: {  	_ =	shalt  }
.Lfunc_end0:
.L_simem_size_0:
called_computation.1_lowered:
.L_overlay_start_0:
0x88: {  	s2 =	sld [smem:$0x3FD9]  }
0x89: {  	s3 =	sld [smem:$0x3FFE];
	_ =	sdelay $0x1  }
0x8a: {  	s1 =	srdreg.scid  }
0x8b: {  	s0 =	sand.u32 $0x1, s1  }
0x8c: {  	s17 =	sshll.u32 s0, $0xA;
	s2 =	sadd.s32 s3, s2  }
0x8d: {  	s2 =	sadd.s32 s2, s17  }
0x8e: {  	[smem:$0x3FC6] =	sst s2  }
0x8f: {  	_ = 	snop  }
0x90: {  	s2 =	sld [smem:$0x3FD0];
	(tm) =	ssettm $0x1  }
0x91: {  	s18 =	sld [smem:$0x3FFB];
	_ =	sdelay $0x3  }
0x92: {  	_ =	strace s18  }
0x93: {  	s3 =	sld [smem:$0x3FFC];
	_ =	sdelay $0x3  }
0x94: {  	_ =	strace s3  }
0x95: {  	s3 =	sld [smem:$0x3FFD];
	_ =	sdelay $0x3  }
0x96: {  	_ =	strace s3  }
0x97: {  	_ =	strace $0x8FFFFFFF  }
0x98: {  	s19 =	sld [smem:$0x3FDB];
	_ =	sdelay $0x1  }
0x99: {  	s4 =	simm.s32 $_scs_section_size  }
0x9a: {  	s5 =	simm.s32 $_size__tile_overlayer_lowered;
	s6 =	simm.s32 $_tile_overlayer_lowered  }
0x9b: {  	s22 =	simm.s32 $0x1BFF;
	s21 =	sshll.u32 s6, $0x1;
	s3 =	sadd.s32 s4, s19  }
0x9c: {  	s7 =	simm.s32 $0x0;
	s20 =	sshll.u32 s5, $0x1;
	s5 =	sadd.s32 s21, s3  }
0x9d: {  	[timem:s7], [sflag:s22] =	dma.local [hbm:s5], s20  }
0x9e: {  	_ =	swait.ge [sflag:s22], s20  }
0x9f: {  	s4 =	ssub.s32 $0x0, s20;
	[sflag:s22] =	ssyncset.done $0x0  }
0xa0: {  	[sflag:s22] =	ssyncadd.s32 s4;
	_ =	sdelay $0x1  }
0xa1: {  	s23 =	simm.s32 $0x1B8B  }
0xa2: {  	_ =	swait.ge [sflag:s23], $0x1  }
0xa3: {  	[sflag:s23] =	ssyncset.done $0x0  }
0xa4: {  	s25 =	simm.s32 $0x1B8E;
	s24 =	sld [smem:$0x3FFE];
	[sflag:s23] =	ssyncadd.s32 $0xFFFFFFFF  }
0xa5: {  	s26 =	simm.s32 $execute0_lowered;
	[smem:$0x3FD2] =	sst s25  }
0xa6: {  	s5 =	sshll.u32 s26, $0x1;
	_ =	strace $0x80000046;
	[dreg:$0x1] =	wrdreg $0xFFFFFFFF  }
0xa7: {  	s28 =	simm.s32 $_size_execute0_lowered;
	s3 =	sadd.s32 s3, s5;
	[dreg:$0x0] =	wrdreg $0x0  }
0xa8: {  	s5 =	sshll.u32 s28, $0x1;
	[dreg:$0x2] =	wrdreg s3  }
0xa9: {  	[dreg:$0x3] =	wrdreg s5  }
0xaa: {  	[dreg:$0x4] =	wrdreg $0xC0  }
0xab: {  	_ =	task [dreg:s7], $0x5FFFF  }
0xac: {  	[dreg:$0x1] =	wrdreg $0xFFFFFFFF  }
0xad: {  	[dreg:$0x0] =	wrdreg $0x60  }
0xae: {  	[dreg:$0x2] =	wrdreg s24  }
0xaf: {  	[dreg:$0x3] =	wrdreg s2  }
0xb0: {  	[dreg:$0x4] =	wrdreg $0x67400  }
0xb1: {  	[dreg:$0x5] =	wrdreg $0x9  }
0xb2: {  	_ =	task.clear_ibuf [dreg:s7], $0x6FFFF;
	_ =	strace $0x90000046  }
0xb3: {  	s29 =	simm.s32 $0x9;
	_ =	strace $0x80000048  }
0xb4: {  	_ =	swait.ge [sflag:s29], $0x1  }
0xb5: {  	[sflag:s29] =	ssyncadd.s32 $0xFFFFFFFF  }
0xb6: {  	_ =	strace $0x90000048  }
0xb7: {  	_ =	sfence  }
0xb8: {  	s30 =	sld [smem:$0x0];
	_ =	sdelay $0x2  }
0xb9: {  	s31 =	sshll.u32 s1, $0xD;
	s1 =	sshrl.u32 s1, $0x2  }
0xba: {  	s3 =	sand.u32 $0x4000, s31;
	s1 =	sadd.s32 s1, s30  }
0xbb: {  	s0 =	sor.u32 s3, s0;
	s1 =	sshll.u32 s1, $0x11  }
0xbc: {  	s0 =	sor.u32 s1, s0  }
0xbd: {  	s0 =	sadd.s32 $0x8F2B, s0  }
0xbe: {  	[sflag:s0] =	ssyncadd.remote.s32 $0x1  }
0xbf: {  	_ =	sfence.sel $0xFFFF  }
0xc0: {  	[dreg:$0x0] =	wrdreg $0xFFFFFFFF;
	(pc) =	sbr.abs _section_cstart, $3  }
0xc1: {  	[dreg:$0x1] =	wrdreg $0xFFFFFFFF  }
0xc2: {  	_ =	task.clear_ibuf [dreg:s7], $0x2FFFF;
	_ =	strace $0x9FFFFFFF  }
0xc3: {  	(tm) =	ssettm $0x7FFFFFFF  }
tec
execute0_lowered:
.L_overlay_start_1:
0x0: {  	(tag) =	ssettag $0x1  }
0x1: {  	s0 =	rddreg [dreg:$0x0]  }
0x2: {  	s6 =	rddreg [dreg:$0x1]  }
0x3: {  	s5 =	rddreg [dreg:$0x2];
	s1 =	simm.s32 $0x0;
	s2 =	srdreg.scid  }
0x4: {  	s31 =	simm.s32 $0x0;
	[smem:$0x7FF] =	sst s1;
	s7 =	sand.u32 $0x1, s2  }
0x5: {  	s9 =	sadd.s32 $0x7000, s0;
	s10 =	sadd.s32 $0x800, s0;
	s2 =	stileid.u32  }
0x6: {  	s3 =	sadd.s32 $0x197000, s0;
	_ =	strace $0x80000047;
	s4 =	ssub.s32 $0x2, s7  }
0x7: {  	s20 =	sshll.u32 s2, $0x1;
	p0 =	slt.u32 s2, $0xB;
	s24 =	smul.u32 $0x5C, s2  }
0x8: {  	p1 =	slt.u32 s2, $0x6;
	s12 =	smin.u32 s2, $0xA;
	s30 =	smul.u32 $0x23F00, s2  }
0x9: {  	s8 =	sshrl.u32 s4, $0x1;
	s21 =	sor.u32 s7, s20;
	s22 =	sshll.u32 s12, $0x11  }
0xa: {  	s20 =	smul.u32 $0x2E, s7;
	s0 =	ssub.s32 s4, s8;
	s4 =	simm.s32 $0x2F  }
0xb: {  	s11 =	smul.u32 $0x2E, s21;
	s13 =	smin.u32 s21, $0xC;
	s5 =	sadd.s32 s22, s5  }
0xc: {  	s4 =	simm.s32 @!p1 $0x2E;
	s14 =	sadd.s32 $0x2000, s5;
	s15 =	sadd.s32 $0x4000, s5  }
0xd: {  	s16 =	sadd.s32 $0x6000, s5;
	s17 =	sadd.s32 $0x8000, s5;
	s18 =	sadd.s32 $0xA000, s5  }
0xe: {  	s19 =	sadd.s32 $0xC000, s5;
	s21 =	sadd.s32 $0xE000, s5;
	s22 =	sadd.s32 $0x12000, s5  }
0xf: {  	s25 =	sadd.s32 s20, s24;
	s24 =	smul.u32 $0x11F80, s7;
	s20 =	sadd.s32 $0x14000, s5  }
0x10: {  	s7 =	smul.u32 $0x4AC, s7;
	p1 =	sgt.u32 s2, $0xA;
	s14 =	sshrl.u32 s14, $0x3  }
0x11: {  	s4 =	simm.s32 @!p0 $0x0;
	s15 =	sshrl.u32 s15, $0x3;
	[dreg:$0x5] =	wrdreg s14  }
0x12: {  	s11 =	sadd.s32 s13, s11;
	s16 =	sshrl.u32 s16, $0x3;
	[dreg:$0x6] =	wrdreg s15  }
0x13: {  	s8 =	sadd.s32 s13, s25;
	s17 =	sshrl.u32 s17, $0x3;
	[dreg:$0x7] =	wrdreg s16  }
0x14: {  	s25 =	sadd.s32 s30, s9;
	s18 =	sshrl.u32 s18, $0x3;
	[dreg:$0x8] =	wrdreg s17  }
0x15: {  	s30 =	smul.u32 $0x958, s2;
	s19 =	sshrl.u32 s19, $0x3;
	[dreg:$0x9] =	wrdreg s18  }
0x16: {  	s21 =	sshrl.u32 s21, $0x3;
	s22 =	sshrl.u32 s22, $0x3;
	[dreg:$0xa] =	wrdreg s19  }
0x17: {  	s23 =	smul.u32 $0x640, s11;
	s8 =	sshll.u32 s8, $0xD;
	[dreg:$0xb] =	wrdreg s21  }
0x18: {  	s11 =	smul.u32 $0x1A, s11;
	[dreg:$0xc] =	wrdreg s22;
	s8 =	sadd.s32 s8, s6  }
0x19: {  	s6 =	sadd.s32 s24, s25;
	s24 =	sadd.s32 $0x16000, s5;
	s25 =	sadd.s32 s30, s10  }
0x1a: {  	s30 =	sadd.s32 $0x18000, s5;
	s29 =	sadd.s32 s9, s23;
	s23 =	sadd.s32 $0x1, s4  }
0x1b: {  	s28 =	sadd.s32 s10, s11;
	s7 =	sadd.s32 s7, s25;
	s10 =	sadd.s32 $0x1C000, s5  }
0x1c: {  	s25 =	sadd.s32 $0x1E000, s5;
	s9 =	smax.u32 s0, $0x1;
	s30 =	sshrl.u32 s30, $0x3  }
0x1d: {  	s0 =	simm.s32 $0x7;
	s26 =	sand.u32 $0x3E, s23;
	s12 =	sshrl.u32 s23, $0x1  }
0x1e: {  	s23 =	sshrl.u32 s20, $0x3;
	[dreg:$0xf] =	wrdreg s30;
	s25 =	sshrl.u32 s25, $0x3  }
0x1f: {  	s22 =	smov.u32 s28;
	s28 =	sadd.s32 $0x1A, s28;
	s21 =	smov.u32 s29  }
0x20: {  	s29 =	sadd.s32 $0x640, s29;
	[dreg:$0x4] =	wrdreg s26;
	s26 =	smul.u32 $0x640, s13  }
.Ltmp0:
0x21: {  	p0 =	seq.s32 s12, $0x0;
	[dreg:$0xd] =	wrdreg s23;
	(pc) =	sbr.rel .LBB2_1-.Ltmp0, $4  }
0x22: {  	s6 =	sadd.s32 s26, s6;
	s26 =	smul.u32 $0x1A, s13;
	s13 =	sadd.s32 $0x1A000, s5  }
0x23: {  	s12 =	sadd.s32 $0xC80, s6;
	s23 =	sshrl.u32 s13, $0x3;
	s13 =	sadd.s32 $0x2000, s8  }
0x24: {  	s7 =	sadd.s32 s26, s7;
	s26 =	sshrl.u32 s24, $0x3;
	s24 =	sshrl.u32 s10, $0x3  }
0x25: {  	s6 =	sadd.s32 $0x34, s7;
	[dreg:$0xe] =	wrdreg s26;
	s26 =	sadd.s32 $0x10000, s5  }
.LBB2_5:
0x26: {  	s7 =	simm.s32 @!p1 $0x5;
	s31 =	sadd.s32 $0x1, s31  }
0x27: {  	_ =	swait.ge @!p1 [sflag:s7], $0x2000;
	p2 =	sne.s32 s31, s9  }
.Ltmp1:
0x28: {  	[sflag:s7] =	ssyncset.done @!p1 $0x0;
	(pc) =	sbr.rel @!p2 .LBB2_6-.Ltmp1, $4  }
0x29: {  	[sflag:s7] =	ssyncadd.s32 @!p1 $0xFFFFE000;
	s7 =	simm.s32 @!p1 $0x6  }
0x2a: {  	_ =	swait.ge @!p1 [sflag:s7], $0x2000  }
0x2b: {  	[sflag:s7] =	ssyncset.done @!p1 $0x0  }
0x2c: {  	[sflag:s7] =	ssyncadd.s32 @!p1 $0xFFFFE000  }
.LBB2_1:
.Ltmp2:
0x2d: {  	(pc) =	sbr.rel @p1 .LBB2_3-.Ltmp2, $1  }
0x2e: {  	_ =	sdelay $0x3  }
0x2f: {  	s7 =	simm.s32 $0x1C740  }
0x30: {  	[tilespmem:s7], [sflag:$0x7] =	stream.linear.gather [hbm4b:s3+s1], $0x1900, $0x38;
	[tilespmem:$0x1E040] =	vst v63  }
0x31: {  	_ =	swait.ge [sflag:s0], $0x1900  }
0x32: {  	s15 =	sshll.u32 s2, $0x6;
	[sflag:s0] =	ssyncset.done $0x0  }
0x33: {  	s10 =	sshrl.u32 s5, $0x3;
	s7 =	sor.u32 $0x1C07, s15;
	[sflag:s0] =	ssyncadd.s32 $0xFFFFE700  }
0x34: {  	[spmem:s10], [sflag:s7] =	dma.local [hbm:s3], $0x400  }
0x35: {  	_ =	swait.ge [sflag:s0], $0x400  }
0x36: {  	[sflag:s0] =	ssyncset.done $0x0  }
0x37: {  	s16 =	rddreg [dreg:$0x5];
	[sflag:s0] =	ssyncadd.s32 $0xFFFFFC00  }
0x38: {  	[spmem:s16], [sflag:s7] =	dma.local [hbm:s3], $0x400  }
0x39: {  	_ =	swait.ge [sflag:s0], $0x400  }
0x3a: {  	[sflag:s0] =	ssyncset.done $0x0  }
0x3b: {  	s17 =	rddreg [dreg:$0x6];
	[sflag:s0] =	ssyncadd.s32 $0xFFFFFC00  }
0x3c: {  	[spmem:s17], [sflag:s7] =	dma.local [hbm:s3], $0x400  }
0x3d: {  	_ =	swait.ge [sflag:s0], $0x400  }
0x3e: {  	[sflag:s0] =	ssyncset.done $0x0  }
0x3f: {  	s18 =	rddreg [dreg:$0x7];
	[sflag:s0] =	ssyncadd.s32 $0xFFFFFC00  }
0x40: {  	[spmem:s18], [sflag:s7] =	dma.local [hbm:s3], $0x400  }
0x41: {  	_ =	swait.ge [sflag:s0], $0x400  }
0x42: {  	[sflag:s0] =	ssyncset.done $0x0  }
0x43: {  	s19 =	rddreg [dreg:$0x8];
	[sflag:s0] =	ssyncadd.s32 $0xFFFFFC00  }
0x44: {  	[spmem:s19], [sflag:s7] =	dma.local [hbm:s3], $0x400  }
0x45: {  	_ =	swait.ge [sflag:s0], $0x400  }
0x46: {  	[sflag:s0] =	ssyncset.done $0x0  }
0x47: {  	s20 =	rddreg [dreg:$0x9];
	[sflag:s0] =	ssyncadd.s32 $0xFFFFFC00  }
0x48: {  	[spmem:s20], [sflag:s7] =	dma.local [hbm:s3], $0x400  }
0x49: {  	_ =	swait.ge [sflag:s0], $0x400  }
0x4a: {  	[sflag:s0] =	ssyncset.done $0x0  }
0x4b: {  	s30 =	rddreg [dreg:$0xa];
	[sflag:s0] =	ssyncadd.s32 $0xFFFFFC00  }
0x4c: {  	[spmem:s30], [sflag:s7] =	dma.local [hbm:s3], $0x400  }
0x4d: {  	_ =	swait.ge [sflag:s0], $0x400  }
0x4e: {  	[sflag:s0] =	ssyncset.done $0x0  }
0x4f: {  	s11 =	rddreg [dreg:$0xb];
	[sflag:s0] =	ssyncadd.s32 $0xFFFFFC00  }
0x50: {  	[spmem:s11], [sflag:s7] =	dma.local [hbm:s3], $0x400  }
0x51: {  	_ =	swait.ge [sflag:s0], $0x400  }
0x52: {  	[sflag:s0] =	ssyncset.done $0x0  }
0x53: {  	s14 =	sshrl.u32 s26, $0x3;
	[sflag:s0] =	ssyncadd.s32 $0xFFFFFC00  }
0x54: {  	[spmem:s14], [sflag:s7] =	dma.local [hbm:s3], $0x400  }
0x55: {  	_ =	swait.ge [sflag:s0], $0x400  }
0x56: {  	[sflag:s0] =	ssyncset.done $0x0  }
0x57: {  	s15 =	rddreg [dreg:$0xc];
	[sflag:s0] =	ssyncadd.s32 $0xFFFFFC00  }
0x58: {  	[spmem:s15], [sflag:s7] =	dma.local [hbm:s3], $0x400  }
0x59: {  	_ =	swait.ge [sflag:s0], $0x400  }
0x5a: {  	[sflag:s0] =	ssyncset.done $0x0  }
0x5b: {  	s16 =	rddreg [dreg:$0xd];
	[sflag:s0] =	ssyncadd.s32 $0xFFFFFC00  }
0x5c: {  	[spmem:s16], [sflag:s7] =	dma.local [hbm:s3], $0x400  }
0x5d: {  	_ =	swait.ge [sflag:s0], $0x400  }
0x5e: {  	[sflag:s0] =	ssyncset.done $0x0  }
0x5f: {  	s17 =	rddreg [dreg:$0xe];
	[sflag:s0] =	ssyncadd.s32 $0xFFFFFC00  }
0x60: {  	[spmem:s17], [sflag:s7] =	dma.local [hbm:s3], $0x400  }
0x61: {  	_ =	swait.ge [sflag:s0], $0x400  }
0x62: {  	[sflag:s0] =	ssyncset.done $0x0  }
0x63: {  	s18 =	rddreg [dreg:$0xf];
	[sflag:s0] =	ssyncadd.s32 $0xFFFFFC00  }
0x64: {  	[spmem:s18], [sflag:s7] =	dma.local [hbm:s3], $0x400  }
0x65: {  	_ =	swait.ge [sflag:s0], $0x400  }
0x66: {  	[sflag:s0] =	ssyncset.done $0x0  }
0x67: {  	[sflag:s0] =	ssyncadd.s32 $0xFFFFFC00  }
0x68: {  	[spmem:s23], [sflag:s7] =	dma.local [hbm:s3], $0x400  }
0x69: {  	_ =	swait.ge [sflag:s0], $0x400  }
0x6a: {  	[sflag:s0] =	ssyncset.done $0x0  }
0x6b: {  	[sflag:s0] =	ssyncadd.s32 $0xFFFFFC00  }
0x6c: {  	[spmem:s24], [sflag:s7] =	dma.local [hbm:s3], $0x400  }
0x6d: {  	_ =	swait.ge [sflag:s0], $0x400  }
0x6e: {  	[sflag:s0] =	ssyncset.done $0x0  }
0x6f: {  	[sflag:s0] =	ssyncadd.s32 $0xFFFFFC00  }
0x70: {  	[spmem:s25], [sflag:s7] =	dma.local [hbm:s3], $0x400  }
0x71: {  	_ =	swait.ge [sflag:s0], $0x400  }
0x72: {  	[sflag:s0] =	ssyncset.done $0x0  }
0x73: {  	[sflag:s0] =	ssyncadd.s32 $0xFFFFFC00  }
0x74: {  	[tilespmem:s1], [sflag:$0x1] =	stream.linear.gather [hbm4b:s22+s1], $0xD0, $0x38;
	[tilespmem:$0x1E040] =	vst v63  }
0x75: {  	s19 =	simm.s32 $0x340  }
0x76: {  	[tilespmem:s19], [sflag:$0x3] =	stream.linear.gather [hbm4b:s21+s1], $0x3200, $0x38;
	[tilespmem:$0x1E040] =	vst v63  }
0x77: {  	s20 =	simm.s32 $0xD0  }
0x78: {  	[tilespmem:s20], [sflag:$0x2] =	stream.linear.gather [hbm4b:s28+s1], $0xD0, $0x38;
	[tilespmem:$0x1E040] =	vst v63  }
0x79: {  	s30 =	simm.s32 $0x3540  }
0x7a: {  	[tilespmem:s30], [sflag:$0x4] =	stream.linear.gather [hbm4b:s29+s1], $0x3200, $0x38;
	[tilespmem:$0x1E040] =	vst v63  }
.LBB2_3:
.Ltmp3:
0x7b: {  	(pc) =	sbr.rel @p0 .LBB2_5-.Ltmp3, $3  }
0x7c: {  	_ =	sdelay $0x1  }
0x7d: {  	s14 =	simm.s32 $0x0;
	s11 =	smov.u32 s6  }
0x7e: {  	s10 =	smov.u32 s12;
	s30 =	smov.u32 s13;
	s7 =	smov.u32 s8  }
.LBB2_4:
0x7f: {  	p2 =	seq.s32 s14, $0x0  }
0x80: {  	p3 =	sge.u32 @!p2 s14, s4  }
0x81: {  	p4 =	por p3, p2  }
0x82: {  	s16 =	sxor.u32 @!p4 $0xFFFFFFFF, s14  }
0x83: {  	s15 =	simm.s32 @!p4 $0x5;
	s16 =	sand.u32 @!p4 $0x2, s16  }
0x84: {  	_ =	swait.ge @!p4 [sflag:s15], $0x2000;
	s16 =	smul.u32 @!p4 $0x340, s16  }
0x85: {  	s17 =	simm.s32 @!p4 $0x1C740;
	s18 =	simm.s32 @!p4 $0x7;
	[sflag:s15] =	ssyncset.done @!p4 $0x0  }
0x86: {  	[sflag:s15] =	ssyncadd.s32 @!p4 $0xFFFFE000;
	s15 =	sshrl.u32 @!p4 s16, $0x2;
	s16 =	simm.s32 @!p4 $0x64  }
0x87: {  	[spmem:s5] =	stream.indirect.scatter @!p4 [tilespmem:s17], [sflag:$0x7], $0x40, s15, s16, $0xb8;
	[tilespmem:$0x1E040] =	vst v63  }
0x88: {  	_ =	swait.ge @!p4 [sflag:s18], $0x1900  }
0x89: {  	[sflag:s18] =	ssyncset.done @!p4 $0x0  }
0x8a: {  	s15 =	sadd.s32 @!p4 $0x68, s15;
	[sflag:s18] =	ssyncadd.s32 @!p4 $0xFFFFE700  }
0x8b: {  	[spmem:s5] =	stream.indirect.scatter @!p4 [tilespmem:s17], [sflag:$0x7], $0x40, s15, s16, $0xb8;
	[tilespmem:$0x1E040] =	vst v63  }
0x8c: {  	_ =	swait.ge @!p4 [sflag:s18], $0x1900  }
0x8d: {  	p3 =	sge.u32 s14, s4;
	[sflag:s18] =	ssyncset.done @!p4 $0x0  }
0x8e: {  	s15 =	simm.s32 @!p3 $0x1;
	[sflag:s18] =	ssyncadd.s32 @!p4 $0xFFFFE700  }
0x8f: {  	_ =	swait.ge @!p3 [sflag:s15], $0xD0  }
0x90: {  	[sflag:s15] =	ssyncset.done @!p3 $0x0  }
0x91: {  	s16 =	sand.u32 @!p3 $0x2, s14;
	[sflag:s15] =	ssyncadd.s32 @!p3 $0xFFFFFF30;
	s15 =	simm.s32 @!p3 $0x3  }
0x92: {  	s16 =	smul.u32 @!p3 $0x340, s16;
	_ =	swait.ge @!p3 [sflag:s15], $0x3200  }
0x93: {  	s17 =	simm.s32 @!p3 $0x340;
	[sflag:s15] =	ssyncset.done @!p3 $0x0  }
0x94: {  	[sflag:s15] =	ssyncadd.s32 @!p3 $0xFFFFCE00;
	s15 =	sshrl.u32 @!p3 s16, $0x2;
	s16 =	simm.s32 @!p3 $0x64  }
0x95: {  	[spmem:s5] =	stream.indirect.scatter.add.f32 @!p3 [tilespmem:s17], [sflag:$0x7], $0x40, s15, s16, $0xb8;
	[tilespmem:$0x1E040] =	vst v63  }
0x96: {  	s17 =	simm.s32 @!p3 $0x7  }
0x97: {  	_ =	swait.ge @!p3 [sflag:s17], $0x1900  }
0x98: {  	[sflag:s17] =	ssyncset.done @!p3 $0x0  }
0x99: {  	s18 =	simm.s32 @!p3 $0x1C40;
	s15 =	sadd.s32 @!p3 $0x68, s15;
	[sflag:s17] =	ssyncadd.s32 @!p3 $0xFFFFE700  }
0x9a: {  	[spmem:s5] =	stream.indirect.scatter.add.f32 @!p3 [tilespmem:s18], [sflag:$0x7], $0x40, s15, s16, $0xb8;
	[tilespmem:$0x1E040] =	vst v63  }
0x9b: {  	s15 =	sadd.s32 $0x2, s14;
	_ =	swait.ge @!p3 [sflag:s17], $0x1900  }
0x9c: {  	p4 =	sge.u32 s15, s4;
	[sflag:s17] =	ssyncset.done @!p3 $0x0  }
0x9d: {  	s16 =	sshll.u32 @!p3 s2, $0x6;
	[sflag:s17] =	ssyncadd.s32 @!p3 $0xFFFFE700;
	s17 =	sand.u32 @!p4 $0x2, s15  }
0x9e: {  	s18 =	sshrl.u32 @!p3 s5, $0x3;
	s16 =	sor.u32 @!p3 $0x1C05, s16;
	s17 =	smul.u32 @!p4 $0x340, s17  }
0x9f: {  	[hbm:s7], [sflag:s16] =	dma.local @!p3 [spmem:s18], $0x2000  }
0xa0: {  	s16 =	sshrl.u32 @!p4 s17, $0x2;
	s17 =	simm.s32 @!p4 $0x0  }
0xa1: {  	[tilespmem:s16], [sflag:$0x1] =	stream.linear.gather @!p4 [hbm4b:s11+s17], $0xD0, $0x38;
	[tilespmem:$0x1E040] =	vst v63  }
0xa2: {  	s16 =	sadd.s32 $0x1, s14  }
0xa3: {  	s18 =	simm.s32 @!p4 $0x340;
	p3 =	sge.u32 @!p2 s16, s4  }
0xa4: {  	[tilespmem:s18], [sflag:$0x3] =	stream.linear.gather @!p4 [hbm4b:s10+s17], $0x3200, $0x38;
	[tilespmem:$0x1E040] =	vst v63  }
0xa5: {  	p3 =	por p3, p2  }
0xa6: {  	s18 =	sadd.s32 @!p3 $0xFFFFFFFF, s14  }
0xa7: {  	s17 =	simm.s32 @!p3 $0x6;
	s18 =	sand.u32 @!p3 $0x3, s18  }
0xa8: {  	_ =	swait.ge @!p3 [sflag:s17], $0x2000;
	s18 =	smul.u32 @!p3 $0x340, s18  }
0xa9: {  	s19 =	simm.s32 @!p3 $0x1C740;
	s20 =	simm.s32 @!p3 $0x7;
	[sflag:s17] =	ssyncset.done @!p3 $0x0  }
0xaa: {  	[sflag:s17] =	ssyncadd.s32 @!p3 $0xFFFFE000;
	s17 =	sshrl.u32 @!p3 s18, $0x2;
	s18 =	simm.s32 @!p3 $0x64  }
0xab: {  	[spmem:s26] =	stream.indirect.scatter @!p3 [tilespmem:s19], [sflag:$0x7], $0x40, s17, s18, $0xb8;
	[tilespmem:$0x1E040] =	vst v63  }
0xac: {  	_ =	swait.ge @!p3 [sflag:s20], $0x1900  }
0xad: {  	[sflag:s20] =	ssyncset.done @!p3 $0x0  }
0xae: {  	s17 =	sadd.s32 @!p3 $0x68, s17;
	[sflag:s20] =	ssyncadd.s32 @!p3 $0xFFFFE700  }
0xaf: {  	[spmem:s26] =	stream.indirect.scatter @!p3 [tilespmem:s19], [sflag:$0x7], $0x40, s17, s18, $0xb8;
	[tilespmem:$0x1E040] =	vst v63  }
0xb0: {  	_ =	swait.ge @!p3 [sflag:s20], $0x1900  }
0xb1: {  	p2 =	sge.u32 s16, s4;
	[sflag:s20] =	ssyncset.done @!p3 $0x0  }
0xb2: {  	s17 =	simm.s32 @!p2 $0x2;
	[sflag:s20] =	ssyncadd.s32 @!p3 $0xFFFFE700  }
0xb3: {  	_ =	swait.ge @!p2 [sflag:s17], $0xD0  }
0xb4: {  	s16 =	sand.u32 @!p2 $0x3, s16;
	[sflag:s17] =	ssyncset.done @!p2 $0x0  }
0xb5: {  	s16 =	smul.u32 @!p2 $0x340, s16;
	[sflag:s17] =	ssyncadd.s32 @!p2 $0xFFFFFF30;
	s17 =	simm.s32 @!p2 $0x4  }
0xb6: {  	_ =	swait.ge @!p2 [sflag:s17], $0x3200  }
0xb7: {  	s16 =	sshrl.u32 @!p2 s16, $0x2;
	[sflag:s17] =	ssyncset.done @!p2 $0x0  }
0xb8: {  	s18 =	simm.s32 @!p2 $0x3540;
	[sflag:s17] =	ssyncadd.s32 @!p2 $0xFFFFCE00;
	s17 =	simm.s32 @!p2 $0x64  }
0xb9: {  	[spmem:s26] =	stream.indirect.scatter.add.f32 @!p2 [tilespmem:s18], [sflag:$0x7], $0x40, s16, s17, $0xb8;
	[tilespmem:$0x1E040] =	vst v63  }
0xba: {  	s18 =	simm.s32 @!p2 $0x7  }
0xbb: {  	_ =	swait.ge @!p2 [sflag:s18], $0x1900  }
0xbc: {  	s14 =	sadd.s32 $0x3, s14;
	s19 =	simm.s32 @!p2 $0x4E40;
	[sflag:s18] =	ssyncset.done @!p2 $0x0  }
0xbd: {  	p3 =	sge.u32 s14, s4;
	s16 =	sadd.s32 @!p2 $0x68, s16;
	[sflag:s18] =	ssyncadd.s32 @!p2 $0xFFFFE700  }
0xbe: {  	[spmem:s26] =	stream.indirect.scatter.add.f32 @!p2 [tilespmem:s19], [sflag:$0x7], $0x40, s16, s17, $0xb8;
	[tilespmem:$0x1E040] =	vst v63  }
0xbf: {  	s14 =	sand.u32 @!p3 $0x3, s14;
	_ =	swait.ge @!p2 [sflag:s18], $0x1900  }
0xc0: {  	s14 =	smul.u32 @!p3 $0x340, s14;
	s16 =	sshll.u32 @!p2 s2, $0x6;
	[sflag:s18] =	ssyncset.done @!p2 $0x0  }
0xc1: {  	s17 =	sshrl.u32 @!p2 s26, $0x3;
	s16 =	sor.u32 @!p2 $0x1C06, s16;
	[sflag:s18] =	ssyncadd.s32 @!p2 $0xFFFFE700  }
0xc2: {  	[hbm:s30], [sflag:s16] =	dma.local @!p2 [spmem:s17], $0x2000  }
0xc3: {  	s20 =	rddreg [dreg:$0x4]  }
0xc4: {  	s7 =	sadd.s32 $0x4000, s7;
	s14 =	sshrl.u32 @!p3 s14, $0x2;
	p2 =	sne.s32 s20, s15  }
.Ltmp4:
0xc5: {  	s18 =	simm.s32 @!p3 $0x3540;
	s16 =	sadd.s32 @!p3 $0x1A, s11;
	(pc) =	sbr.rel @p2 .LBB2_4-.Ltmp4, $4  }
0xc6: {  	s17 =	simm.s32 @!p3 $0x0;
	s30 =	sadd.s32 $0x4000, s30;
	s11 =	sadd.s32 $0x34, s11  }
0xc7: {  	[tilespmem:s14], [sflag:$0x2] =	stream.linear.gather @!p3 [hbm4b:s16+s17], $0xD0, $0x38;
	[tilespmem:$0x1E040] =	vst v63  }
0xc8: {  	s16 =	sadd.s32 @!p3 $0x640, s10;
	s10 =	sadd.s32 $0xC80, s10;
	s14 =	smov.u32 s15  }
0xc9: {  	[tilespmem:s18], [sflag:$0x4] =	stream.linear.gather @!p3 [hbm4b:s16+s17], $0x3200, $0x38;
	[tilespmem:$0x1E040] =	vst v63  }
.Ltmp5:
0xca: {  	_ = 	snop;
	(pc) =	sbr.rel .LBB2_5-.Ltmp5, $1  }
0xcb: {  	_ =	sdelay $0x3  }
.LBB2_6:
0xcc: {  	_ =	sfence.sel $0x180000  }
0xcd: {  	[bflag:$0x0] =	sbarrier.arrive $0xFFFF  }
0xce: {  	_ =	strace $0x90000047  }
0xcf: {  	[bflag:$0x2] =	sbarrier.arrive $0xFFFF  }
0xd0: {  	p0 =	sne.s32 s2, $0x0;
	s0 =	rddreg [dreg:$0x3]  }
0xd1: {  	s0 =	sadd.s32 @!p0 $0x100000, s0  }
0xd2: {  	[sflag:s0] =	ssyncadd.tile.s32 @!p0 $0x1;
	_ =	shalt  }
.Lfunc_end2:
_tile_overlayer_lowered:
.L_overlay_start_2:
0xd3: {  	(tag) =	ssettag $0x2  }
0xd4: {  	s0 =	rddreg [dreg:$0x0];
	s2 =	stileid.u32  }
0xd5: {  	s1 =	rddreg [dreg:$0x1];
	p0 =	sne.s32 s2, $0x0  }
0xd6: {  	s3 =	rddreg [dreg:$0x2];
	[bflag:$0x3] =	sbarrier.arrive $0xFFFF;
	s2 =	simm.s32 @!p0 $0x1C07  }
0xd7: {  	[timem:s3], [sflag:s2] =	dma.local @!p0 [hbm:s0], s1  }
0xd8: {  	s0 =	simm.s32 @!p0 $0x7  }
0xd9: {  	_ =	swait.ge @!p0 [sflag:s0], s1  }
0xda: {  	s1 =	ssub.s32 @!p0 $0x0, s1;
	[sflag:s0] =	ssyncset.done @!p0 $0x0  }
0xdb: {  	[sflag:s0] =	ssyncadd.s32 @!p0 s1  }
0xdc: {  	[bflag:$0x3] =	sbarrier.arrive $0xFFFF  }
0xdd: {  	_ =	shalt  }

// kernel: sparse-core-data-format-call.cloned.1.call-start
scs
called_computation_lowered:
.L_overlay_start_0:
0x0: {  	s2 =	sld [smem:$0x3FD9]  }
0x1: {  	s3 =	sld [smem:$0x3FFE];
	_ =	sdelay $0x1  }
0x2: {  	s1 =	srdreg.scid  }
0x3: {  	s0 =	sand.u32 $0x1, s1  }
0x4: {  	s18 =	sshll.u32 s0, $0xA;
	s2 =	sadd.s32 s3, s2  }
0x5: {  	s2 =	sadd.s32 s2, s18  }
0x6: {  	[smem:$0x3FC6] =	sst s2  }
0x7: {  	_ = 	snop  }
0x8: {  	s2 =	sld [smem:$0x3FD0];
	(tm) =	ssettm $0x1  }
0x9: {  	s19 =	sld [smem:$0x3FFB];
	_ =	sdelay $0x3  }
0xa: {  	_ =	strace s19  }
0xb: {  	s3 =	sld [smem:$0x3FFC];
	_ =	sdelay $0x3  }
0xc: {  	_ =	strace s3  }
0xd: {  	s3 =	sld [smem:$0x3FFD];
	_ =	sdelay $0x3  }
0xe: {  	_ =	strace s3  }
0xf: {  	_ =	strace $0x8FFFFFFF  }
0x10: {  	s20 =	sld [smem:$0x3FDB];
	_ =	sdelay $0x1  }
0x11: {  	s4 =	simm.s32 $_scs_section_size  }
0x12: {  	s5 =	simm.s32 $_size__tile_overlayer_lowered;
	s6 =	simm.s32 $_tile_overlayer_lowered  }
0x13: {  	s23 =	simm.s32 $0x1BFF;
	s22 =	sshll.u32 s6, $0x1;
	s3 =	sadd.s32 s4, s20  }
0x14: {  	s7 =	simm.s32 $0x0;
	s21 =	sshll.u32 s5, $0x1;
	s5 =	sadd.s32 s22, s3  }
0x15: {  	[timem:s7], [sflag:s23] =	dma.local [hbm:s5], s21  }
0x16: {  	_ =	swait.ge [sflag:s23], s21  }
0x17: {  	s4 =	ssub.s32 $0x0, s21;
	[sflag:s23] =	ssyncset.done $0x0  }
0x18: {  	[sflag:s23] =	ssyncadd.s32 s4;
	_ =	sdelay $0x1  }
0x19: {  	s24 =	simm.s32 $0x1B8B  }
0x1a: {  	_ =	swait.ge [sflag:s24], $0x1  }
0x1b: {  	[sflag:s24] =	ssyncset.done $0x0  }
0x1c: {  	s26 =	simm.s32 $0x1B8E;
	s25 =	sld [smem:$0x3FFE];
	[sflag:s24] =	ssyncadd.s32 $0xFFFFFFFF  }
0x1d: {  	s27 =	simm.s32 $execute0_lowered;
	[smem:$0x3FD2] =	sst s26  }
0x1e: {  	s5 =	sshll.u32 s27, $0x1;
	_ =	strace $0x80000049;
	[dreg:$0x1] =	wrdreg $0xFFFFFFFF  }
0x1f: {  	s28 =	simm.s32 $_size_execute0_lowered;
	s3 =	sadd.s32 s3, s5;
	[dreg:$0x0] =	wrdreg $0x0  }
0x20: {  	s5 =	sshll.u32 s28, $0x1;
	[dreg:$0x2] =	wrdreg s3  }
0x21: {  	[dreg:$0x3] =	wrdreg s5  }
0x22: {  	[dreg:$0x4] =	wrdreg $0xC0  }
0x23: {  	_ =	task [dreg:s7], $0x5FFFF  }
0x24: {  	[dreg:$0x1] =	wrdreg $0xFFFFFFFF  }
0x25: {  	[dreg:$0x0] =	wrdreg $0x60  }
0x26: {  	[dreg:$0x2] =	wrdreg s25  }
0x27: {  	[dreg:$0x3] =	wrdreg s2  }
0x28: {  	[dreg:$0x4] =	wrdreg $0x9  }
0x29: {  	_ =	task.clear_ibuf [dreg:s7], $0x5FFFF;
	_ =	strace $0x90000049  }
0x2a: {  	s29 =	simm.s32 $0x9;
	_ =	strace $0x8000004B  }
0x2b: {  	_ =	swait.ge [sflag:s29], $0x1  }
0x2c: {  	[sflag:s29] =	ssyncadd.s32 $0xFFFFFFFF  }
0x2d: {  	_ =	strace $0x9000004B  }
0x2e: {  	_ =	sfence  }
0x2f: {  	s30 =	sld [smem:$0x0];
	_ =	sdelay $0x2  }
0x30: {  	s31 =	sshll.u32 s1, $0xD;
	s1 =	sshrl.u32 s1, $0x2  }
0x31: {  	s3 =	sand.u32 $0x4000, s31;
	s1 =	sadd.s32 s1, s30  }
0x32: {  	s0 =	sor.u32 s3, s0;
	s1 =	sshll.u32 s1, $0x11  }
0x33: {  	s0 =	sor.u32 s1, s0  }
0x34: {  	s0 =	sadd.s32 $0x8F2B, s0  }
0x35: {  	[sflag:s0] =	ssyncadd.remote.s32 $0x1  }
0x36: {  	_ =	sfence.sel $0xFFFF  }
0x37: {  	[dreg:$0x0] =	wrdreg $0xFFFFFFFF;
	(pc) =	sbr.abs _section_cstart, $3  }
0x38: {  	[dreg:$0x1] =	wrdreg $0xFFFFFFFF  }
0x39: {  	_ =	task.clear_ibuf [dreg:s7], $0x2FFFF;
	_ =	strace $0x9FFFFFFF  }
0x3a: {  	(tm) =	ssettm $0x7FFFFFFF  }
0x3b: {  	_ =	shalt  }
tec
execute0_lowered:
.L_overlay_start_1:
0x0: {  	(tag) =	ssettag $0x1  }
0x1: {  	s4 =	rddreg [dreg:$0x0]  }
0x2: {  	s0 =	stileid.u32;
	s2 =	rddreg [dreg:$0x1]  }
0x3: {  	s1 =	rddreg [dreg:$0x2];
	_ =	strace $0x8000004A;
	s5 =	srdreg.scid  }
0x4: {  	s31 =	simm.s32 $0x2;
	s14 =	simm.s32 $0x0;
	s9 =	simm.s32 $0x2000  }
0x5: {  	s16 =	simm.s32 $0x0;
	s15 =	simm.s32 $0x0;
	s3 =	sshll.u32 s0, $0x7  }
0x6: {  	s10 =	simm.s32 $0x0;
	s5 =	sshll.u32 s5, $0x4;
	s3 =	sand.u32 $0x380, s3  }
0x7: {  	s13 =	simm.s32 $0x0;
	s5 =	sand.u32 $0x10, s5;
	s6 =	ssub.s32 $0x400, s3  }
0x8: {  	s4 =	sadd.s32 $0x800, s4;
	s5 =	sor.u32 s0, s5;
	s7 =	sand.u32 $0x380, s6  }
.Ltmp0:
0x9: {  	p0 =	sne.s32 s7, $0x0;
	s7 =	simm.s32 $0x1;
	(pc) =	sbr.rel .LBB1_1-.Ltmp0, $4  }
0xa: {  	s12 =	smov.u32 s3;
	s8 =	sshrl.u32 s6, $0xA;
	s7 =	simm.s32 @!p0 $0x0  }
0xb: {  	s5 =	sshrl.u32 s5, $0x3;
	s6 =	simm.s32 $0x1;
	s7 =	sadd.s32 s7, s8  }
0xc: {  	[sflag:s6] =	ssyncpa.u1 $0x0;
	s11 =	smov.u32 s5;
	s7 =	sshll.u32 s7, $0x8  }
0xd: {  	[sflag:s31] =	ssyncpa.u1 $0x0;
	p0 =	por $0x0, $0x0;
	s8 =	sor.u32 $0x1, s7  }
.LBB1_4:
0xe: {  	s19 =	sand.u32 $0x1F80, s15  }
0xf: {  	s16 =	sshll.u32 s16, $0x12;
	s20 =	sshrl.u32 s15, $0x3;
	s19 =	sadd.s32 s2, s19  }
0x10: {  	[tilespmem:s18+$0x810 ss:$0x81] =	vst.msk $0xffff, v2;
	s31 =	sand.u32 $0x7, s15;
	s20 =	sand.u32 $0xF, s20;
	s16 =	sadd.s32 s16, s19  }
0x11: {  	[tilespmem:s18+$0x1020 ss:$0x81] =	vst.msk $0xffff, v0;
	s14 =	sshll.u32 s14, $0xD;
	s15 =	sshll.u32 s31, $0x12;
	s16 =	sadd.s32 s20, s16  }
0x12: {  	[tilespmem:s18+$0x0 ss:$0x81] =	vst.msk $0xffff, v1;
	s15 =	sor.u32 $0x400, s15;
	s14 =	sadd.s32 s14, s16  }
0x13: {  	[hbm4b:s14+s15] =	stream.strided.scatter [tilespmem:s17], [sflag:$0x2], $0x2000, s9, s15, $0x20;
	[tilespmem:$0x8080] =	vst v63  }
.LBB1_5:
0x14: {  	s17 =	sadd.s32 $0x1, s10  }
0x15: {  	s14 =	sadd.s32 $0x4, s11;
	s18 =	smov.u32 s11;
	p2 =	sgt.s32 s17, $0x1F  }
0x16: {  	s18 =	smov.u32 @p2 s14  }
0x17: {  	s20 =	smov.u32 s12;
	s14 =	sadd.s32 $0x400, s12;
	p3 =	sgt.s32 s18, $0x1F  }
0x18: {  	s20 =	smov.u32 @p3 s14  }
0x19: {  	s17 =	simm.s32 @p2 $0x0;
	p2 =	sgt.s32 s20, $0x3FF  }
0x1a: {  	p1 =	slt.u32 s13, $0x2;
	s20 =	smov.u32 @p2 s3;
	p2 =	sne.s32 s13, s8  }
.Ltmp1:
0x1b: {  	s19 =	simm.s32 @!p1 $0x2;
	(pc) =	sbr.rel @!p2 .LBB1_6-.Ltmp1, $4  }
0x1c: {  	s16 =	smov.u32 s11;
	s15 =	smov.u32 s12;
	_ =	swait.ge @!p1 [sflag:s19], $0x2000  }
0x1d: {  	p0 =	por !p0, !p0;
	[sflag:s19] =	ssyncset.done @!p1 $0x0;
	s18 =	smov.u32 @p3 s5  }
0x1e: {  	s14 =	smov.u32 s10;
	[sflag:s19] =	ssyncadd.s32 @!p1 $0xFFFFE000;
	s10 =	smov.u32 s17  }
0x1f: {  	s11 =	smov.u32 s18;
	s13 =	sadd.s32 $0x1, s13;
	s12 =	smov.u32 s20  }
.LBB1_1:
0x20: {  	p1 =	sge.u32 s13, s7;
	s31 =	sadd.s32 $0xFFFFFFFF, s13  }
0x21: {  	s17 =	sxor.u32 @!p1 $0xFFFFFFFF, s13;
	s18 =	sshll.u32 @!p1 s12, $0xE;
	s19 =	sshll.u32 @!p1 s11, $0x9  }
0x22: {  	s20 =	sshll.u32 @!p1 s10, $0x4;
	s17 =	sshll.u32 @!p1 s17, $0xD;
	s18 =	sadd.s32 @!p1 s4, s18  }
0x23: {  	s20 =	sand.u32 @!p1 $0x1F0, s20;
	s17 =	sand.u32 @!p1 $0x2000, s17;
	s18 =	sadd.s32 @!p1 s19, s18  }
0x24: {  	s19 =	simm.s32 @!p1 $0x40;
	s18 =	sadd.s32 @!p1 s20, s18;
	s20 =	simm.s32 @!p1 $0x20000  }
0x25: {  	[tilespmem:s17], [sflag:$0x1] =	stream.strided.gather @!p1 [hbm4b:s18+s19], $0x2000, s20, s19, $0x38;
	[tilespmem:$0x8080] =	vst v63  }
0x26: {  	p1 =	sge.u32 s31, s7  }
.Ltmp2:
0x27: {  	_ = 	snop;
	(pc) =	sbr.rel @p1 .LBB1_5-.Ltmp2, $1  }
0x28: {  	_ =	sdelay $0x3  }
0x29: {  	s17 =	simm.s32 $0x1  }
0x2a: {  	_ =	swait.ge [sflag:s6], $0x2000;
	s17 =	simm.s32 @!p0 $0x0  }
0x2b: {  	[sflag:s6] =	ssyncset.done $0x0;
	s18 =	sshll.u32 s17, $0xD  }
0x2c: {  	[sflag:s6] =	ssyncadd.s32 $0xFFFFE000;
	s21 =	sor.u32 $0x20, s18  }
0x2d: {  	s17 =	smul.u32 $0x8100, s17;
	v3 =	vld [tilespmem:s21+$0x10]  }
0x2e: {  	s30 =	sand.u32 $0x1, s13;
	v2 =	vld [tilespmem:s21+$0xFFFFFFF0]  }
0x2f: {  	s18 =	smul.u32 $0x8100, s30;
	s17 =	sshrl.u32 s17, $0x2;
	v0 =	vld [tilespmem:s21+$0x0]  }
0x30: {  	v1 =	vld [tilespmem:s21+$0xFFFFFFE0];
	s19 =	sor.u32 $0x4000, s17  }
0x31: {  	s31 =	sshrl.u32 s18, $0x2;
	s18 =	sadd.s32 $0x0, s19  }
0x32: {  	s20 =	simm.s32 $0x4;
	s21 =	sadd.s32 $0x40, s21;
	s17 =	sor.u32 $0x4000, s31;
	[tilespmem:s18+$0x1830 ss:$0x81] =	vst.msk $0xffff, v3  }
.LBB1_3:
0x33: {  	v3 =	vld [tilespmem:s21+$0x10];
	p1 =	sne.s32 s20, $0x1FC;
	[tilespmem:s18+$0x810 ss:$0x81] =	vst.msk $0xffff, v2;
	s22 =	smov.u32 s20;
	s20 =	sadd.s32 $0x4, s20  }
.Ltmp3:
0x34: {  	v2 =	vld [tilespmem:s21+$0xFFFFFFF0];
	[tilespmem:s18+$0x1020 ss:$0x81] =	vst.msk $0xffff, v0;
	(pc) =	sbr.rel @p1 .LBB1_3-.Ltmp3, $4  }
0x35: {  	v0 =	vld [tilespmem:s21+$0x0];
	[tilespmem:s18+$0x0 ss:$0x81] =	vst.msk $0xffff, v1  }
0x36: {  	s18 =	sshra.s32 s22, $0x2;
	v1 =	vld [tilespmem:s21+$0xFFFFFFE0]  }
0x37: {  	s18 =	sadd.s32 s18, s19  }
0x38: {  	s21 =	sadd.s32 $0x40, s21;
	[tilespmem:s18+$0x1830 ss:$0x81] =	vst.msk $0xffff, v3  }
.Ltmp4:
0x39: {  	_ = 	snop;
	(pc) =	sbr.rel .LBB1_4-.Ltmp4, $1  }
0x3a: {  	_ =	sdelay $0x3  }
.LBB1_6:
0x3b: {  	_ =	sfence.sel $0x180000  }
0x3c: {  	s2 =	simm.s32 $0x1;
	[bflag:$0x0] =	sbarrier.arrive $0xFFFF  }
0x3d: {  	s31 =	simm.s32 $0x2;
	[sflag:s2] =	ssyncpa.u1 $0x1  }
0x3e: {  	[sflag:s31] =	ssyncpa.u1 $0x1  }
0x3f: {  	p0 =	sne.s32 s0, $0x0;
	_ =	strace $0x9000004A  }
0x40: {  	s0 =	sadd.s32 @!p0 $0x100000, s1;
	[bflag:$0x2] =	sbarrier.arrive $0xFFFF  }
0x41: {  	[sflag:s0] =	ssyncadd.tile.s32 @!p0 $0x1;
	_ =	shalt  }
.Lfunc_end1:
_tile_overlayer_lowered:
.L_overlay_start_2:
0x42: {  	(tag) =	ssettag $0x2  }
0x43: {  	s0 =	rddreg [dreg:$0x0];
	s2 =	stileid.u32  }
0x44: {  	s1 =	rddreg [dreg:$0x1];
	p0 =	sne.s32 s2, $0x0  }
0x45: {  	s3 =	rddreg [dreg:$0x2];
	[bflag:$0x3] =	sbarrier.arrive $0xFFFF;
	s2 =	simm.s32 @!p0 $0x1C01  }
0x46: {  	[timem:s3], [sflag:s2] =	dma.local @!p0 [hbm:s0], s1  }
0x47: {  	s0 =	simm.s32 @!p0 $0x1  }
0x48: {  	_ =	swait.ge @!p0 [sflag:s0], s1  }
0x49: {  	s1 =	ssub.s32 @!p0 $0x0, s1;
	[sflag:s0] =	ssyncset.done @!p0 $0x0  }
0x4a: {  	[sflag:s0] =	ssyncadd.s32 @!p0 s1  }
0x4b: {  	[bflag:$0x3] =	sbarrier.arrive $0xFFFF  }
0x4c: {  	_ =	shalt  }

</sc_bundles>
